<compile_context>
chip_gen: v7x
topology: tpu7x:2x2x1
jax: 0.10.2.dev20260603
libtpu: 0.0.44.dev20260713+nightly
codegen_flags: <defaults>
</compile_context>

<pallas_src>
import functools
import math

import jax
import jax.numpy as jnp
from jax import lax
from jax.experimental import pallas as pl
from jax.experimental.pallas import tpu as pltpu
from jax.experimental.pallas import tpu_sc as plsc

D_MODEL = 64
SCALE = math.sqrt(D_MODEL)
SEQ = 50
PADW = 128
LANES = 16

NUM_CORES = 2
NUM_SUBCORES = 16
NUM_WORKERS = NUM_CORES * NUM_SUBCORES

BATCHES = 16384
BATCH_PER_WORKER = BATCHES // NUM_WORKERS
NB = 4
STEPS = BATCH_PER_WORKER // NB
CHUNK = NB * SEQ


def _emb_kernel(idx_hbm, lut_hbm, out_hbm, idx0, idx1, rows0, rows1, nar0,
                nar1, gsem0, gsem1, osem0, osem1, isem0, isem1):
    wid = lax.axis_index("s") * NUM_CORES + lax.axis_index("c")
    b0 = wid * BATCH_PER_WORKER

    def stage_idx(idxbuf, sem, s):
        return pltpu.make_async_copy(
            idx_hbm.at[pl.ds(b0 + s * NB, NB)], idxbuf, sem)

    def gathers(idxbuf, buf, sem):
        return [
            pltpu.make_async_copy(lut_hbm.at[idxbuf.at[t, pl.ds(0, SEQ)]],
                                  buf.at[pl.ds(t * SEQ, SEQ)], sem)
            for t in range(NB)
        ]

    def scatters(nbuf, sem, s):
        return [
            pltpu.make_async_copy(nbuf.at[pl.ds(t * SEQ, SEQ)],
                                  out_hbm.at[b0 + s * NB + t], sem)
            for t in range(NB)
        ]

    def scale_block(buf, nbuf, t):
        def body(r, c):
            for dr in range(2):
                for q in range(D_MODEL // LANES):
                    sl = pl.ds(q * LANES, LANES)
                    nbuf[t * SEQ + r * 2 + dr, sl] = (
                        buf[t * SEQ + r * 2 + dr, sl] * SCALE)
            return c

        lax.fori_loop(0, SEQ // 2, body, 0)

    def scatter_one(nbuf, sem, s, t):
        return pltpu.make_async_copy(nbuf.at[pl.ds(t * SEQ, SEQ)],
                                     out_hbm.at[b0 + s * NB + t], sem)

    def scale_scatter(buf, nbuf, sem, s):
        for t in range(NB):
            scale_block(buf, nbuf, t)
            scatter_one(nbuf, sem, s, t).start()

    stage_idx(idx0, isem0, 0).start()
    stage_idx(idx0, isem0, 0).wait()
    stage_idx(idx1, isem1, 1).start()
    for cp in gathers(idx0, rows0, gsem0):
        cp.start()

    def step(i, carry):
        @pl.when(i > 0)
        def _():
            for cp in scatters(nar1, osem1, 2 * i - 1):
                cp.wait()

        stage_idx(idx1, isem1, 2 * i + 1).wait()
        for cp in gathers(idx1, rows1, gsem1):
            cp.start()
        for cp in gathers(idx0, rows0, gsem0):
            cp.wait()

        @pl.when(i < STEPS // 2 - 1)
        def _():
            stage_idx(idx0, isem0, 2 * i + 2).start()

        scale_scatter(rows0, nar0, osem0, 2 * i)

        for cp in scatters(nar0, osem0, 2 * i):
            cp.wait()

        @pl.when(i < STEPS // 2 - 1)
        def _():
            stage_idx(idx0, isem0, 2 * i + 2).wait()
            for cp in gathers(idx0, rows0, gsem0):
                cp.start()

        for cp in gathers(idx1, rows1, gsem1):
            cp.wait()

        @pl.when(i < STEPS // 2 - 1)
        def _():
            stage_idx(idx1, isem1, 2 * i + 3).start()

        scale_scatter(rows1, nar1, osem1, 2 * i + 1)
        return carry

    lax.fori_loop(0, STEPS // 2, step, 0)
    for cp in scatters(nar1, osem1, STEPS - 1):
        cp.wait()


@jax.jit
def kernel(x, lut):
    idx = jnp.pad(x.astype(jnp.int32), ((0, 0), (0, PADW - SEQ)))
    lut_p = jnp.pad(lut, ((0, 0), (0, PADW - D_MODEL)))
    mesh = plsc.VectorSubcoreMesh(core_axis_name="c", subcore_axis_name="s")
    run = functools.partial(
        pl.kernel,
        mesh=mesh,
        out_type=jax.ShapeDtypeStruct((BATCHES, SEQ, D_MODEL), jnp.float32),
        scratch_types=[
            pltpu.VMEM((NB, PADW), jnp.int32),
            pltpu.VMEM((NB, PADW), jnp.int32),
            pltpu.VMEM((CHUNK, PADW), jnp.float32),
            pltpu.VMEM((CHUNK, PADW), jnp.float32),
            pltpu.VMEM((CHUNK, D_MODEL), jnp.float32),
            pltpu.VMEM((CHUNK, D_MODEL), jnp.float32),
            pltpu.SemaphoreType.DMA,
            pltpu.SemaphoreType.DMA,
            pltpu.SemaphoreType.DMA,
            pltpu.SemaphoreType.DMA,
            pltpu.SemaphoreType.DMA,
            pltpu.SemaphoreType.DMA,
        ],
        compiler_params=pltpu.CompilerParams(use_tc_tiling_on_sc=True),
    )(_emb_kernel)
    return run(idx, lut_p)

# --- scband reference (transcript-rebuilt; emitter-appended) ---
"""Pipeline reference for scband-embeddings-68143951119020 (READ-ONLY COPY).

The authoritative reference and input builder live on the scoring server;
editing this copy changes nothing except your own understanding.
"""

import jax, jax.numpy as jnp
import numpy as np
import math

D_MODEL = 64
VOCAB = 1000000

def setup_inputs(seed: int = 0) -> dict:
    key = jax.random.key(seed)
    k1, k2 = jax.random.split(key)
    x = jax.random.randint(k1, (16384, 50), 0, VOCAB, dtype=jnp.int64)
    lut = jax.random.normal(k2, (VOCAB, D_MODEL), dtype=jnp.float32)
    return {"x": x, "lut": lut}

def reference(x, lut):
    emb = jnp.take(lut, x, axis=0)
    return emb * math.sqrt(D_MODEL)

if __name__ == "__main__":
    import jax
    _d = setup_inputs()
    print(jax.jit(kernel)(*tuple(_d.values())))

</pallas_src>

<mosaic_0001>
#map = affine_map<(d0, d1) -> (0, 0)>
#map1 = affine_map<(d0, d1) -> (0, 0, 0)>
module attributes {stable_mosaic.version = 14 : i64} {
  func.func @_emb_kernel(%arg0: i32, %arg1: i32, %arg2: memref<16384x128xi32, #tpu.memory_space<hbm>>, %arg3: memref<1000000x128xf32, #tpu.memory_space<hbm>>, %arg4: memref<16384x50x64xf32, #tpu.memory_space<hbm>>, %arg5: memref<4x128xi32, #tpu.memory_space<vmem>>, %arg6: memref<4x128xi32, #tpu.memory_space<vmem>>, %arg7: memref<200x128xf32, #tpu.memory_space<vmem>>, %arg8: memref<200x128xf32, #tpu.memory_space<vmem>>, %arg9: memref<200x64xf32, #tpu.memory_space<vmem>>, %arg10: memref<200x64xf32, #tpu.memory_space<vmem>>, %arg11: memref<!tpu.dma_semaphore, #tpu.memory_space<semaphore_mem>>, %arg12: memref<!tpu.dma_semaphore, #tpu.memory_space<semaphore_mem>>, %arg13: memref<!tpu.dma_semaphore, #tpu.memory_space<semaphore_mem>>, %arg14: memref<!tpu.dma_semaphore, #tpu.memory_space<semaphore_mem>>, %arg15: memref<!tpu.dma_semaphore, #tpu.memory_space<semaphore_mem>>, %arg16: memref<!tpu.dma_semaphore, #tpu.memory_space<semaphore_mem>>) attributes {dimension_semantics = [#tpu.dimension_semantics<core_parallel>, #tpu.dimension_semantics<subcore_parallel>], iteration_bounds = array<i64: 2, 16>, scalar_prefetch = 0 : i64, scratch_operands = 12 : i64, tpu.core_type = #tpu.core_type<sc_vector_subcore>, window_params = [{transform_indices = #map}, {transform_indices = #map}, {transform_indices = #map1}]} {
    %mul3A = arith.constant 2 : i32
    %mul3A_0 = arith.muli %arg1, %mul3A : i32
    %add3A = arith.addi %mul3A_0, %arg0 : i32
    %mul3A_1 = arith.constant 512 : i32
    %mul3A_2 = arith.muli %add3A, %mul3A_1 : i32
    %add3A_3 = arith.constant 0 : i32
    %add3A_4 = arith.addi %mul3A_2, %add3A_3 : i32
    %dma_start3A = arith.constant 0 : i32
    %dma_start3A_5 = tpu.memref_slice %arg2[%add3A_4, %dma_start3A] : memref<16384x128xi32, #tpu.memory_space<hbm>> -> memref<4x128xi32, #tpu.memory_space<hbm>>
    %dma_start3A_6 = arith.constant 0 : i32
    %dma_start3A_7 = tpu.memref_slice %arg2[%add3A_4, %dma_start3A_6] : memref<16384x128xi32, #tpu.memory_space<hbm>> -> memref<4x128xi32, #tpu.memory_space<hbm>>
    tpu.enqueue_dma source(%dma_start3A_7 : memref<4x128xi32, #tpu.memory_space<hbm>>) target(%arg5 : memref<4x128xi32, #tpu.memory_space<vmem>>) target_semaphore(%arg15 : memref<!tpu.dma_semaphore, #tpu.memory_space<semaphore_mem>>)
    %add3A_8 = arith.constant 0 : i32
    %add3A_9 = arith.addi %mul3A_2, %add3A_8 : i32
    %dma_wait3A = arith.constant 0 : i32
    %dma_wait3A_10 = tpu.memref_slice %arg2[%add3A_9, %dma_wait3A] : memref<16384x128xi32, #tpu.memory_space<hbm>> -> memref<4x128xi32, #tpu.memory_space<hbm>>
    %dma_wait3A_11 = arith.constant 0 : i32
    %dma_wait3A_12 = tpu.memref_slice %arg2[%add3A_9, %dma_wait3A_11] : memref<16384x128xi32, #tpu.memory_space<hbm>> -> memref<4x128xi32, #tpu.memory_space<hbm>>
    tpu.wait_dma2 semaphore(%arg15 : memref<!tpu.dma_semaphore, #tpu.memory_space<semaphore_mem>>) src(%dma_wait3A_12 : memref<4x128xi32, #tpu.memory_space<hbm>>) dst(%arg5 : memref<4x128xi32, #tpu.memory_space<vmem>>)
    %add3A_13 = arith.constant 4 : i32
    %add3A_14 = arith.addi %mul3A_2, %add3A_13 : i32
    %dma_start3A_15 = arith.constant 0 : i32
    %dma_start3A_16 = tpu.memref_slice %arg2[%add3A_14, %dma_start3A_15] : memref<16384x128xi32, #tpu.memory_space<hbm>> -> memref<4x128xi32, #tpu.memory_space<hbm>>
    %dma_start3A_17 = arith.constant 0 : i32
    %dma_start3A_18 = tpu.memref_slice %arg2[%add3A_14, %dma_start3A_17] : memref<16384x128xi32, #tpu.memory_space<hbm>> -> memref<4x128xi32, #tpu.memory_space<hbm>>
    tpu.enqueue_dma source(%dma_start3A_18 : memref<4x128xi32, #tpu.memory_space<hbm>>) target(%arg6 : memref<4x128xi32, #tpu.memory_space<vmem>>) target_semaphore(%arg16 : memref<!tpu.dma_semaphore, #tpu.memory_space<semaphore_mem>>)
    %dma_start3A_19 = arith.constant 0 : i32
    %dma_start3A_20 = arith.constant 0 : i32
    %dma_start3A_21 = arith.constant 0 : i32
    %dma_start3A_22 = tpu.memref_slice %arg7[%dma_start3A_20, %dma_start3A_21] : memref<200x128xf32, #tpu.memory_space<vmem>> -> memref<50x128xf32, #tpu.memory_space<vmem>>
    %dma_start3A_23 = arith.constant 0 : i32
    %dma_start3A_24 = tpu.memref_slice %arg5[%dma_start3A_19, %dma_start3A_23] : memref<4x128xi32, #tpu.memory_space<vmem>> -> memref<1x50xi32, #tpu.memory_space<vmem>>
    %dma_start3A_25 = tpu.memref_squeeze %dma_start3A_24 : memref<1x50xi32, #tpu.memory_space<vmem>> -> memref<50xi32, #tpu.memory_space<vmem>>
    %dma_start3A_26 = arith.constant 0 : i32
    %dma_start3A_27 = arith.constant 0 : i32
    %dma_start3A_28 = tpu.memref_slice %arg3[%dma_start3A_26, %dma_start3A_27] : memref<1000000x128xf32, #tpu.memory_space<hbm>> -> memref<1000000x128xf32, #tpu.memory_space<hbm>>
    tpu.enqueue_indirect_dma source(%dma_start3A_28 : memref<1000000x128xf32, #tpu.memory_space<hbm>>) target(%dma_start3A_22 : memref<50x128xf32, #tpu.memory_space<vmem>>) offsets(%dma_start3A_25 : memref<50xi32, #tpu.memory_space<vmem>>) semaphore(%arg11 : memref<!tpu.dma_semaphore, #tpu.memory_space<semaphore_mem>>)
    %dma_start3A_29 = arith.constant 1 : i32
    %dma_start3A_30 = arith.constant 50 : i32
    %dma_start3A_31 = arith.constant 0 : i32
    %dma_start3A_32 = tpu.memref_slice %arg7[%dma_start3A_30, %dma_start3A_31] : memref<200x128xf32, #tpu.memory_space<vmem>> -> memref<50x128xf32, #tpu.memory_space<vmem>>
    %dma_start3A_33 = arith.constant 0 : i32
    %dma_start3A_34 = tpu.memref_slice %arg5[%dma_start3A_29, %dma_start3A_33] : memref<4x128xi32, #tpu.memory_space<vmem>> -> memref<1x50xi32, #tpu.memory_space<vmem>>
    %dma_start3A_35 = tpu.memref_squeeze %dma_start3A_34 : memref<1x50xi32, #tpu.memory_space<vmem>> -> memref<50xi32, #tpu.memory_space<vmem>>
    %dma_start3A_36 = arith.constant 0 : i32
    %dma_start3A_37 = arith.constant 0 : i32
    %dma_start3A_38 = tpu.memref_slice %arg3[%dma_start3A_36, %dma_start3A_37] : memref<1000000x128xf32, #tpu.memory_space<hbm>> -> memref<1000000x128xf32, #tpu.memory_space<hbm>>
    tpu.enqueue_indirect_dma source(%dma_start3A_38 : memref<1000000x128xf32, #tpu.memory_space<hbm>>) target(%dma_start3A_32 : memref<50x128xf32, #tpu.memory_space<vmem>>) offsets(%dma_start3A_35 : memref<50xi32, #tpu.memory_space<vmem>>) semaphore(%arg11 : memref<!tpu.dma_semaphore, #tpu.memory_space<semaphore_mem>>)
    %dma_start3A_39 = arith.constant 2 : i32
    %dma_start3A_40 = arith.constant 100 : i32
    %dma_start3A_41 = arith.constant 0 : i32
    %dma_start3A_42 = tpu.memref_slice %arg7[%dma_start3A_40, %dma_start3A_41] : memref<200x128xf32, #tpu.memory_space<vmem>> -> memref<50x128xf32, #tpu.memory_space<vmem>>
    %dma_start3A_43 = arith.constant 0 : i32
    %dma_start3A_44 = tpu.memref_slice %arg5[%dma_start3A_39, %dma_start3A_43] : memref<4x128xi32, #tpu.memory_space<vmem>> -> memref<1x50xi32, #tpu.memory_space<vmem>>
    %dma_start3A_45 = tpu.memref_squeeze %dma_start3A_44 : memref<1x50xi32, #tpu.memory_space<vmem>> -> memref<50xi32, #tpu.memory_space<vmem>>
    %dma_start3A_46 = arith.constant 0 : i32
    %dma_start3A_47 = arith.constant 0 : i32
    %dma_start3A_48 = tpu.memref_slice %arg3[%dma_start3A_46, %dma_start3A_47] : memref<1000000x128xf32, #tpu.memory_space<hbm>> -> memref<1000000x128xf32, #tpu.memory_space<hbm>>
    tpu.enqueue_indirect_dma source(%dma_start3A_48 : memref<1000000x128xf32, #tpu.memory_space<hbm>>) target(%dma_start3A_42 : memref<50x128xf32, #tpu.memory_space<vmem>>) offsets(%dma_start3A_45 : memref<50xi32, #tpu.memory_space<vmem>>) semaphore(%arg11 : memref<!tpu.dma_semaphore, #tpu.memory_space<semaphore_mem>>)
    %dma_start3A_49 = arith.constant 3 : i32
    %dma_start3A_50 = arith.constant 150 : i32
    %dma_start3A_51 = arith.constant 0 : i32
    %dma_start3A_52 = tpu.memref_slice %arg7[%dma_start3A_50, %dma_start3A_51] : memref<200x128xf32, #tpu.memory_space<vmem>> -> memref<50x128xf32, #tpu.memory_space<vmem>>
    %dma_start3A_53 = arith.constant 0 : i32
    %dma_start3A_54 = tpu.memref_slice %arg5[%dma_start3A_49, %dma_start3A_53] : memref<4x128xi32, #tpu.memory_space<vmem>> -> memref<1x50xi32, #tpu.memory_space<vmem>>
    %dma_start3A_55 = tpu.memref_squeeze %dma_start3A_54 : memref<1x50xi32, #tpu.memory_space<vmem>> -> memref<50xi32, #tpu.memory_space<vmem>>
    %dma_start3A_56 = arith.constant 0 : i32
    %dma_start3A_57 = arith.constant 0 : i32
    %dma_start3A_58 = tpu.memref_slice %arg3[%dma_start3A_56, %dma_start3A_57] : memref<1000000x128xf32, #tpu.memory_space<hbm>> -> memref<1000000x128xf32, #tpu.memory_space<hbm>>
    tpu.enqueue_indirect_dma source(%dma_start3A_58 : memref<1000000x128xf32, #tpu.memory_space<hbm>>) target(%dma_start3A_52 : memref<50x128xf32, #tpu.memory_space<vmem>>) offsets(%dma_start3A_55 : memref<50xi32, #tpu.memory_space<vmem>>) semaphore(%arg11 : memref<!tpu.dma_semaphore, #tpu.memory_space<semaphore_mem>>)
    %scan3A = arith.constant 0 : i32
    %scan3A_59 = arith.constant 0 : i32
    %scan3A_60 = arith.constant 64 : i32
    %scan3A_61 = arith.addi %scan3A_59, %scan3A_60 : i32
    %scan3A_62 = arith.constant 1 : i32
    scf.for %scan3A_136 = %scan3A_59 to %scan3A_61 step %scan3A_62  : i32 {
      %gt3A = arith.constant 0 : i32
      %gt3A_137 = arith.cmpi sgt, %scan3A_136, %gt3A : i32
      %convert_element_type3A = arith.extui %gt3A_137 : i1 to i32
      %cond3A = arith.constant 0 : i32
      %cond3A_138 = arith.cmpi ne, %convert_element_type3A, %cond3A : i32
      scf.if %cond3A_138 {
        %mul3A_568 = arith.constant 2 : i32
        %mul3A_569 = arith.muli %mul3A_568, %scan3A_136 : i32
        %sub3A = arith.constant 1 : i32
        %sub3A_570 = arith.subi %mul3A_569, %sub3A : i32
        %mul3A_571 = arith.constant 4 : i32
        %mul3A_572 = arith.muli %sub3A_570, %mul3A_571 : i32
        %add3A_573 = arith.addi %mul3A_2, %mul3A_572 : i32
        %add3A_574 = arith.constant 0 : i32
        %add3A_575 = arith.addi %add3A_573, %add3A_574 : i32
        %mul3A_576 = arith.constant 4 : i32
        %mul3A_577 = arith.muli %sub3A_570, %mul3A_576 : i32
        %add3A_578 = arith.addi %mul3A_2, %mul3A_577 : i32
        %add3A_579 = arith.constant 1 : i32
        %add3A_580 = arith.addi %add3A_578, %add3A_579 : i32
        %mul3A_581 = arith.constant 4 : i32
        %mul3A_582 = arith.muli %sub3A_570, %mul3A_581 : i32
        %add3A_583 = arith.addi %mul3A_2, %mul3A_582 : i32
        %add3A_584 = arith.constant 2 : i32
        %add3A_585 = arith.addi %add3A_583, %add3A_584 : i32
        %mul3A_586 = arith.constant 4 : i32
        %mul3A_587 = arith.muli %sub3A_570, %mul3A_586 : i32
        %add3A_588 = arith.addi %mul3A_2, %mul3A_587 : i32
        %add3A_589 = arith.constant 3 : i32
        %add3A_590 = arith.addi %add3A_588, %add3A_589 : i32
        %dma_wait3A_591 = arith.constant 0 : i32
        %dma_wait3A_592 = arith.constant 0 : i32
        %dma_wait3A_593 = tpu.memref_slice %arg10[%dma_wait3A_591, %dma_wait3A_592] : memref<200x64xf32, #tpu.memory_space<vmem>> -> memref<50x64xf32, #tpu.memory_space<vmem>>
        %dma_wait3A_594 = arith.constant 0 : i32
        %dma_wait3A_595 = arith.constant 0 : i32
        %dma_wait3A_596 = tpu.memref_slice %arg4[%add3A_575, %dma_wait3A_594, %dma_wait3A_595] : memref<16384x50x64xf32, #tpu.memory_space<hbm>> -> memref<1x50x64xf32, #tpu.memory_space<hbm>>
        %dma_wait3A_597 = tpu.memref_squeeze %dma_wait3A_596 : memref<1x50x64xf32, #tpu.memory_space<hbm>> -> memref<50x64xf32, #tpu.memory_space<hbm>>
        %dma_wait3A_598 = arith.constant 0 : i32
        %dma_wait3A_599 = arith.constant 0 : i32
        %dma_wait3A_600 = tpu.memref_slice %arg4[%add3A_575, %dma_wait3A_598, %dma_wait3A_599] : memref<16384x50x64xf32, #tpu.memory_space<hbm>> -> memref<1x50x64xf32, #tpu.memory_space<hbm>>
        %dma_wait3A_601 = tpu.memref_squeeze %dma_wait3A_600 : memref<1x50x64xf32, #tpu.memory_space<hbm>> -> memref<50x64xf32, #tpu.memory_space<hbm>>
        %dma_wait3A_602 = arith.constant 0 : i32
        %dma_wait3A_603 = arith.constant 0 : i32
        %dma_wait3A_604 = tpu.memref_slice %arg10[%dma_wait3A_602, %dma_wait3A_603] : memref<200x64xf32, #tpu.memory_space<vmem>> -> memref<50x64xf32, #tpu.memory_space<vmem>>
        tpu.wait_dma2 semaphore(%arg14 : memref<!tpu.dma_semaphore, #tpu.memory_space<semaphore_mem>>) src(%dma_wait3A_604 : memref<50x64xf32, #tpu.memory_space<vmem>>) dst(%dma_wait3A_601 : memref<50x64xf32, #tpu.memory_space<hbm>>)
        %dma_wait3A_605 = arith.constant 50 : i32
        %dma_wait3A_606 = arith.constant 0 : i32
        %dma_wait3A_607 = tpu.memref_slice %arg10[%dma_wait3A_605, %dma_wait3A_606] : memref<200x64xf32, #tpu.memory_space<vmem>> -> memref<50x64xf32, #tpu.memory_space<vmem>>
        %dma_wait3A_608 = arith.constant 0 : i32
        %dma_wait3A_609 = arith.constant 0 : i32
        %dma_wait3A_610 = tpu.memref_slice %arg4[%add3A_580, %dma_wait3A_608, %dma_wait3A_609] : memref<16384x50x64xf32, #tpu.memory_space<hbm>> -> memref<1x50x64xf32, #tpu.memory_space<hbm>>
        %dma_wait3A_611 = tpu.memref_squeeze %dma_wait3A_610 : memref<1x50x64xf32, #tpu.memory_space<hbm>> -> memref<50x64xf32, #tpu.memory_space<hbm>>
        %dma_wait3A_612 = arith.constant 0 : i32
        %dma_wait3A_613 = arith.constant 0 : i32
        %dma_wait3A_614 = tpu.memref_slice %arg4[%add3A_580, %dma_wait3A_612, %dma_wait3A_613] : memref<16384x50x64xf32, #tpu.memory_space<hbm>> -> memref<1x50x64xf32, #tpu.memory_space<hbm>>
        %dma_wait3A_615 = tpu.memref_squeeze %dma_wait3A_614 : memref<1x50x64xf32, #tpu.memory_space<hbm>> -> memref<50x64xf32, #tpu.memory_space<hbm>>
        %dma_wait3A_616 = arith.constant 50 : i32
        %dma_wait3A_617 = arith.constant 0 : i32
        %dma_wait3A_618 = tpu.memref_slice %arg10[%dma_wait3A_616, %dma_wait3A_617] : memref<200x64xf32, #tpu.memory_space<vmem>> -> memref<50x64xf32, #tpu.memory_space<vmem>>
        tpu.wait_dma2 semaphore(%arg14 : memref<!tpu.dma_semaphore, #tpu.memory_space<semaphore_mem>>) src(%dma_wait3A_618 : memref<50x64xf32, #tpu.memory_space<vmem>>) dst(%dma_wait3A_615 : memref<50x64xf32, #tpu.memory_space<hbm>>)
        %dma_wait3A_619 = arith.constant 100 : i32
        %dma_wait3A_620 = arith.constant 0 : i32
        %dma_wait3A_621 = tpu.memref_slice %arg10[%dma_wait3A_619, %dma_wait3A_620] : memref<200x64xf32, #tpu.memory_space<vmem>> -> memref<50x64xf32, #tpu.memory_space<vmem>>
        %dma_wait3A_622 = arith.constant 0 : i32
        %dma_wait3A_623 = arith.constant 0 : i32
        %dma_wait3A_624 = tpu.memref_slice %arg4[%add3A_585, %dma_wait3A_622, %dma_wait3A_623] : memref<16384x50x64xf32, #tpu.memory_space<hbm>> -> memref<1x50x64xf32, #tpu.memory_space<hbm>>
        %dma_wait3A_625 = tpu.memref_squeeze %dma_wait3A_624 : memref<1x50x64xf32, #tpu.memory_space<hbm>> -> memref<50x64xf32, #tpu.memory_space<hbm>>
        %dma_wait3A_626 = arith.constant 0 : i32
        %dma_wait3A_627 = arith.constant 0 : i32
        %dma_wait3A_628 = tpu.memref_slice %arg4[%add3A_585, %dma_wait3A_626, %dma_wait3A_627] : memref<16384x50x64xf32, #tpu.memory_space<hbm>> -> memref<1x50x64xf32, #tpu.memory_space<hbm>>
        %dma_wait3A_629 = tpu.memref_squeeze %dma_wait3A_628 : memref<1x50x64xf32, #tpu.memory_space<hbm>> -> memref<50x64xf32, #tpu.memory_space<hbm>>
        %dma_wait3A_630 = arith.constant 100 : i32
        %dma_wait3A_631 = arith.constant 0 : i32
        %dma_wait3A_632 = tpu.memref_slice %arg10[%dma_wait3A_630, %dma_wait3A_631] : memref<200x64xf32, #tpu.memory_space<vmem>> -> memref<50x64xf32, #tpu.memory_space<vmem>>
        tpu.wait_dma2 semaphore(%arg14 : memref<!tpu.dma_semaphore, #tpu.memory_space<semaphore_mem>>) src(%dma_wait3A_632 : memref<50x64xf32, #tpu.memory_space<vmem>>) dst(%dma_wait3A_629 : memref<50x64xf32, #tpu.memory_space<hbm>>)
        %dma_wait3A_633 = arith.constant 150 : i32
        %dma_wait3A_634 = arith.constant 0 : i32
        %dma_wait3A_635 = tpu.memref_slice %arg10[%dma_wait3A_633, %dma_wait3A_634] : memref<200x64xf32, #tpu.memory_space<vmem>> -> memref<50x64xf32, #tpu.memory_space<vmem>>
        %dma_wait3A_636 = arith.constant 0 : i32
        %dma_wait3A_637 = arith.constant 0 : i32
        %dma_wait3A_638 = tpu.memref_slice %arg4[%add3A_590, %dma_wait3A_636, %dma_wait3A_637] : memref<16384x50x64xf32, #tpu.memory_space<hbm>> -> memref<1x50x64xf32, #tpu.memory_space<hbm>>
        %dma_wait3A_639 = tpu.memref_squeeze %dma_wait3A_638 : memref<1x50x64xf32, #tpu.memory_space<hbm>> -> memref<50x64xf32, #tpu.memory_space<hbm>>
        %dma_wait3A_640 = arith.constant 0 : i32
        %dma_wait3A_641 = arith.constant 0 : i32
        %dma_wait3A_642 = tpu.memref_slice %arg4[%add3A_590, %dma_wait3A_640, %dma_wait3A_641] : memref<16384x50x64xf32, #tpu.memory_space<hbm>> -> memref<1x50x64xf32, #tpu.memory_space<hbm>>
        %dma_wait3A_643 = tpu.memref_squeeze %dma_wait3A_642 : memref<1x50x64xf32, #tpu.memory_space<hbm>> -> memref<50x64xf32, #tpu.memory_space<hbm>>
        %dma_wait3A_644 = arith.constant 150 : i32
        %dma_wait3A_645 = arith.constant 0 : i32
        %dma_wait3A_646 = tpu.memref_slice %arg10[%dma_wait3A_644, %dma_wait3A_645] : memref<200x64xf32, #tpu.memory_space<vmem>> -> memref<50x64xf32, #tpu.memory_space<vmem>>
        tpu.wait_dma2 semaphore(%arg14 : memref<!tpu.dma_semaphore, #tpu.memory_space<semaphore_mem>>) src(%dma_wait3A_646 : memref<50x64xf32, #tpu.memory_space<vmem>>) dst(%dma_wait3A_643 : memref<50x64xf32, #tpu.memory_space<hbm>>)
      } else {
      }
      %mul3A_139 = arith.constant 2 : i32
      %mul3A_140 = arith.muli %mul3A_139, %scan3A_136 : i32
      %add3A_141 = arith.constant 1 : i32
      %add3A_142 = arith.addi %mul3A_140, %add3A_141 : i32
      %mul3A_143 = arith.constant 4 : i32
      %mul3A_144 = arith.muli %add3A_142, %mul3A_143 : i32
      %add3A_145 = arith.addi %mul3A_2, %mul3A_144 : i32
      %dma_wait3A_146 = arith.constant 0 : i32
      %dma_wait3A_147 = tpu.memref_slice %arg2[%add3A_145, %dma_wait3A_146] : memref<16384x128xi32, #tpu.memory_space<hbm>> -> memref<4x128xi32, #tpu.memory_space<hbm>>
      %dma_wait3A_148 = arith.constant 0 : i32
      %dma_wait3A_149 = tpu.memref_slice %arg2[%add3A_145, %dma_wait3A_148] : memref<16384x128xi32, #tpu.memory_space<hbm>> -> memref<4x128xi32, #tpu.memory_space<hbm>>
      tpu.wait_dma2 semaphore(%arg16 : memref<!tpu.dma_semaphore, #tpu.memory_space<semaphore_mem>>) src(%dma_wait3A_149 : memref<4x128xi32, #tpu.memory_space<hbm>>) dst(%arg6 : memref<4x128xi32, #tpu.memory_space<vmem>>)
      %dma_start3A_150 = arith.constant 0 : i32
      %dma_start3A_151 = arith.constant 0 : i32
      %dma_start3A_152 = arith.constant 0 : i32
      %dma_start3A_153 = tpu.memref_slice %arg8[%dma_start3A_151, %dma_start3A_152] : memref<200x128xf32, #tpu.memory_space<vmem>> -> memref<50x128xf32, #tpu.memory_space<vmem>>
      %dma_start3A_154 = arith.constant 0 : i32
      %dma_start3A_155 = tpu.memref_slice %arg6[%dma_start3A_150, %dma_start3A_154] : memref<4x128xi32, #tpu.memory_space<vmem>> -> memref<1x50xi32, #tpu.memory_space<vmem>>
      %dma_start3A_156 = tpu.memref_squeeze %dma_start3A_155 : memref<1x50xi32, #tpu.memory_space<vmem>> -> memref<50xi32, #tpu.memory_space<vmem>>
      %dma_start3A_157 = arith.constant 0 : i32
      %dma_start3A_158 = arith.constant 0 : i32
      %dma_start3A_159 = tpu.memref_slice %arg3[%dma_start3A_157, %dma_start3A_158] : memref<1000000x128xf32, #tpu.memory_space<hbm>> -> memref<1000000x128xf32, #tpu.memory_space<hbm>>
      tpu.enqueue_indirect_dma source(%dma_start3A_159 : memref<1000000x128xf32, #tpu.memory_space<hbm>>) target(%dma_start3A_153 : memref<50x128xf32, #tpu.memory_space<vmem>>) offsets(%dma_start3A_156 : memref<50xi32, #tpu.memory_space<vmem>>) semaphore(%arg12 : memref<!tpu.dma_semaphore, #tpu.memory_space<semaphore_mem>>)
      %dma_start3A_160 = arith.constant 1 : i32
      %dma_start3A_161 = arith.constant 50 : i32
      %dma_start3A_162 = arith.constant 0 : i32
      %dma_start3A_163 = tpu.memref_slice %arg8[%dma_start3A_161, %dma_start3A_162] : memref<200x128xf32, #tpu.memory_space<vmem>> -> memref<50x128xf32, #tpu.memory_space<vmem>>
      %dma_start3A_164 = arith.constant 0 : i32
      %dma_start3A_165 = tpu.memref_slice %arg6[%dma_start3A_160, %dma_start3A_164] : memref<4x128xi32, #tpu.memory_space<vmem>> -> memref<1x50xi32, #tpu.memory_space<vmem>>
      %dma_start3A_166 = tpu.memref_squeeze %dma_start3A_165 : memref<1x50xi32, #tpu.memory_space<vmem>> -> memref<50xi32, #tpu.memory_space<vmem>>
      %dma_start3A_167 = arith.constant 0 : i32
      %dma_start3A_168 = arith.constant 0 : i32
      %dma_start3A_169 = tpu.memref_slice %arg3[%dma_start3A_167, %dma_start3A_168] : memref<1000000x128xf32, #tpu.memory_space<hbm>> -> memref<1000000x128xf32, #tpu.memory_space<hbm>>
      tpu.enqueue_indirect_dma source(%dma_start3A_169 : memref<1000000x128xf32, #tpu.memory_space<hbm>>) target(%dma_start3A_163 : memref<50x128xf32, #tpu.memory_space<vmem>>) offsets(%dma_start3A_166 : memref<50xi32, #tpu.memory_space<vmem>>) semaphore(%arg12 : memref<!tpu.dma_semaphore, #tpu.memory_space<semaphore_mem>>)
      %dma_start3A_170 = arith.constant 2 : i32
      %dma_start3A_171 = arith.constant 100 : i32
      %dma_start3A_172 = arith.constant 0 : i32
      %dma_start3A_173 = tpu.memref_slice %arg8[%dma_start3A_171, %dma_start3A_172] : memref<200x128xf32, #tpu.memory_space<vmem>> -> memref<50x128xf32, #tpu.memory_space<vmem>>
      %dma_start3A_174 = arith.constant 0 : i32
      %dma_start3A_175 = tpu.memref_slice %arg6[%dma_start3A_170, %dma_start3A_174] : memref<4x128xi32, #tpu.memory_space<vmem>> -> memref<1x50xi32, #tpu.memory_space<vmem>>
      %dma_start3A_176 = tpu.memref_squeeze %dma_start3A_175 : memref<1x50xi32, #tpu.memory_space<vmem>> -> memref<50xi32, #tpu.memory_space<vmem>>
      %dma_start3A_177 = arith.constant 0 : i32
      %dma_start3A_178 = arith.constant 0 : i32
      %dma_start3A_179 = tpu.memref_slice %arg3[%dma_start3A_177, %dma_start3A_178] : memref<1000000x128xf32, #tpu.memory_space<hbm>> -> memref<1000000x128xf32, #tpu.memory_space<hbm>>
      tpu.enqueue_indirect_dma source(%dma_start3A_179 : memref<1000000x128xf32, #tpu.memory_space<hbm>>) target(%dma_start3A_173 : memref<50x128xf32, #tpu.memory_space<vmem>>) offsets(%dma_start3A_176 : memref<50xi32, #tpu.memory_space<vmem>>) semaphore(%arg12 : memref<!tpu.dma_semaphore, #tpu.memory_space<semaphore_mem>>)
      %dma_start3A_180 = arith.constant 3 : i32
      %dma_start3A_181 = arith.constant 150 : i32
      %dma_start3A_182 = arith.constant 0 : i32
      %dma_start3A_183 = tpu.memref_slice %arg8[%dma_start3A_181, %dma_start3A_182] : memref<200x128xf32, #tpu.memory_space<vmem>> -> memref<50x128xf32, #tpu.memory_space<vmem>>
      %dma_start3A_184 = arith.constant 0 : i32
      %dma_start3A_185 = tpu.memref_slice %arg6[%dma_start3A_180, %dma_start3A_184] : memref<4x128xi32, #tpu.memory_space<vmem>> -> memref<1x50xi32, #tpu.memory_space<vmem>>
      %dma_start3A_186 = tpu.memref_squeeze %dma_start3A_185 : memref<1x50xi32, #tpu.memory_space<vmem>> -> memref<50xi32, #tpu.memory_space<vmem>>
      %dma_start3A_187 = arith.constant 0 : i32
      %dma_start3A_188 = arith.constant 0 : i32
      %dma_start3A_189 = tpu.memref_slice %arg3[%dma_start3A_187, %dma_start3A_188] : memref<1000000x128xf32, #tpu.memory_space<hbm>> -> memref<1000000x128xf32, #tpu.memory_space<hbm>>
      tpu.enqueue_indirect_dma source(%dma_start3A_189 : memref<1000000x128xf32, #tpu.memory_space<hbm>>) target(%dma_start3A_183 : memref<50x128xf32, #tpu.memory_space<vmem>>) offsets(%dma_start3A_186 : memref<50xi32, #tpu.memory_space<vmem>>) semaphore(%arg12 : memref<!tpu.dma_semaphore, #tpu.memory_space<semaphore_mem>>)
      %dma_wait3A_190 = arith.constant 0 : i32
      %dma_wait3A_191 = arith.constant 0 : i32
      %dma_wait3A_192 = arith.constant 0 : i32
      %dma_wait3A_193 = tpu.memref_slice %arg7[%dma_wait3A_191, %dma_wait3A_192] : memref<200x128xf32, #tpu.memory_space<vmem>> -> memref<50x128xf32, #tpu.memory_space<vmem>>
      %dma_wait3A_194 = arith.constant 0 : i32
      %dma_wait3A_195 = tpu.memref_slice %arg5[%dma_wait3A_190, %dma_wait3A_194] : memref<4x128xi32, #tpu.memory_space<vmem>> -> memref<1x50xi32, #tpu.memory_space<vmem>>
      %dma_wait3A_196 = tpu.memref_squeeze %dma_wait3A_195 : memref<1x50xi32, #tpu.memory_space<vmem>> -> memref<50xi32, #tpu.memory_space<vmem>>
      %dma_wait3A_197 = arith.constant 0 : i32
      %dma_wait3A_198 = arith.constant 0 : i32
      %dma_wait3A_199 = tpu.memref_slice %arg3[%dma_wait3A_197, %dma_wait3A_198] : memref<1000000x128xf32, #tpu.memory_space<hbm>> -> memref<1000000x128xf32, #tpu.memory_space<hbm>>
      tpu.wait_indirect_dma semaphore(%arg11 : memref<!tpu.dma_semaphore, #tpu.memory_space<semaphore_mem>>) src(%dma_wait3A_199 : memref<1000000x128xf32, #tpu.memory_space<hbm>>) dst(%dma_wait3A_193 : memref<50x128xf32, #tpu.memory_space<vmem>>)
      %dma_wait3A_200 = arith.constant 1 : i32
      %dma_wait3A_201 = arith.constant 50 : i32
      %dma_wait3A_202 = arith.constant 0 : i32
      %dma_wait3A_203 = tpu.memref_slice %arg7[%dma_wait3A_201, %dma_wait3A_202] : memref<200x128xf32, #tpu.memory_space<vmem>> -> memref<50x128xf32, #tpu.memory_space<vmem>>
      %dma_wait3A_204 = arith.constant 0 : i32
      %dma_wait3A_205 = tpu.memref_slice %arg5[%dma_wait3A_200, %dma_wait3A_204] : memref<4x128xi32, #tpu.memory_space<vmem>> -> memref<1x50xi32, #tpu.memory_space<vmem>>
      %dma_wait3A_206 = tpu.memref_squeeze %dma_wait3A_205 : memref<1x50xi32, #tpu.memory_space<vmem>> -> memref<50xi32, #tpu.memory_space<vmem>>
      %dma_wait3A_207 = arith.constant 0 : i32
      %dma_wait3A_208 = arith.constant 0 : i32
      %dma_wait3A_209 = tpu.memref_slice %arg3[%dma_wait3A_207, %dma_wait3A_208] : memref<1000000x128xf32, #tpu.memory_space<hbm>> -> memref<1000000x128xf32, #tpu.memory_space<hbm>>
      tpu.wait_indirect_dma semaphore(%arg11 : memref<!tpu.dma_semaphore, #tpu.memory_space<semaphore_mem>>) src(%dma_wait3A_209 : memref<1000000x128xf32, #tpu.memory_space<hbm>>) dst(%dma_wait3A_203 : memref<50x128xf32, #tpu.memory_space<vmem>>)
      %dma_wait3A_210 = arith.constant 2 : i32
      %dma_wait3A_211 = arith.constant 100 : i32
      %dma_wait3A_212 = arith.constant 0 : i32
      %dma_wait3A_213 = tpu.memref_slice %arg7[%dma_wait3A_211, %dma_wait3A_212] : memref<200x128xf32, #tpu.memory_space<vmem>> -> memref<50x128xf32, #tpu.memory_space<vmem>>
      %dma_wait3A_214 = arith.constant 0 : i32
      %dma_wait3A_215 = tpu.memref_slice %arg5[%dma_wait3A_210, %dma_wait3A_214] : memref<4x128xi32, #tpu.memory_space<vmem>> -> memref<1x50xi32, #tpu.memory_space<vmem>>
      %dma_wait3A_216 = tpu.memref_squeeze %dma_wait3A_215 : memref<1x50xi32, #tpu.memory_space<vmem>> -> memref<50xi32, #tpu.memory_space<vmem>>
      %dma_wait3A_217 = arith.constant 0 : i32
      %dma_wait3A_218 = arith.constant 0 : i32
      %dma_wait3A_219 = tpu.memref_slice %arg3[%dma_wait3A_217, %dma_wait3A_218] : memref<1000000x128xf32, #tpu.memory_space<hbm>> -> memref<1000000x128xf32, #tpu.memory_space<hbm>>
      tpu.wait_indirect_dma semaphore(%arg11 : memref<!tpu.dma_semaphore, #tpu.memory_space<semaphore_mem>>) src(%dma_wait3A_219 : memref<1000000x128xf32, #tpu.memory_space<hbm>>) dst(%dma_wait3A_213 : memref<50x128xf32, #tpu.memory_space<vmem>>)
      %dma_wait3A_220 = arith.constant 3 : i32
      %dma_wait3A_221 = arith.constant 150 : i32
      %dma_wait3A_222 = arith.constant 0 : i32
      %dma_wait3A_223 = tpu.memref_slice %arg7[%dma_wait3A_221, %dma_wait3A_222] : memref<200x128xf32, #tpu.memory_space<vmem>> -> memref<50x128xf32, #tpu.memory_space<vmem>>
      %dma_wait3A_224 = arith.constant 0 : i32
      %dma_wait3A_225 = tpu.memref_slice %arg5[%dma_wait3A_220, %dma_wait3A_224] : memref<4x128xi32, #tpu.memory_space<vmem>> -> memref<1x50xi32, #tpu.memory_space<vmem>>
      %dma_wait3A_226 = tpu.memref_squeeze %dma_wait3A_225 : memref<1x50xi32, #tpu.memory_space<vmem>> -> memref<50xi32, #tpu.memory_space<vmem>>
      %dma_wait3A_227 = arith.constant 0 : i32
      %dma_wait3A_228 = arith.constant 0 : i32
      %dma_wait3A_229 = tpu.memref_slice %arg3[%dma_wait3A_227, %dma_wait3A_228] : memref<1000000x128xf32, #tpu.memory_space<hbm>> -> memref<1000000x128xf32, #tpu.memory_space<hbm>>
      tpu.wait_indirect_dma semaphore(%arg11 : memref<!tpu.dma_semaphore, #tpu.memory_space<semaphore_mem>>) src(%dma_wait3A_229 : memref<1000000x128xf32, #tpu.memory_space<hbm>>) dst(%dma_wait3A_223 : memref<50x128xf32, #tpu.memory_space<vmem>>)
      %lt3A = arith.constant 63 : i32
      %lt3A_230 = arith.cmpi slt, %scan3A_136, %lt3A : i32
      %convert_element_type3A_231 = arith.extui %lt3A_230 : i1 to i32
      %cond3A_232 = arith.constant 0 : i32
      %cond3A_233 = arith.cmpi ne, %convert_element_type3A_231, %cond3A_232 : i32
      scf.if %cond3A_233 {
        %mul3A_568 = arith.constant 2 : i32
        %mul3A_569 = arith.muli %mul3A_568, %scan3A_136 : i32
        %add3A_570 = arith.constant 2 : i32
        %add3A_571 = arith.addi %mul3A_569, %add3A_570 : i32
        %mul3A_572 = arith.constant 4 : i32
        %mul3A_573 = arith.muli %add3A_571, %mul3A_572 : i32
        %add3A_574 = arith.addi %mul3A_2, %mul3A_573 : i32
        %dma_start3A_575 = arith.constant 0 : i32
        %dma_start3A_576 = tpu.memref_slice %arg2[%add3A_574, %dma_start3A_575] : memref<16384x128xi32, #tpu.memory_space<hbm>> -> memref<4x128xi32, #tpu.memory_space<hbm>>
        %dma_start3A_577 = arith.constant 0 : i32
        %dma_start3A_578 = tpu.memref_slice %arg2[%add3A_574, %dma_start3A_577] : memref<16384x128xi32, #tpu.memory_space<hbm>> -> memref<4x128xi32, #tpu.memory_space<hbm>>
        tpu.enqueue_dma source(%dma_start3A_578 : memref<4x128xi32, #tpu.memory_space<hbm>>) target(%arg5 : memref<4x128xi32, #tpu.memory_space<vmem>>) target_semaphore(%arg15 : memref<!tpu.dma_semaphore, #tpu.memory_space<semaphore_mem>>)
      } else {
      }
      %mul3A_234 = arith.constant 2 : i32
      %mul3A_235 = arith.muli %mul3A_234, %scan3A_136 : i32
      %scan3A_236 = arith.constant 0 : i32
      %scan3A_237 = arith.constant 0 : i32
      %scan3A_238 = arith.constant 25 : i32
      %scan3A_239 = arith.addi %scan3A_237, %scan3A_238 : i32
      %scan3A_240 = arith.constant 1 : i32
      scf.for %scan3A_568 = %scan3A_237 to %scan3A_239 step %scan3A_240  : i32 {
        %mul3A_569 = arith.constant 2 : i32
        %mul3A_570 = arith.muli %scan3A_568, %mul3A_569 : i32
        %add3A_571 = arith.constant 0 : i32
        %add3A_572 = arith.addi %add3A_571, %mul3A_570 : i32
        %add3A_573 = arith.constant 0 : i32
        %add3A_574 = arith.addi %add3A_572, %add3A_573 : i32
        %get3A = arith.index_cast %add3A_574 : i32 to index
        %get3A_575 = arith.constant 0 : index
        %get3A_576 = tpu.vector_load %arg7[%get3A, %get3A_575] {strides = array<i32>} : memref<200x128xf32, #tpu.memory_space<vmem>>, vector<1x16xf32>,
        %get3A_577 = vector.shape_cast %get3A_576 : vector<1x16xf32> to vector<16xf32>
        %mul3A_578 = arith.constant 8.000000e+00 : f32
        %mul3A_579 = vector.broadcast %mul3A_578 : f32 to vector<16xf32>
        %mul3A_580 = arith.mulf %get3A_577, %mul3A_579 : vector<16xf32>
        %mul3A_581 = arith.constant 2 : i32
        %mul3A_582 = arith.muli %scan3A_568, %mul3A_581 : i32
        %add3A_583 = arith.constant 0 : i32
        %add3A_584 = arith.addi %add3A_583, %mul3A_582 : i32
        %add3A_585 = arith.constant 0 : i32
        %add3A_586 = arith.addi %add3A_584, %add3A_585 : i32
        %swap3A = arith.index_cast %add3A_586 : i32 to index
        %swap3A_587 = arith.constant 0 : index
        %swap3A_588 = tpu.vector_load %arg9[%swap3A, %swap3A_587] {strides = array<i32>} : memref<200x64xf32, #tpu.memory_space<vmem>>, vector<1x16xf32>,
        %swap3A_589 = vector.shape_cast %swap3A_588 : vector<1x16xf32> to vector<16xf32>
        %swap3A_590 = vector.shape_cast %mul3A_580 : vector<16xf32> to vector<1x16xf32>
        tpu.vector_store %arg9[%swap3A, %swap3A_587], %swap3A_590 {strides = array<i32>} : memref<200x64xf32, #tpu.memory_space<vmem>>, vector<1x16xf32>,
        %mul3A_591 = arith.constant 2 : i32
        %mul3A_592 = arith.muli %scan3A_568, %mul3A_591 : i32
        %add3A_593 = arith.constant 0 : i32
        %add3A_594 = arith.addi %add3A_593, %mul3A_592 : i32
        %add3A_595 = arith.constant 0 : i32
        %add3A_596 = arith.addi %add3A_594, %add3A_595 : i32
        %get3A_597 = arith.index_cast %add3A_596 : i32 to index
        %get3A_598 = arith.constant 16 : index
        %get3A_599 = tpu.vector_load %arg7[%get3A_597, %get3A_598] {strides = array<i32>} : memref<200x128xf32, #tpu.memory_space<vmem>>, vector<1x16xf32>,
        %get3A_600 = vector.shape_cast %get3A_599 : vector<1x16xf32> to vector<16xf32>
        %mul3A_601 = arith.constant 8.000000e+00 : f32
        %mul3A_602 = vector.broadcast %mul3A_601 : f32 to vector<16xf32>
        %mul3A_603 = arith.mulf %get3A_600, %mul3A_602 : vector<16xf32>
        %mul3A_604 = arith.constant 2 : i32
        %mul3A_605 = arith.muli %scan3A_568, %mul3A_604 : i32
        %add3A_606 = arith.constant 0 : i32
        %add3A_607 = arith.addi %add3A_606, %mul3A_605 : i32
        %add3A_608 = arith.constant 0 : i32
        %add3A_609 = arith.addi %add3A_607, %add3A_608 : i32
        %swap3A_610 = arith.index_cast %add3A_609 : i32 to index
        %swap3A_611 = arith.constant 16 : index
        %swap3A_612 = tpu.vector_load %arg9[%swap3A_610, %swap3A_611] {strides = array<i32>} : memref<200x64xf32, #tpu.memory_space<vmem>>, vector<1x16xf32>,
        %swap3A_613 = vector.shape_cast %swap3A_612 : vector<1x16xf32> to vector<16xf32>
        %swap3A_614 = vector.shape_cast %mul3A_603 : vector<16xf32> to vector<1x16xf32>
        tpu.vector_store %arg9[%swap3A_610, %swap3A_611], %swap3A_614 {strides = array<i32>} : memref<200x64xf32, #tpu.memory_space<vmem>>, vector<1x16xf32>,
        %mul3A_615 = arith.constant 2 : i32
        %mul3A_616 = arith.muli %scan3A_568, %mul3A_615 : i32
        %add3A_617 = arith.constant 0 : i32
        %add3A_618 = arith.addi %add3A_617, %mul3A_616 : i32
        %add3A_619 = arith.constant 0 : i32
        %add3A_620 = arith.addi %add3A_618, %add3A_619 : i32
        %get3A_621 = arith.index_cast %add3A_620 : i32 to index
        %get3A_622 = arith.constant 32 : index
        %get3A_623 = tpu.vector_load %arg7[%get3A_621, %get3A_622] {strides = array<i32>} : memref<200x128xf32, #tpu.memory_space<vmem>>, vector<1x16xf32>,
        %get3A_624 = vector.shape_cast %get3A_623 : vector<1x16xf32> to vector<16xf32>
        %mul3A_625 = arith.constant 8.000000e+00 : f32
        %mul3A_626 = vector.broadcast %mul3A_625 : f32 to vector<16xf32>
        %mul3A_627 = arith.mulf %get3A_624, %mul3A_626 : vector<16xf32>
        %mul3A_628 = arith.constant 2 : i32
        %mul3A_629 = arith.muli %scan3A_568, %mul3A_628 : i32
        %add3A_630 = arith.constant 0 : i32
        %add3A_631 = arith.addi %add3A_630, %mul3A_629 : i32
        %add3A_632 = arith.constant 0 : i32
        %add3A_633 = arith.addi %add3A_631, %add3A_632 : i32
        %swap3A_634 = arith.index_cast %add3A_633 : i32 to index
        %swap3A_635 = arith.constant 32 : index
        %swap3A_636 = tpu.vector_load %arg9[%swap3A_634, %swap3A_635] {strides = array<i32>} : memref<200x64xf32, #tpu.memory_space<vmem>>, vector<1x16xf32>,
        %swap3A_637 = vector.shape_cast %swap3A_636 : vector<1x16xf32> to vector<16xf32>
        %swap3A_638 = vector.shape_cast %mul3A_627 : vector<16xf32> to vector<1x16xf32>
        tpu.vector_store %arg9[%swap3A_634, %swap3A_635], %swap3A_638 {strides = array<i32>} : memref<200x64xf32, #tpu.memory_space<vmem>>, vector<1x16xf32>,
        %mul3A_639 = arith.constant 2 : i32
        %mul3A_640 = arith.muli %scan3A_568, %mul3A_639 : i32
        %add3A_641 = arith.constant 0 : i32
        %add3A_642 = arith.addi %add3A_641, %mul3A_640 : i32
        %add3A_643 = arith.constant 0 : i32
        %add3A_644 = arith.addi %add3A_642, %add3A_643 : i32
        %get3A_645 = arith.index_cast %add3A_644 : i32 to index
        %get3A_646 = arith.constant 48 : index
        %get3A_647 = tpu.vector_load %arg7[%get3A_645, %get3A_646] {strides = array<i32>} : memref<200x128xf32, #tpu.memory_space<vmem>>, vector<1x16xf32>,
        %get3A_648 = vector.shape_cast %get3A_647 : vector<1x16xf32> to vector<16xf32>
        %mul3A_649 = arith.constant 8.000000e+00 : f32
        %mul3A_650 = vector.broadcast %mul3A_649 : f32 to vector<16xf32>
        %mul3A_651 = arith.mulf %get3A_648, %mul3A_650 : vector<16xf32>
        %mul3A_652 = arith.constant 2 : i32
        %mul3A_653 = arith.muli %scan3A_568, %mul3A_652 : i32
        %add3A_654 = arith.constant 0 : i32
        %add3A_655 = arith.addi %add3A_654, %mul3A_653 : i32
        %add3A_656 = arith.constant 0 : i32
        %add3A_657 = arith.addi %add3A_655, %add3A_656 : i32
        %swap3A_658 = arith.index_cast %add3A_657 : i32 to index
        %swap3A_659 = arith.constant 48 : index
        %swap3A_660 = tpu.vector_load %arg9[%swap3A_658, %swap3A_659] {strides = array<i32>} : memref<200x64xf32, #tpu.memory_space<vmem>>, vector<1x16xf32>,
        %swap3A_661 = vector.shape_cast %swap3A_660 : vector<1x16xf32> to vector<16xf32>
        %swap3A_662 = vector.shape_cast %mul3A_651 : vector<16xf32> to vector<1x16xf32>
        tpu.vector_store %arg9[%swap3A_658, %swap3A_659], %swap3A_662 {strides = array<i32>} : memref<200x64xf32, #tpu.memory_space<vmem>>, vector<1x16xf32>,
        %mul3A_663 = arith.constant 2 : i32
        %mul3A_664 = arith.muli %scan3A_568, %mul3A_663 : i32
        %add3A_665 = arith.constant 0 : i32
        %add3A_666 = arith.addi %add3A_665, %mul3A_664 : i32
        %add3A_667 = arith.constant 1 : i32
        %add3A_668 = arith.addi %add3A_666, %add3A_667 : i32
        %get3A_669 = arith.index_cast %add3A_668 : i32 to index
        %get3A_670 = arith.constant 0 : index
        %get3A_671 = tpu.vector_load %arg7[%get3A_669, %get3A_670] {strides = array<i32>} : memref<200x128xf32, #tpu.memory_space<vmem>>, vector<1x16xf32>,
        %get3A_672 = vector.shape_cast %get3A_671 : vector<1x16xf32> to vector<16xf32>
        %mul3A_673 = arith.constant 8.000000e+00 : f32
        %mul3A_674 = vector.broadcast %mul3A_673 : f32 to vector<16xf32>
        %mul3A_675 = arith.mulf %get3A_672, %mul3A_674 : vector<16xf32>
        %mul3A_676 = arith.constant 2 : i32
        %mul3A_677 = arith.muli %scan3A_568, %mul3A_676 : i32
        %add3A_678 = arith.constant 0 : i32
        %add3A_679 = arith.addi %add3A_678, %mul3A_677 : i32
        %add3A_680 = arith.constant 1 : i32
        %add3A_681 = arith.addi %add3A_679, %add3A_680 : i32
        %swap3A_682 = arith.index_cast %add3A_681 : i32 to index
        %swap3A_683 = arith.constant 0 : index
        %swap3A_684 = tpu.vector_load %arg9[%swap3A_682, %swap3A_683] {strides = array<i32>} : memref<200x64xf32, #tpu.memory_space<vmem>>, vector<1x16xf32>,
        %swap3A_685 = vector.shape_cast %swap3A_684 : vector<1x16xf32> to vector<16xf32>
        %swap3A_686 = vector.shape_cast %mul3A_675 : vector<16xf32> to vector<1x16xf32>
        tpu.vector_store %arg9[%swap3A_682, %swap3A_683], %swap3A_686 {strides = array<i32>} : memref<200x64xf32, #tpu.memory_space<vmem>>, vector<1x16xf32>,
        %mul3A_687 = arith.constant 2 : i32
        %mul3A_688 = arith.muli %scan3A_568, %mul3A_687 : i32
        %add3A_689 = arith.constant 0 : i32
        %add3A_690 = arith.addi %add3A_689, %mul3A_688 : i32
        %add3A_691 = arith.constant 1 : i32
        %add3A_692 = arith.addi %add3A_690, %add3A_691 : i32
        %get3A_693 = arith.index_cast %add3A_692 : i32 to index
        %get3A_694 = arith.constant 16 : index
        %get3A_695 = tpu.vector_load %arg7[%get3A_693, %get3A_694] {strides = array<i32>} : memref<200x128xf32, #tpu.memory_space<vmem>>, vector<1x16xf32>,
        %get3A_696 = vector.shape_cast %get3A_695 : vector<1x16xf32> to vector<16xf32>
        %mul3A_697 = arith.constant 8.000000e+00 : f32
        %mul3A_698 = vector.broadcast %mul3A_697 : f32 to vector<16xf32>
        %mul3A_699 = arith.mulf %get3A_696, %mul3A_698 : vector<16xf32>
        %mul3A_700 = arith.constant 2 : i32
        %mul3A_701 = arith.muli %scan3A_568, %mul3A_700 : i32
        %add3A_702 = arith.constant 0 : i32
        %add3A_703 = arith.addi %add3A_702, %mul3A_701 : i32
        %add3A_704 = arith.constant 1 : i32
        %add3A_705 = arith.addi %add3A_703, %add3A_704 : i32
        %swap3A_706 = arith.index_cast %add3A_705 : i32 to index
        %swap3A_707 = arith.constant 16 : index
        %swap3A_708 = tpu.vector_load %arg9[%swap3A_706, %swap3A_707] {strides = array<i32>} : memref<200x64xf32, #tpu.memory_space<vmem>>, vector<1x16xf32>,
        %swap3A_709 = vector.shape_cast %swap3A_708 : vector<1x16xf32> to vector<16xf32>
        %swap3A_710 = vector.shape_cast %mul3A_699 : vector<16xf32> to vector<1x16xf32>
        tpu.vector_store %arg9[%swap3A_706, %swap3A_707], %swap3A_710 {strides = array<i32>} : memref<200x64xf32, #tpu.memory_space<vmem>>, vector<1x16xf32>,
        %mul3A_711 = arith.constant 2 : i32
        %mul3A_712 = arith.muli %scan3A_568, %mul3A_711 : i32
        %add3A_713 = arith.constant 0 : i32
        %add3A_714 = arith.addi %add3A_713, %mul3A_712 : i32
        %add3A_715 = arith.constant 1 : i32
        %add3A_716 = arith.addi %add3A_714, %add3A_715 : i32
        %get3A_717 = arith.index_cast %add3A_716 : i32 to index
        %get3A_718 = arith.constant 32 : index
        %get3A_719 = tpu.vector_load %arg7[%get3A_717, %get3A_718] {strides = array<i32>} : memref<200x128xf32, #tpu.memory_space<vmem>>, vector<1x16xf32>,
        %get3A_720 = vector.shape_cast %get3A_719 : vector<1x16xf32> to vector<16xf32>
        %mul3A_721 = arith.constant 8.000000e+00 : f32
        %mul3A_722 = vector.broadcast %mul3A_721 : f32 to vector<16xf32>
        %mul3A_723 = arith.mulf %get3A_720, %mul3A_722 : vector<16xf32>
        %mul3A_724 = arith.constant 2 : i32
        %mul3A_725 = arith.muli %scan3A_568, %mul3A_724 : i32
        %add3A_726 = arith.constant 0 : i32
        %add3A_727 = arith.addi %add3A_726, %mul3A_725 : i32
        %add3A_728 = arith.constant 1 : i32
        %add3A_729 = arith.addi %add3A_727, %add3A_728 : i32
        %swap3A_730 = arith.index_cast %add3A_729 : i32 to index
        %swap3A_731 = arith.constant 32 : index
        %swap3A_732 = tpu.vector_load %arg9[%swap3A_730, %swap3A_731] {strides = array<i32>} : memref<200x64xf32, #tpu.memory_space<vmem>>, vector<1x16xf32>,
        %swap3A_733 = vector.shape_cast %swap3A_732 : vector<1x16xf32> to vector<16xf32>
        %swap3A_734 = vector.shape_cast %mul3A_723 : vector<16xf32> to vector<1x16xf32>
        tpu.vector_store %arg9[%swap3A_730, %swap3A_731], %swap3A_734 {strides = array<i32>} : memref<200x64xf32, #tpu.memory_space<vmem>>, vector<1x16xf32>,
        %mul3A_735 = arith.constant 2 : i32
        %mul3A_736 = arith.muli %scan3A_568, %mul3A_735 : i32
        %add3A_737 = arith.constant 0 : i32
        %add3A_738 = arith.addi %add3A_737, %mul3A_736 : i32
        %add3A_739 = arith.constant 1 : i32
        %add3A_740 = arith.addi %add3A_738, %add3A_739 : i32
        %get3A_741 = arith.index_cast %add3A_740 : i32 to index
        %get3A_742 = arith.constant 48 : index
        %get3A_743 = tpu.vector_load %arg7[%get3A_741, %get3A_742] {strides = array<i32>} : memref<200x128xf32, #tpu.memory_space<vmem>>, vector<1x16xf32>,
        %get3A_744 = vector.shape_cast %get3A_743 : vector<1x16xf32> to vector<16xf32>
        %mul3A_745 = arith.constant 8.000000e+00 : f32
        %mul3A_746 = vector.broadcast %mul3A_745 : f32 to vector<16xf32>
        %mul3A_747 = arith.mulf %get3A_744, %mul3A_746 : vector<16xf32>
        %mul3A_748 = arith.constant 2 : i32
        %mul3A_749 = arith.muli %scan3A_568, %mul3A_748 : i32
        %add3A_750 = arith.constant 0 : i32
        %add3A_751 = arith.addi %add3A_750, %mul3A_749 : i32
        %add3A_752 = arith.constant 1 : i32
        %add3A_753 = arith.addi %add3A_751, %add3A_752 : i32
        %swap3A_754 = arith.index_cast %add3A_753 : i32 to index
        %swap3A_755 = arith.constant 48 : index
        %swap3A_756 = tpu.vector_load %arg9[%swap3A_754, %swap3A_755] {strides = array<i32>} : memref<200x64xf32, #tpu.memory_space<vmem>>, vector<1x16xf32>,
        %swap3A_757 = vector.shape_cast %swap3A_756 : vector<1x16xf32> to vector<16xf32>
        %swap3A_758 = vector.shape_cast %mul3A_747 : vector<16xf32> to vector<1x16xf32>
        tpu.vector_store %arg9[%swap3A_754, %swap3A_755], %swap3A_758 {strides = array<i32>} : memref<200x64xf32, #tpu.memory_space<vmem>>, vector<1x16xf32>,
      }
      %scan3A_241 = arith.constant 25 : i32
      %mul3A_242 = arith.constant 4 : i32
      %mul3A_243 = arith.muli %mul3A_235, %mul3A_242 : i32
      %add3A_244 = arith.addi %mul3A_2, %mul3A_243 : i32
      %add3A_245 = arith.constant 0 : i32
      %add3A_246 = arith.addi %add3A_244, %add3A_245 : i32
      %dma_start3A_247 = arith.constant 0 : i32
      %dma_start3A_248 = arith.constant 0 : i32
      %dma_start3A_249 = tpu.memref_slice %arg9[%dma_start3A_247, %dma_start3A_248] : memref<200x64xf32, #tpu.memory_space<vmem>> -> memref<50x64xf32, #tpu.memory_space<vmem>>
      %dma_start3A_250 = arith.constant 0 : i32
      %dma_start3A_251 = arith.constant 0 : i32
      %dma_start3A_252 = tpu.memref_slice %arg4[%add3A_246, %dma_start3A_250, %dma_start3A_251] : memref<16384x50x64xf32, #tpu.memory_space<hbm>> -> memref<1x50x64xf32, #tpu.memory_space<hbm>>
      %dma_start3A_253 = tpu.memref_squeeze %dma_start3A_252 : memref<1x50x64xf32, #tpu.memory_space<hbm>> -> memref<50x64xf32, #tpu.memory_space<hbm>>
      %dma_start3A_254 = arith.constant 0 : i32
      %dma_start3A_255 = arith.constant 0 : i32
      %dma_start3A_256 = tpu.memref_slice %arg4[%add3A_246, %dma_start3A_254, %dma_start3A_255] : memref<16384x50x64xf32, #tpu.memory_space<hbm>> -> memref<1x50x64xf32, #tpu.memory_space<hbm>>
      %dma_start3A_257 = tpu.memref_squeeze %dma_start3A_256 : memref<1x50x64xf32, #tpu.memory_space<hbm>> -> memref<50x64xf32, #tpu.memory_space<hbm>>
      %dma_start3A_258 = arith.constant 0 : i32
      %dma_start3A_259 = arith.constant 0 : i32
      %dma_start3A_260 = tpu.memref_slice %arg9[%dma_start3A_258, %dma_start3A_259] : memref<200x64xf32, #tpu.memory_space<vmem>> -> memref<50x64xf32, #tpu.memory_space<vmem>>
      tpu.enqueue_dma source(%dma_start3A_260 : memref<50x64xf32, #tpu.memory_space<vmem>>) target(%dma_start3A_257 : memref<50x64xf32, #tpu.memory_space<hbm>>) target_semaphore(%arg13 : memref<!tpu.dma_semaphore, #tpu.memory_space<semaphore_mem>>)
      %scan3A_261 = arith.constant 0 : i32
      %scan3A_262 = arith.constant 0 : i32
      %scan3A_263 = arith.constant 25 : i32
      %scan3A_264 = arith.addi %scan3A_262, %scan3A_263 : i32
      %scan3A_265 = arith.constant 1 : i32
      scf.for %scan3A_568 = %scan3A_262 to %scan3A_264 step %scan3A_265  : i32 {
        %mul3A_569 = arith.constant 2 : i32
        %mul3A_570 = arith.muli %scan3A_568, %mul3A_569 : i32
        %add3A_571 = arith.constant 50 : i32
        %add3A_572 = arith.addi %add3A_571, %mul3A_570 : i32
        %add3A_573 = arith.constant 0 : i32
        %add3A_574 = arith.addi %add3A_572, %add3A_573 : i32
        %get3A = arith.index_cast %add3A_574 : i32 to index
        %get3A_575 = arith.constant 0 : index
        %get3A_576 = tpu.vector_load %arg7[%get3A, %get3A_575] {strides = array<i32>} : memref<200x128xf32, #tpu.memory_space<vmem>>, vector<1x16xf32>,
        %get3A_577 = vector.shape_cast %get3A_576 : vector<1x16xf32> to vector<16xf32>
        %mul3A_578 = arith.constant 8.000000e+00 : f32
        %mul3A_579 = vector.broadcast %mul3A_578 : f32 to vector<16xf32>
        %mul3A_580 = arith.mulf %get3A_577, %mul3A_579 : vector<16xf32>
        %mul3A_581 = arith.constant 2 : i32
        %mul3A_582 = arith.muli %scan3A_568, %mul3A_581 : i32
        %add3A_583 = arith.constant 50 : i32
        %add3A_584 = arith.addi %add3A_583, %mul3A_582 : i32
        %add3A_585 = arith.constant 0 : i32
        %add3A_586 = arith.addi %add3A_584, %add3A_585 : i32
        %swap3A = arith.index_cast %add3A_586 : i32 to index
        %swap3A_587 = arith.constant 0 : index
        %swap3A_588 = tpu.vector_load %arg9[%swap3A, %swap3A_587] {strides = array<i32>} : memref<200x64xf32, #tpu.memory_space<vmem>>, vector<1x16xf32>,
        %swap3A_589 = vector.shape_cast %swap3A_588 : vector<1x16xf32> to vector<16xf32>
        %swap3A_590 = vector.shape_cast %mul3A_580 : vector<16xf32> to vector<1x16xf32>
        tpu.vector_store %arg9[%swap3A, %swap3A_587], %swap3A_590 {strides = array<i32>} : memref<200x64xf32, #tpu.memory_space<vmem>>, vector<1x16xf32>,
        %mul3A_591 = arith.constant 2 : i32
        %mul3A_592 = arith.muli %scan3A_568, %mul3A_591 : i32
        %add3A_593 = arith.constant 50 : i32
        %add3A_594 = arith.addi %add3A_593, %mul3A_592 : i32
        %add3A_595 = arith.constant 0 : i32
        %add3A_596 = arith.addi %add3A_594, %add3A_595 : i32
        %get3A_597 = arith.index_cast %add3A_596 : i32 to index
        %get3A_598 = arith.constant 16 : index
        %get3A_599 = tpu.vector_load %arg7[%get3A_597, %get3A_598] {strides = array<i32>} : memref<200x128xf32, #tpu.memory_space<vmem>>, vector<1x16xf32>,
        %get3A_600 = vector.shape_cast %get3A_599 : vector<1x16xf32> to vector<16xf32>
        %mul3A_601 = arith.constant 8.000000e+00 : f32
        %mul3A_602 = vector.broadcast %mul3A_601 : f32 to vector<16xf32>
        %mul3A_603 = arith.mulf %get3A_600, %mul3A_602 : vector<16xf32>
        %mul3A_604 = arith.constant 2 : i32
        %mul3A_605 = arith.muli %scan3A_568, %mul3A_604 : i32
        %add3A_606 = arith.constant 50 : i32
        %add3A_607 = arith.addi %add3A_606, %mul3A_605 : i32
        %add3A_608 = arith.constant 0 : i32
        %add3A_609 = arith.addi %add3A_607, %add3A_608 : i32
        %swap3A_610 = arith.index_cast %add3A_609 : i32 to index
        %swap3A_611 = arith.constant 16 : index
        %swap3A_612 = tpu.vector_load %arg9[%swap3A_610, %swap3A_611] {strides = array<i32>} : memref<200x64xf32, #tpu.memory_space<vmem>>, vector<1x16xf32>,
        %swap3A_613 = vector.shape_cast %swap3A_612 : vector<1x16xf32> to vector<16xf32>
        %swap3A_614 = vector.shape_cast %mul3A_603 : vector<16xf32> to vector<1x16xf32>
        tpu.vector_store %arg9[%swap3A_610, %swap3A_611], %swap3A_614 {strides = array<i32>} : memref<200x64xf32, #tpu.memory_space<vmem>>, vector<1x16xf32>,
        %mul3A_615 = arith.constant 2 : i32
        %mul3A_616 = arith.muli %scan3A_568, %mul3A_615 : i32
        %add3A_617 = arith.constant 50 : i32
        %add3A_618 = arith.addi %add3A_617, %mul3A_616 : i32
        %add3A_619 = arith.constant 0 : i32
        %add3A_620 = arith.addi %add3A_618, %add3A_619 : i32
        %get3A_621 = arith.index_cast %add3A_620 : i32 to index
        %get3A_622 = arith.constant 32 : index
        %get3A_623 = tpu.vector_load %arg7[%get3A_621, %get3A_622] {strides = array<i32>} : memref<200x128xf32, #tpu.memory_space<vmem>>, vector<1x16xf32>,
        %get3A_624 = vector.shape_cast %get3A_623 : vector<1x16xf32> to vector<16xf32>
        %mul3A_625 = arith.constant 8.000000e+00 : f32
        %mul3A_626 = vector.broadcast %mul3A_625 : f32 to vector<16xf32>
        %mul3A_627 = arith.mulf %get3A_624, %mul3A_626 : vector<16xf32>
        %mul3A_628 = arith.constant 2 : i32
        %mul3A_629 = arith.muli %scan3A_568, %mul3A_628 : i32
        %add3A_630 = arith.constant 50 : i32
        %add3A_631 = arith.addi %add3A_630, %mul3A_629 : i32
        %add3A_632 = arith.constant 0 : i32
        %add3A_633 = arith.addi %add3A_631, %add3A_632 : i32
        %swap3A_634 = arith.index_cast %add3A_633 : i32 to index
        %swap3A_635 = arith.constant 32 : index
        %swap3A_636 = tpu.vector_load %arg9[%swap3A_634, %swap3A_635] {strides = array<i32>} : memref<200x64xf32, #tpu.memory_space<vmem>>, vector<1x16xf32>,
        %swap3A_637 = vector.shape_cast %swap3A_636 : vector<1x16xf32> to vector<16xf32>
        %swap3A_638 = vector.shape_cast %mul3A_627 : vector<16xf32> to vector<1x16xf32>
        tpu.vector_store %arg9[%swap3A_634, %swap3A_635], %swap3A_638 {strides = array<i32>} : memref<200x64xf32, #tpu.memory_space<vmem>>, vector<1x16xf32>,
        %mul3A_639 = arith.constant 2 : i32
        %mul3A_640 = arith.muli %scan3A_568, %mul3A_639 : i32
        %add3A_641 = arith.constant 50 : i32
        %add3A_642 = arith.addi %add3A_641, %mul3A_640 : i32
        %add3A_643 = arith.constant 0 : i32
        %add3A_644 = arith.addi %add3A_642, %add3A_643 : i32
        %get3A_645 = arith.index_cast %add3A_644 : i32 to index
        %get3A_646 = arith.constant 48 : index
        %get3A_647 = tpu.vector_load %arg7[%get3A_645, %get3A_646] {strides = array<i32>} : memref<200x128xf32, #tpu.memory_space<vmem>>, vector<1x16xf32>,
        %get3A_648 = vector.shape_cast %get3A_647 : vector<1x16xf32> to vector<16xf32>
        %mul3A_649 = arith.constant 8.000000e+00 : f32
        %mul3A_650 = vector.broadcast %mul3A_649 : f32 to vector<16xf32>
        %mul3A_651 = arith.mulf %get3A_648, %mul3A_650 : vector<16xf32>
        %mul3A_652 = arith.constant 2 : i32
        %mul3A_653 = arith.muli %scan3A_568, %mul3A_652 : i32
        %add3A_654 = arith.constant 50 : i32
        %add3A_655 = arith.addi %add3A_654, %mul3A_653 : i32
        %add3A_656 = arith.constant 0 : i32
        %add3A_657 = arith.addi %add3A_655, %add3A_656 : i32
        %swap3A_658 = arith.index_cast %add3A_657 : i32 to index
        %swap3A_659 = arith.constant 48 : index
        %swap3A_660 = tpu.vector_load %arg9[%swap3A_658, %swap3A_659] {strides = array<i32>} : memref<200x64xf32, #tpu.memory_space<vmem>>, vector<1x16xf32>,
        %swap3A_661 = vector.shape_cast %swap3A_660 : vector<1x16xf32> to vector<16xf32>
        %swap3A_662 = vector.shape_cast %mul3A_651 : vector<16xf32> to vector<1x16xf32>
        tpu.vector_store %arg9[%swap3A_658, %swap3A_659], %swap3A_662 {strides = array<i32>} : memref<200x64xf32, #tpu.memory_space<vmem>>, vector<1x16xf32>,
        %mul3A_663 = arith.constant 2 : i32
        %mul3A_664 = arith.muli %scan3A_568, %mul3A_663 : i32
        %add3A_665 = arith.constant 50 : i32
        %add3A_666 = arith.addi %add3A_665, %mul3A_664 : i32
        %add3A_667 = arith.constant 1 : i32
        %add3A_668 = arith.addi %add3A_666, %add3A_667 : i32
        %get3A_669 = arith.index_cast %add3A_668 : i32 to index
        %get3A_670 = arith.constant 0 : index
        %get3A_671 = tpu.vector_load %arg7[%get3A_669, %get3A_670] {strides = array<i32>} : memref<200x128xf32, #tpu.memory_space<vmem>>, vector<1x16xf32>,
        %get3A_672 = vector.shape_cast %get3A_671 : vector<1x16xf32> to vector<16xf32>
        %mul3A_673 = arith.constant 8.000000e+00 : f32
        %mul3A_674 = vector.broadcast %mul3A_673 : f32 to vector<16xf32>
        %mul3A_675 = arith.mulf %get3A_672, %mul3A_674 : vector<16xf32>
        %mul3A_676 = arith.constant 2 : i32
        %mul3A_677 = arith.muli %scan3A_568, %mul3A_676 : i32
        %add3A_678 = arith.constant 50 : i32
        %add3A_679 = arith.addi %add3A_678, %mul3A_677 : i32
        %add3A_680 = arith.constant 1 : i32
        %add3A_681 = arith.addi %add3A_679, %add3A_680 : i32
        %swap3A_682 = arith.index_cast %add3A_681 : i32 to index
        %swap3A_683 = arith.constant 0 : index
        %swap3A_684 = tpu.vector_load %arg9[%swap3A_682, %swap3A_683] {strides = array<i32>} : memref<200x64xf32, #tpu.memory_space<vmem>>, vector<1x16xf32>,
        %swap3A_685 = vector.shape_cast %swap3A_684 : vector<1x16xf32> to vector<16xf32>
        %swap3A_686 = vector.shape_cast %mul3A_675 : vector<16xf32> to vector<1x16xf32>
        tpu.vector_store %arg9[%swap3A_682, %swap3A_683], %swap3A_686 {strides = array<i32>} : memref<200x64xf32, #tpu.memory_space<vmem>>, vector<1x16xf32>,
        %mul3A_687 = arith.constant 2 : i32
        %mul3A_688 = arith.muli %scan3A_568, %mul3A_687 : i32
        %add3A_689 = arith.constant 50 : i32
        %add3A_690 = arith.addi %add3A_689, %mul3A_688 : i32
        %add3A_691 = arith.constant 1 : i32
        %add3A_692 = arith.addi %add3A_690, %add3A_691 : i32
        %get3A_693 = arith.index_cast %add3A_692 : i32 to index
        %get3A_694 = arith.constant 16 : index
        %get3A_695 = tpu.vector_load %arg7[%get3A_693, %get3A_694] {strides = array<i32>} : memref<200x128xf32, #tpu.memory_space<vmem>>, vector<1x16xf32>,
        %get3A_696 = vector.shape_cast %get3A_695 : vector<1x16xf32> to vector<16xf32>
        %mul3A_697 = arith.constant 8.000000e+00 : f32
        %mul3A_698 = vector.broadcast %mul3A_697 : f32 to vector<16xf32>
        %mul3A_699 = arith.mulf %get3A_696, %mul3A_698 : vector<16xf32>
        %mul3A_700 = arith.constant 2 : i32
        %mul3A_701 = arith.muli %scan3A_568, %mul3A_700 : i32
        %add3A_702 = arith.constant 50 : i32
        %add3A_703 = arith.addi %add3A_702, %mul3A_701 : i32
        %add3A_704 = arith.constant 1 : i32
        %add3A_705 = arith.addi %add3A_703, %add3A_704 : i32
        %swap3A_706 = arith.index_cast %add3A_705 : i32 to index
        %swap3A_707 = arith.constant 16 : index
        %swap3A_708 = tpu.vector_load %arg9[%swap3A_706, %swap3A_707] {strides = array<i32>} : memref<200x64xf32, #tpu.memory_space<vmem>>, vector<1x16xf32>,
        %swap3A_709 = vector.shape_cast %swap3A_708 : vector<1x16xf32> to vector<16xf32>
        %swap3A_710 = vector.shape_cast %mul3A_699 : vector<16xf32> to vector<1x16xf32>
        tpu.vector_store %arg9[%swap3A_706, %swap3A_707], %swap3A_710 {strides = array<i32>} : memref<200x64xf32, #tpu.memory_space<vmem>>, vector<1x16xf32>,
        %mul3A_711 = arith.constant 2 : i32
        %mul3A_712 = arith.muli %scan3A_568, %mul3A_711 : i32
        %add3A_713 = arith.constant 50 : i32
        %add3A_714 = arith.addi %add3A_713, %mul3A_712 : i32
        %add3A_715 = arith.constant 1 : i32
        %add3A_716 = arith.addi %add3A_714, %add3A_715 : i32
        %get3A_717 = arith.index_cast %add3A_716 : i32 to index
        %get3A_718 = arith.constant 32 : index
        %get3A_719 = tpu.vector_load %arg7[%get3A_717, %get3A_718] {strides = array<i32>} : memref<200x128xf32, #tpu.memory_space<vmem>>, vector<1x16xf32>,
        %get3A_720 = vector.shape_cast %get3A_719 : vector<1x16xf32> to vector<16xf32>
        %mul3A_721 = arith.constant 8.000000e+00 : f32
        %mul3A_722 = vector.broadcast %mul3A_721 : f32 to vector<16xf32>
        %mul3A_723 = arith.mulf %get3A_720, %mul3A_722 : vector<16xf32>
        %mul3A_724 = arith.constant 2 : i32
        %mul3A_725 = arith.muli %scan3A_568, %mul3A_724 : i32
        %add3A_726 = arith.constant 50 : i32
        %add3A_727 = arith.addi %add3A_726, %mul3A_725 : i32
        %add3A_728 = arith.constant 1 : i32
        %add3A_729 = arith.addi %add3A_727, %add3A_728 : i32
        %swap3A_730 = arith.index_cast %add3A_729 : i32 to index
        %swap3A_731 = arith.constant 32 : index
        %swap3A_732 = tpu.vector_load %arg9[%swap3A_730, %swap3A_731] {strides = array<i32>} : memref<200x64xf32, #tpu.memory_space<vmem>>, vector<1x16xf32>,
        %swap3A_733 = vector.shape_cast %swap3A_732 : vector<1x16xf32> to vector<16xf32>
        %swap3A_734 = vector.shape_cast %mul3A_723 : vector<16xf32> to vector<1x16xf32>
        tpu.vector_store %arg9[%swap3A_730, %swap3A_731], %swap3A_734 {strides = array<i32>} : memref<200x64xf32, #tpu.memory_space<vmem>>, vector<1x16xf32>,
        %mul3A_735 = arith.constant 2 : i32
        %mul3A_736 = arith.muli %scan3A_568, %mul3A_735 : i32
        %add3A_737 = arith.constant 50 : i32
        %add3A_738 = arith.addi %add3A_737, %mul3A_736 : i32
        %add3A_739 = arith.constant 1 : i32
        %add3A_740 = arith.addi %add3A_738, %add3A_739 : i32
        %get3A_741 = arith.index_cast %add3A_740 : i32 to index
        %get3A_742 = arith.constant 48 : index
        %get3A_743 = tpu.vector_load %arg7[%get3A_741, %get3A_742] {strides = array<i32>} : memref<200x128xf32, #tpu.memory_space<vmem>>, vector<1x16xf32>,
        %get3A_744 = vector.shape_cast %get3A_743 : vector<1x16xf32> to vector<16xf32>
        %mul3A_745 = arith.constant 8.000000e+00 : f32
        %mul3A_746 = vector.broadcast %mul3A_745 : f32 to vector<16xf32>
        %mul3A_747 = arith.mulf %get3A_744, %mul3A_746 : vector<16xf32>
        %mul3A_748 = arith.constant 2 : i32
        %mul3A_749 = arith.muli %scan3A_568, %mul3A_748 : i32
        %add3A_750 = arith.constant 50 : i32
        %add3A_751 = arith.addi %add3A_750, %mul3A_749 : i32
        %add3A_752 = arith.constant 1 : i32
        %add3A_753 = arith.addi %add3A_751, %add3A_752 : i32
        %swap3A_754 = arith.index_cast %add3A_753 : i32 to index
        %swap3A_755 = arith.constant 48 : index
        %swap3A_756 = tpu.vector_load %arg9[%swap3A_754, %swap3A_755] {strides = array<i32>} : memref<200x64xf32, #tpu.memory_space<vmem>>, vector<1x16xf32>,
        %swap3A_757 = vector.shape_cast %swap3A_756 : vector<1x16xf32> to vector<16xf32>
        %swap3A_758 = vector.shape_cast %mul3A_747 : vector<16xf32> to vector<1x16xf32>
        tpu.vector_store %arg9[%swap3A_754, %swap3A_755], %swap3A_758 {strides = array<i32>} : memref<200x64xf32, #tpu.memory_space<vmem>>, vector<1x16xf32>,
      }
      %scan3A_266 = arith.constant 25 : i32
      %mul3A_267 = arith.constant 4 : i32
      %mul3A_268 = arith.muli %mul3A_235, %mul3A_267 : i32
      %add3A_269 = arith.addi %mul3A_2, %mul3A_268 : i32
      %add3A_270 = arith.constant 1 : i32
      %add3A_271 = arith.addi %add3A_269, %add3A_270 : i32
      %dma_start3A_272 = arith.constant 50 : i32
      %dma_start3A_273 = arith.constant 0 : i32
      %dma_start3A_274 = tpu.memref_slice %arg9[%dma_start3A_272, %dma_start3A_273] : memref<200x64xf32, #tpu.memory_space<vmem>> -> memref<50x64xf32, #tpu.memory_space<vmem>>
      %dma_start3A_275 = arith.constant 0 : i32
      %dma_start3A_276 = arith.constant 0 : i32
      %dma_start3A_277 = tpu.memref_slice %arg4[%add3A_271, %dma_start3A_275, %dma_start3A_276] : memref<16384x50x64xf32, #tpu.memory_space<hbm>> -> memref<1x50x64xf32, #tpu.memory_space<hbm>>
      %dma_start3A_278 = tpu.memref_squeeze %dma_start3A_277 : memref<1x50x64xf32, #tpu.memory_space<hbm>> -> memref<50x64xf32, #tpu.memory_space<hbm>>
      %dma_start3A_279 = arith.constant 0 : i32
      %dma_start3A_280 = arith.constant 0 : i32
      %dma_start3A_281 = tpu.memref_slice %arg4[%add3A_271, %dma_start3A_279, %dma_start3A_280] : memref<16384x50x64xf32, #tpu.memory_space<hbm>> -> memref<1x50x64xf32, #tpu.memory_space<hbm>>
      %dma_start3A_282 = tpu.memref_squeeze %dma_start3A_281 : memref<1x50x64xf32, #tpu.memory_space<hbm>> -> memref<50x64xf32, #tpu.memory_space<hbm>>
      %dma_start3A_283 = arith.constant 50 : i32
      %dma_start3A_284 = arith.constant 0 : i32
      %dma_start3A_285 = tpu.memref_slice %arg9[%dma_start3A_283, %dma_start3A_284] : memref<200x64xf32, #tpu.memory_space<vmem>> -> memref<50x64xf32, #tpu.memory_space<vmem>>
      tpu.enqueue_dma source(%dma_start3A_285 : memref<50x64xf32, #tpu.memory_space<vmem>>) target(%dma_start3A_282 : memref<50x64xf32, #tpu.memory_space<hbm>>) target_semaphore(%arg13 : memref<!tpu.dma_semaphore, #tpu.memory_space<semaphore_mem>>)
      %scan3A_286 = arith.constant 0 : i32
      %scan3A_287 = arith.constant 0 : i32
      %scan3A_288 = arith.constant 25 : i32
      %scan3A_289 = arith.addi %scan3A_287, %scan3A_288 : i32
      %scan3A_290 = arith.constant 1 : i32
      scf.for %scan3A_568 = %scan3A_287 to %scan3A_289 step %scan3A_290  : i32 {
        %mul3A_569 = arith.constant 2 : i32
        %mul3A_570 = arith.muli %scan3A_568, %mul3A_569 : i32
        %add3A_571 = arith.constant 100 : i32
        %add3A_572 = arith.addi %add3A_571, %mul3A_570 : i32
        %add3A_573 = arith.constant 0 : i32
        %add3A_574 = arith.addi %add3A_572, %add3A_573 : i32
        %get3A = arith.index_cast %add3A_574 : i32 to index
        %get3A_575 = arith.constant 0 : index
        %get3A_576 = tpu.vector_load %arg7[%get3A, %get3A_575] {strides = array<i32>} : memref<200x128xf32, #tpu.memory_space<vmem>>, vector<1x16xf32>,
        %get3A_577 = vector.shape_cast %get3A_576 : vector<1x16xf32> to vector<16xf32>
        %mul3A_578 = arith.constant 8.000000e+00 : f32
        %mul3A_579 = vector.broadcast %mul3A_578 : f32 to vector<16xf32>
        %mul3A_580 = arith.mulf %get3A_577, %mul3A_579 : vector<16xf32>
        %mul3A_581 = arith.constant 2 : i32
        %mul3A_582 = arith.muli %scan3A_568, %mul3A_581 : i32
        %add3A_583 = arith.constant 100 : i32
        %add3A_584 = arith.addi %add3A_583, %mul3A_582 : i32
        %add3A_585 = arith.constant 0 : i32
        %add3A_586 = arith.addi %add3A_584, %add3A_585 : i32
        %swap3A = arith.index_cast %add3A_586 : i32 to index
        %swap3A_587 = arith.constant 0 : index
        %swap3A_588 = tpu.vector_load %arg9[%swap3A, %swap3A_587] {strides = array<i32>} : memref<200x64xf32, #tpu.memory_space<vmem>>, vector<1x16xf32>,
        %swap3A_589 = vector.shape_cast %swap3A_588 : vector<1x16xf32> to vector<16xf32>
        %swap3A_590 = vector.shape_cast %mul3A_580 : vector<16xf32> to vector<1x16xf32>
        tpu.vector_store %arg9[%swap3A, %swap3A_587], %swap3A_590 {strides = array<i32>} : memref<200x64xf32, #tpu.memory_space<vmem>>, vector<1x16xf32>,
        %mul3A_591 = arith.constant 2 : i32
        %mul3A_592 = arith.muli %scan3A_568, %mul3A_591 : i32
        %add3A_593 = arith.constant 100 : i32
        %add3A_594 = arith.addi %add3A_593, %mul3A_592 : i32
        %add3A_595 = arith.constant 0 : i32
        %add3A_596 = arith.addi %add3A_594, %add3A_595 : i32
        %get3A_597 = arith.index_cast %add3A_596 : i32 to index
        %get3A_598 = arith.constant 16 : index
        %get3A_599 = tpu.vector_load %arg7[%get3A_597, %get3A_598] {strides = array<i32>} : memref<200x128xf32, #tpu.memory_space<vmem>>, vector<1x16xf32>,
        %get3A_600 = vector.shape_cast %get3A_599 : vector<1x16xf32> to vector<16xf32>
        %mul3A_601 = arith.constant 8.000000e+00 : f32
        %mul3A_602 = vector.broadcast %mul3A_601 : f32 to vector<16xf32>
        %mul3A_603 = arith.mulf %get3A_600, %mul3A_602 : vector<16xf32>
        %mul3A_604 = arith.constant 2 : i32
        %mul3A_605 = arith.muli %scan3A_568, %mul3A_604 : i32
        %add3A_606 = arith.constant 100 : i32
        %add3A_607 = arith.addi %add3A_606, %mul3A_605 : i32
        %add3A_608 = arith.constant 0 : i32
        %add3A_609 = arith.addi %add3A_607, %add3A_608 : i32
        %swap3A_610 = arith.index_cast %add3A_609 : i32 to index
        %swap3A_611 = arith.constant 16 : index
        %swap3A_612 = tpu.vector_load %arg9[%swap3A_610, %swap3A_611] {strides = array<i32>} : memref<200x64xf32, #tpu.memory_space<vmem>>, vector<1x16xf32>,
        %swap3A_613 = vector.shape_cast %swap3A_612 : vector<1x16xf32> to vector<16xf32>
        %swap3A_614 = vector.shape_cast %mul3A_603 : vector<16xf32> to vector<1x16xf32>
        tpu.vector_store %arg9[%swap3A_610, %swap3A_611], %swap3A_614 {strides = array<i32>} : memref<200x64xf32, #tpu.memory_space<vmem>>, vector<1x16xf32>,
        %mul3A_615 = arith.constant 2 : i32
        %mul3A_616 = arith.muli %scan3A_568, %mul3A_615 : i32
        %add3A_617 = arith.constant 100 : i32
        %add3A_618 = arith.addi %add3A_617, %mul3A_616 : i32
        %add3A_619 = arith.constant 0 : i32
        %add3A_620 = arith.addi %add3A_618, %add3A_619 : i32
        %get3A_621 = arith.index_cast %add3A_620 : i32 to index
        %get3A_622 = arith.constant 32 : index
        %get3A_623 = tpu.vector_load %arg7[%get3A_621, %get3A_622] {strides = array<i32>} : memref<200x128xf32, #tpu.memory_space<vmem>>, vector<1x16xf32>,
        %get3A_624 = vector.shape_cast %get3A_623 : vector<1x16xf32> to vector<16xf32>
        %mul3A_625 = arith.constant 8.000000e+00 : f32
        %mul3A_626 = vector.broadcast %mul3A_625 : f32 to vector<16xf32>
        %mul3A_627 = arith.mulf %get3A_624, %mul3A_626 : vector<16xf32>
        %mul3A_628 = arith.constant 2 : i32
        %mul3A_629 = arith.muli %scan3A_568, %mul3A_628 : i32
        %add3A_630 = arith.constant 100 : i32
        %add3A_631 = arith.addi %add3A_630, %mul3A_629 : i32
        %add3A_632 = arith.constant 0 : i32
        %add3A_633 = arith.addi %add3A_631, %add3A_632 : i32
        %swap3A_634 = arith.index_cast %add3A_633 : i32 to index
        %swap3A_635 = arith.constant 32 : index
        %swap3A_636 = tpu.vector_load %arg9[%swap3A_634, %swap3A_635] {strides = array<i32>} : memref<200x64xf32, #tpu.memory_space<vmem>>, vector<1x16xf32>,
        %swap3A_637 = vector.shape_cast %swap3A_636 : vector<1x16xf32> to vector<16xf32>
        %swap3A_638 = vector.shape_cast %mul3A_627 : vector<16xf32> to vector<1x16xf32>
        tpu.vector_store %arg9[%swap3A_634, %swap3A_635], %swap3A_638 {strides = array<i32>} : memref<200x64xf32, #tpu.memory_space<vmem>>, vector<1x16xf32>,
        %mul3A_639 = arith.constant 2 : i32
        %mul3A_640 = arith.muli %scan3A_568, %mul3A_639 : i32
        %add3A_641 = arith.constant 100 : i32
        %add3A_642 = arith.addi %add3A_641, %mul3A_640 : i32
        %add3A_643 = arith.constant 0 : i32
        %add3A_644 = arith.addi %add3A_642, %add3A_643 : i32
        %get3A_645 = arith.index_cast %add3A_644 : i32 to index
        %get3A_646 = arith.constant 48 : index
        %get3A_647 = tpu.vector_load %arg7[%get3A_645, %get3A_646] {strides = array<i32>} : memref<200x128xf32, #tpu.memory_space<vmem>>, vector<1x16xf32>,
        %get3A_648 = vector.shape_cast %get3A_647 : vector<1x16xf32> to vector<16xf32>
        %mul3A_649 = arith.constant 8.000000e+00 : f32
        %mul3A_650 = vector.broadcast %mul3A_649 : f32 to vector<16xf32>
        %mul3A_651 = arith.mulf %get3A_648, %mul3A_650 : vector<16xf32>
        %mul3A_652 = arith.constant 2 : i32
        %mul3A_653 = arith.muli %scan3A_568, %mul3A_652 : i32
        %add3A_654 = arith.constant 100 : i32
        %add3A_655 = arith.addi %add3A_654, %mul3A_653 : i32
        %add3A_656 = arith.constant 0 : i32
        %add3A_657 = arith.addi %add3A_655, %add3A_656 : i32
        %swap3A_658 = arith.index_cast %add3A_657 : i32 to index
        %swap3A_659 = arith.constant 48 : index
        %swap3A_660 = tpu.vector_load %arg9[%swap3A_658, %swap3A_659] {strides = array<i32>} : memref<200x64xf32, #tpu.memory_space<vmem>>, vector<1x16xf32>,
        %swap3A_661 = vector.shape_cast %swap3A_660 : vector<1x16xf32> to vector<16xf32>
        %swap3A_662 = vector.shape_cast %mul3A_651 : vector<16xf32> to vector<1x16xf32>
        tpu.vector_store %arg9[%swap3A_658, %swap3A_659], %swap3A_662 {strides = array<i32>} : memref<200x64xf32, #tpu.memory_space<vmem>>, vector<1x16xf32>,
        %mul3A_663 = arith.constant 2 : i32
        %mul3A_664 = arith.muli %scan3A_568, %mul3A_663 : i32
        %add3A_665 = arith.constant 100 : i32
        %add3A_666 = arith.addi %add3A_665, %mul3A_664 : i32
        %add3A_667 = arith.constant 1 : i32
        %add3A_668 = arith.addi %add3A_666, %add3A_667 : i32
        %get3A_669 = arith.index_cast %add3A_668 : i32 to index
        %get3A_670 = arith.constant 0 : index
        %get3A_671 = tpu.vector_load %arg7[%get3A_669, %get3A_670] {strides = array<i32>} : memref<200x128xf32, #tpu.memory_space<vmem>>, vector<1x16xf32>,
        %get3A_672 = vector.shape_cast %get3A_671 : vector<1x16xf32> to vector<16xf32>
        %mul3A_673 = arith.constant 8.000000e+00 : f32
        %mul3A_674 = vector.broadcast %mul3A_673 : f32 to vector<16xf32>
        %mul3A_675 = arith.mulf %get3A_672, %mul3A_674 : vector<16xf32>
        %mul3A_676 = arith.constant 2 : i32
        %mul3A_677 = arith.muli %scan3A_568, %mul3A_676 : i32
        %add3A_678 = arith.constant 100 : i32
        %add3A_679 = arith.addi %add3A_678, %mul3A_677 : i32
        %add3A_680 = arith.constant 1 : i32
        %add3A_681 = arith.addi %add3A_679, %add3A_680 : i32
        %swap3A_682 = arith.index_cast %add3A_681 : i32 to index
        %swap3A_683 = arith.constant 0 : index
        %swap3A_684 = tpu.vector_load %arg9[%swap3A_682, %swap3A_683] {strides = array<i32>} : memref<200x64xf32, #tpu.memory_space<vmem>>, vector<1x16xf32>,
        %swap3A_685 = vector.shape_cast %swap3A_684 : vector<1x16xf32> to vector<16xf32>
        %swap3A_686 = vector.shape_cast %mul3A_675 : vector<16xf32> to vector<1x16xf32>
        tpu.vector_store %arg9[%swap3A_682, %swap3A_683], %swap3A_686 {strides = array<i32>} : memref<200x64xf32, #tpu.memory_space<vmem>>, vector<1x16xf32>,
        %mul3A_687 = arith.constant 2 : i32
        %mul3A_688 = arith.muli %scan3A_568, %mul3A_687 : i32
        %add3A_689 = arith.constant 100 : i32
        %add3A_690 = arith.addi %add3A_689, %mul3A_688 : i32
        %add3A_691 = arith.constant 1 : i32
        %add3A_692 = arith.addi %add3A_690, %add3A_691 : i32
        %get3A_693 = arith.index_cast %add3A_692 : i32 to index
        %get3A_694 = arith.constant 16 : index
        %get3A_695 = tpu.vector_load %arg7[%get3A_693, %get3A_694] {strides = array<i32>} : memref<200x128xf32, #tpu.memory_space<vmem>>, vector<1x16xf32>,
        %get3A_696 = vector.shape_cast %get3A_695 : vector<1x16xf32> to vector<16xf32>
        %mul3A_697 = arith.constant 8.000000e+00 : f32
        %mul3A_698 = vector.broadcast %mul3A_697 : f32 to vector<16xf32>
        %mul3A_699 = arith.mulf %get3A_696, %mul3A_698 : vector<16xf32>
        %mul3A_700 = arith.constant 2 : i32
        %mul3A_701 = arith.muli %scan3A_568, %mul3A_700 : i32
        %add3A_702 = arith.constant 100 : i32
        %add3A_703 = arith.addi %add3A_702, %mul3A_701 : i32
        %add3A_704 = arith.constant 1 : i32
        %add3A_705 = arith.addi %add3A_703, %add3A_704 : i32
        %swap3A_706 = arith.index_cast %add3A_705 : i32 to index
        %swap3A_707 = arith.constant 16 : index
        %swap3A_708 = tpu.vector_load %arg9[%swap3A_706, %swap3A_707] {strides = array<i32>} : memref<200x64xf32, #tpu.memory_space<vmem>>, vector<1x16xf32>,
        %swap3A_709 = vector.shape_cast %swap3A_708 : vector<1x16xf32> to vector<16xf32>
        %swap3A_710 = vector.shape_cast %mul3A_699 : vector<16xf32> to vector<1x16xf32>
        tpu.vector_store %arg9[%swap3A_706, %swap3A_707], %swap3A_710 {strides = array<i32>} : memref<200x64xf32, #tpu.memory_space<vmem>>, vector<1x16xf32>,
        %mul3A_711 = arith.constant 2 : i32
        %mul3A_712 = arith.muli %scan3A_568, %mul3A_711 : i32
        %add3A_713 = arith.constant 100 : i32
        %add3A_714 = arith.addi %add3A_713, %mul3A_712 : i32
        %add3A_715 = arith.constant 1 : i32
        %add3A_716 = arith.addi %add3A_714, %add3A_715 : i32
        %get3A_717 = arith.index_cast %add3A_716 : i32 to index
        %get3A_718 = arith.constant 32 : index
        %get3A_719 = tpu.vector_load %arg7[%get3A_717, %get3A_718] {strides = array<i32>} : memref<200x128xf32, #tpu.memory_space<vmem>>, vector<1x16xf32>,
        %get3A_720 = vector.shape_cast %get3A_719 : vector<1x16xf32> to vector<16xf32>
        %mul3A_721 = arith.constant 8.000000e+00 : f32
        %mul3A_722 = vector.broadcast %mul3A_721 : f32 to vector<16xf32>
        %mul3A_723 = arith.mulf %get3A_720, %mul3A_722 : vector<16xf32>
        %mul3A_724 = arith.constant 2 : i32
        %mul3A_725 = arith.muli %scan3A_568, %mul3A_724 : i32
        %add3A_726 = arith.constant 100 : i32
        %add3A_727 = arith.addi %add3A_726, %mul3A_725 : i32
        %add3A_728 = arith.constant 1 : i32
        %add3A_729 = arith.addi %add3A_727, %add3A_728 : i32
        %swap3A_730 = arith.index_cast %add3A_729 : i32 to index
        %swap3A_731 = arith.constant 32 : index
        %swap3A_732 = tpu.vector_load %arg9[%swap3A_730, %swap3A_731] {strides = array<i32>} : memref<200x64xf32, #tpu.memory_space<vmem>>, vector<1x16xf32>,
        %swap3A_733 = vector.shape_cast %swap3A_732 : vector<1x16xf32> to vector<16xf32>
        %swap3A_734 = vector.shape_cast %mul3A_723 : vector<16xf32> to vector<1x16xf32>
        tpu.vector_store %arg9[%swap3A_730, %swap3A_731], %swap3A_734 {strides = array<i32>} : memref<200x64xf32, #tpu.memory_space<vmem>>, vector<1x16xf32>,
        %mul3A_735 = arith.constant 2 : i32
        %mul3A_736 = arith.muli %scan3A_568, %mul3A_735 : i32
        %add3A_737 = arith.constant 100 : i32
        %add3A_738 = arith.addi %add3A_737, %mul3A_736 : i32
        %add3A_739 = arith.constant 1 : i32
        %add3A_740 = arith.addi %add3A_738, %add3A_739 : i32
        %get3A_741 = arith.index_cast %add3A_740 : i32 to index
        %get3A_742 = arith.constant 48 : index
        %get3A_743 = tpu.vector_load %arg7[%get3A_741, %get3A_742] {strides = array<i32>} : memref<200x128xf32, #tpu.memory_space<vmem>>, vector<1x16xf32>,
        %get3A_744 = vector.shape_cast %get3A_743 : vector<1x16xf32> to vector<16xf32>
        %mul3A_745 = arith.constant 8.000000e+00 : f32
        %mul3A_746 = vector.broadcast %mul3A_745 : f32 to vector<16xf32>
        %mul3A_747 = arith.mulf %get3A_744, %mul3A_746 : vector<16xf32>
        %mul3A_748 = arith.constant 2 : i32
        %mul3A_749 = arith.muli %scan3A_568, %mul3A_748 : i32
        %add3A_750 = arith.constant 100 : i32
        %add3A_751 = arith.addi %add3A_750, %mul3A_749 : i32
        %add3A_752 = arith.constant 1 : i32
        %add3A_753 = arith.addi %add3A_751, %add3A_752 : i32
        %swap3A_754 = arith.index_cast %add3A_753 : i32 to index
        %swap3A_755 = arith.constant 48 : index
        %swap3A_756 = tpu.vector_load %arg9[%swap3A_754, %swap3A_755] {strides = array<i32>} : memref<200x64xf32, #tpu.memory_space<vmem>>, vector<1x16xf32>,
        %swap3A_757 = vector.shape_cast %swap3A_756 : vector<1x16xf32> to vector<16xf32>
        %swap3A_758 = vector.shape_cast %mul3A_747 : vector<16xf32> to vector<1x16xf32>
        tpu.vector_store %arg9[%swap3A_754, %swap3A_755], %swap3A_758 {strides = array<i32>} : memref<200x64xf32, #tpu.memory_space<vmem>>, vector<1x16xf32>,
      }
      %scan3A_291 = arith.constant 25 : i32
      %mul3A_292 = arith.constant 4 : i32
      %mul3A_293 = arith.muli %mul3A_235, %mul3A_292 : i32
      %add3A_294 = arith.addi %mul3A_2, %mul3A_293 : i32
      %add3A_295 = arith.constant 2 : i32
      %add3A_296 = arith.addi %add3A_294, %add3A_295 : i32
      %dma_start3A_297 = arith.constant 100 : i32
      %dma_start3A_298 = arith.constant 0 : i32
      %dma_start3A_299 = tpu.memref_slice %arg9[%dma_start3A_297, %dma_start3A_298] : memref<200x64xf32, #tpu.memory_space<vmem>> -> memref<50x64xf32, #tpu.memory_space<vmem>>
      %dma_start3A_300 = arith.constant 0 : i32
      %dma_start3A_301 = arith.constant 0 : i32
      %dma_start3A_302 = tpu.memref_slice %arg4[%add3A_296, %dma_start3A_300, %dma_start3A_301] : memref<16384x50x64xf32, #tpu.memory_space<hbm>> -> memref<1x50x64xf32, #tpu.memory_space<hbm>>
      %dma_start3A_303 = tpu.memref_squeeze %dma_start3A_302 : memref<1x50x64xf32, #tpu.memory_space<hbm>> -> memref<50x64xf32, #tpu.memory_space<hbm>>
      %dma_start3A_304 = arith.constant 0 : i32
      %dma_start3A_305 = arith.constant 0 : i32
      %dma_start3A_306 = tpu.memref_slice %arg4[%add3A_296, %dma_start3A_304, %dma_start3A_305] : memref<16384x50x64xf32, #tpu.memory_space<hbm>> -> memref<1x50x64xf32, #tpu.memory_space<hbm>>
      %dma_start3A_307 = tpu.memref_squeeze %dma_start3A_306 : memref<1x50x64xf32, #tpu.memory_space<hbm>> -> memref<50x64xf32, #tpu.memory_space<hbm>>
      %dma_start3A_308 = arith.constant 100 : i32
      %dma_start3A_309 = arith.constant 0 : i32
      %dma_start3A_310 = tpu.memref_slice %arg9[%dma_start3A_308, %dma_start3A_309] : memref<200x64xf32, #tpu.memory_space<vmem>> -> memref<50x64xf32, #tpu.memory_space<vmem>>
      tpu.enqueue_dma source(%dma_start3A_310 : memref<50x64xf32, #tpu.memory_space<vmem>>) target(%dma_start3A_307 : memref<50x64xf32, #tpu.memory_space<hbm>>) target_semaphore(%arg13 : memref<!tpu.dma_semaphore, #tpu.memory_space<semaphore_mem>>)
      %scan3A_311 = arith.constant 0 : i32
      %scan3A_312 = arith.constant 0 : i32
      %scan3A_313 = arith.constant 25 : i32
      %scan3A_314 = arith.addi %scan3A_312, %scan3A_313 : i32
      %scan3A_315 = arith.constant 1 : i32
      scf.for %scan3A_568 = %scan3A_312 to %scan3A_314 step %scan3A_315  : i32 {
        %mul3A_569 = arith.constant 2 : i32
        %mul3A_570 = arith.muli %scan3A_568, %mul3A_569 : i32
        %add3A_571 = arith.constant 150 : i32
        %add3A_572 = arith.addi %add3A_571, %mul3A_570 : i32
        %add3A_573 = arith.constant 0 : i32
        %add3A_574 = arith.addi %add3A_572, %add3A_573 : i32
        %get3A = arith.index_cast %add3A_574 : i32 to index
        %get3A_575 = arith.constant 0 : index
        %get3A_576 = tpu.vector_load %arg7[%get3A, %get3A_575] {strides = array<i32>} : memref<200x128xf32, #tpu.memory_space<vmem>>, vector<1x16xf32>,
        %get3A_577 = vector.shape_cast %get3A_576 : vector<1x16xf32> to vector<16xf32>
        %mul3A_578 = arith.constant 8.000000e+00 : f32
        %mul3A_579 = vector.broadcast %mul3A_578 : f32 to vector<16xf32>
        %mul3A_580 = arith.mulf %get3A_577, %mul3A_579 : vector<16xf32>
        %mul3A_581 = arith.constant 2 : i32
        %mul3A_582 = arith.muli %scan3A_568, %mul3A_581 : i32
        %add3A_583 = arith.constant 150 : i32
        %add3A_584 = arith.addi %add3A_583, %mul3A_582 : i32
        %add3A_585 = arith.constant 0 : i32
        %add3A_586 = arith.addi %add3A_584, %add3A_585 : i32
        %swap3A = arith.index_cast %add3A_586 : i32 to index
        %swap3A_587 = arith.constant 0 : index
        %swap3A_588 = tpu.vector_load %arg9[%swap3A, %swap3A_587] {strides = array<i32>} : memref<200x64xf32, #tpu.memory_space<vmem>>, vector<1x16xf32>,
        %swap3A_589 = vector.shape_cast %swap3A_588 : vector<1x16xf32> to vector<16xf32>
        %swap3A_590 = vector.shape_cast %mul3A_580 : vector<16xf32> to vector<1x16xf32>
        tpu.vector_store %arg9[%swap3A, %swap3A_587], %swap3A_590 {strides = array<i32>} : memref<200x64xf32, #tpu.memory_space<vmem>>, vector<1x16xf32>,
        %mul3A_591 = arith.constant 2 : i32
        %mul3A_592 = arith.muli %scan3A_568, %mul3A_591 : i32
        %add3A_593 = arith.constant 150 : i32
        %add3A_594 = arith.addi %add3A_593, %mul3A_592 : i32
        %add3A_595 = arith.constant 0 : i32
        %add3A_596 = arith.addi %add3A_594, %add3A_595 : i32
        %get3A_597 = arith.index_cast %add3A_596 : i32 to index
        %get3A_598 = arith.constant 16 : index
        %get3A_599 = tpu.vector_load %arg7[%get3A_597, %get3A_598] {strides = array<i32>} : memref<200x128xf32, #tpu.memory_space<vmem>>, vector<1x16xf32>,
        %get3A_600 = vector.shape_cast %get3A_599 : vector<1x16xf32> to vector<16xf32>
        %mul3A_601 = arith.constant 8.000000e+00 : f32
        %mul3A_602 = vector.broadcast %mul3A_601 : f32 to vector<16xf32>
        %mul3A_603 = arith.mulf %get3A_600, %mul3A_602 : vector<16xf32>
        %mul3A_604 = arith.constant 2 : i32
        %mul3A_605 = arith.muli %scan3A_568, %mul3A_604 : i32
        %add3A_606 = arith.constant 150 : i32
        %add3A_607 = arith.addi %add3A_606, %mul3A_605 : i32
        %add3A_608 = arith.constant 0 : i32
        %add3A_609 = arith.addi %add3A_607, %add3A_608 : i32
        %swap3A_610 = arith.index_cast %add3A_609 : i32 to index
        %swap3A_611 = arith.constant 16 : index
        %swap3A_612 = tpu.vector_load %arg9[%swap3A_610, %swap3A_611] {strides = array<i32>} : memref<200x64xf32, #tpu.memory_space<vmem>>, vector<1x16xf32>,
        %swap3A_613 = vector.shape_cast %swap3A_612 : vector<1x16xf32> to vector<16xf32>
        %swap3A_614 = vector.shape_cast %mul3A_603 : vector<16xf32> to vector<1x16xf32>
        tpu.vector_store %arg9[%swap3A_610, %swap3A_611], %swap3A_614 {strides = array<i32>} : memref<200x64xf32, #tpu.memory_space<vmem>>, vector<1x16xf32>,
        %mul3A_615 = arith.constant 2 : i32
        %mul3A_616 = arith.muli %scan3A_568, %mul3A_615 : i32
        %add3A_617 = arith.constant 150 : i32
        %add3A_618 = arith.addi %add3A_617, %mul3A_616 : i32
        %add3A_619 = arith.constant 0 : i32
        %add3A_620 = arith.addi %add3A_618, %add3A_619 : i32
        %get3A_621 = arith.index_cast %add3A_620 : i32 to index
        %get3A_622 = arith.constant 32 : index
        %get3A_623 = tpu.vector_load %arg7[%get3A_621, %get3A_622] {strides = array<i32>} : memref<200x128xf32, #tpu.memory_space<vmem>>, vector<1x16xf32>,
        %get3A_624 = vector.shape_cast %get3A_623 : vector<1x16xf32> to vector<16xf32>
        %mul3A_625 = arith.constant 8.000000e+00 : f32
        %mul3A_626 = vector.broadcast %mul3A_625 : f32 to vector<16xf32>
        %mul3A_627 = arith.mulf %get3A_624, %mul3A_626 : vector<16xf32>
        %mul3A_628 = arith.constant 2 : i32
        %mul3A_629 = arith.muli %scan3A_568, %mul3A_628 : i32
        %add3A_630 = arith.constant 150 : i32
        %add3A_631 = arith.addi %add3A_630, %mul3A_629 : i32
        %add3A_632 = arith.constant 0 : i32
        %add3A_633 = arith.addi %add3A_631, %add3A_632 : i32
        %swap3A_634 = arith.index_cast %add3A_633 : i32 to index
        %swap3A_635 = arith.constant 32 : index
        %swap3A_636 = tpu.vector_load %arg9[%swap3A_634, %swap3A_635] {strides = array<i32>} : memref<200x64xf32, #tpu.memory_space<vmem>>, vector<1x16xf32>,
        %swap3A_637 = vector.shape_cast %swap3A_636 : vector<1x16xf32> to vector<16xf32>
        %swap3A_638 = vector.shape_cast %mul3A_627 : vector<16xf32> to vector<1x16xf32>
        tpu.vector_store %arg9[%swap3A_634, %swap3A_635], %swap3A_638 {strides = array<i32>} : memref<200x64xf32, #tpu.memory_space<vmem>>, vector<1x16xf32>,
        %mul3A_639 = arith.constant 2 : i32
        %mul3A_640 = arith.muli %scan3A_568, %mul3A_639 : i32
        %add3A_641 = arith.constant 150 : i32
        %add3A_642 = arith.addi %add3A_641, %mul3A_640 : i32
        %add3A_643 = arith.constant 0 : i32
        %add3A_644 = arith.addi %add3A_642, %add3A_643 : i32
        %get3A_645 = arith.index_cast %add3A_644 : i32 to index
        %get3A_646 = arith.constant 48 : index
        %get3A_647 = tpu.vector_load %arg7[%get3A_645, %get3A_646] {strides = array<i32>} : memref<200x128xf32, #tpu.memory_space<vmem>>, vector<1x16xf32>,
        %get3A_648 = vector.shape_cast %get3A_647 : vector<1x16xf32> to vector<16xf32>
        %mul3A_649 = arith.constant 8.000000e+00 : f32
        %mul3A_650 = vector.broadcast %mul3A_649 : f32 to vector<16xf32>
        %mul3A_651 = arith.mulf %get3A_648, %mul3A_650 : vector<16xf32>
        %mul3A_652 = arith.constant 2 : i32
        %mul3A_653 = arith.muli %scan3A_568, %mul3A_652 : i32
        %add3A_654 = arith.constant 150 : i32
        %add3A_655 = arith.addi %add3A_654, %mul3A_653 : i32
        %add3A_656 = arith.constant 0 : i32
        %add3A_657 = arith.addi %add3A_655, %add3A_656 : i32
        %swap3A_658 = arith.index_cast %add3A_657 : i32 to index
        %swap3A_659 = arith.constant 48 : index
        %swap3A_660 = tpu.vector_load %arg9[%swap3A_658, %swap3A_659] {strides = array<i32>} : memref<200x64xf32, #tpu.memory_space<vmem>>, vector<1x16xf32>,
        %swap3A_661 = vector.shape_cast %swap3A_660 : vector<1x16xf32> to vector<16xf32>
        %swap3A_662 = vector.shape_cast %mul3A_651 : vector<16xf32> to vector<1x16xf32>
        tpu.vector_store %arg9[%swap3A_658, %swap3A_659], %swap3A_662 {strides = array<i32>} : memref<200x64xf32, #tpu.memory_space<vmem>>, vector<1x16xf32>,
        %mul3A_663 = arith.constant 2 : i32
        %mul3A_664 = arith.muli %scan3A_568, %mul3A_663 : i32
        %add3A_665 = arith.constant 150 : i32
        %add3A_666 = arith.addi %add3A_665, %mul3A_664 : i32
        %add3A_667 = arith.constant 1 : i32
        %add3A_668 = arith.addi %add3A_666, %add3A_667 : i32
        %get3A_669 = arith.index_cast %add3A_668 : i32 to index
        %get3A_670 = arith.constant 0 : index
        %get3A_671 = tpu.vector_load %arg7[%get3A_669, %get3A_670] {strides = array<i32>} : memref<200x128xf32, #tpu.memory_space<vmem>>, vector<1x16xf32>,
        %get3A_672 = vector.shape_cast %get3A_671 : vector<1x16xf32> to vector<16xf32>
        %mul3A_673 = arith.constant 8.000000e+00 : f32
        %mul3A_674 = vector.broadcast %mul3A_673 : f32 to vector<16xf32>
        %mul3A_675 = arith.mulf %get3A_672, %mul3A_674 : vector<16xf32>
        %mul3A_676 = arith.constant 2 : i32
        %mul3A_677 = arith.muli %scan3A_568, %mul3A_676 : i32
        %add3A_678 = arith.constant 150 : i32
        %add3A_679 = arith.addi %add3A_678, %mul3A_677 : i32
        %add3A_680 = arith.constant 1 : i32
        %add3A_681 = arith.addi %add3A_679, %add3A_680 : i32
        %swap3A_682 = arith.index_cast %add3A_681 : i32 to index
        %swap3A_683 = arith.constant 0 : index
        %swap3A_684 = tpu.vector_load %arg9[%swap3A_682, %swap3A_683] {strides = array<i32>} : memref<200x64xf32, #tpu.memory_space<vmem>>, vector<1x16xf32>,
        %swap3A_685 = vector.shape_cast %swap3A_684 : vector<1x16xf32> to vector<16xf32>
        %swap3A_686 = vector.shape_cast %mul3A_675 : vector<16xf32> to vector<1x16xf32>
        tpu.vector_store %arg9[%swap3A_682, %swap3A_683], %swap3A_686 {strides = array<i32>} : memref<200x64xf32, #tpu.memory_space<vmem>>, vector<1x16xf32>,
        %mul3A_687 = arith.constant 2 : i32
        %mul3A_688 = arith.muli %scan3A_568, %mul3A_687 : i32
        %add3A_689 = arith.constant 150 : i32
        %add3A_690 = arith.addi %add3A_689, %mul3A_688 : i32
        %add3A_691 = arith.constant 1 : i32
        %add3A_692 = arith.addi %add3A_690, %add3A_691 : i32
        %get3A_693 = arith.index_cast %add3A_692 : i32 to index
        %get3A_694 = arith.constant 16 : index
        %get3A_695 = tpu.vector_load %arg7[%get3A_693, %get3A_694] {strides = array<i32>} : memref<200x128xf32, #tpu.memory_space<vmem>>, vector<1x16xf32>,
        %get3A_696 = vector.shape_cast %get3A_695 : vector<1x16xf32> to vector<16xf32>
        %mul3A_697 = arith.constant 8.000000e+00 : f32
        %mul3A_698 = vector.broadcast %mul3A_697 : f32 to vector<16xf32>
        %mul3A_699 = arith.mulf %get3A_696, %mul3A_698 : vector<16xf32>
        %mul3A_700 = arith.constant 2 : i32
        %mul3A_701 = arith.muli %scan3A_568, %mul3A_700 : i32
        %add3A_702 = arith.constant 150 : i32
        %add3A_703 = arith.addi %add3A_702, %mul3A_701 : i32
        %add3A_704 = arith.constant 1 : i32
        %add3A_705 = arith.addi %add3A_703, %add3A_704 : i32
        %swap3A_706 = arith.index_cast %add3A_705 : i32 to index
        %swap3A_707 = arith.constant 16 : index
        %swap3A_708 = tpu.vector_load %arg9[%swap3A_706, %swap3A_707] {strides = array<i32>} : memref<200x64xf32, #tpu.memory_space<vmem>>, vector<1x16xf32>,
        %swap3A_709 = vector.shape_cast %swap3A_708 : vector<1x16xf32> to vector<16xf32>
        %swap3A_710 = vector.shape_cast %mul3A_699 : vector<16xf32> to vector<1x16xf32>
        tpu.vector_store %arg9[%swap3A_706, %swap3A_707], %swap3A_710 {strides = array<i32>} : memref<200x64xf32, #tpu.memory_space<vmem>>, vector<1x16xf32>,
        %mul3A_711 = arith.constant 2 : i32
        %mul3A_712 = arith.muli %scan3A_568, %mul3A_711 : i32
        %add3A_713 = arith.constant 150 : i32
        %add3A_714 = arith.addi %add3A_713, %mul3A_712 : i32
        %add3A_715 = arith.constant 1 : i32
        %add3A_716 = arith.addi %add3A_714, %add3A_715 : i32
        %get3A_717 = arith.index_cast %add3A_716 : i32 to index
        %get3A_718 = arith.constant 32 : index
        %get3A_719 = tpu.vector_load %arg7[%get3A_717, %get3A_718] {strides = array<i32>} : memref<200x128xf32, #tpu.memory_space<vmem>>, vector<1x16xf32>,
        %get3A_720 = vector.shape_cast %get3A_719 : vector<1x16xf32> to vector<16xf32>
        %mul3A_721 = arith.constant 8.000000e+00 : f32
        %mul3A_722 = vector.broadcast %mul3A_721 : f32 to vector<16xf32>
        %mul3A_723 = arith.mulf %get3A_720, %mul3A_722 : vector<16xf32>
        %mul3A_724 = arith.constant 2 : i32
        %mul3A_725 = arith.muli %scan3A_568, %mul3A_724 : i32
        %add3A_726 = arith.constant 150 : i32
        %add3A_727 = arith.addi %add3A_726, %mul3A_725 : i32
        %add3A_728 = arith.constant 1 : i32
        %add3A_729 = arith.addi %add3A_727, %add3A_728 : i32
        %swap3A_730 = arith.index_cast %add3A_729 : i32 to index
        %swap3A_731 = arith.constant 32 : index
        %swap3A_732 = tpu.vector_load %arg9[%swap3A_730, %swap3A_731] {strides = array<i32>} : memref<200x64xf32, #tpu.memory_space<vmem>>, vector<1x16xf32>,
        %swap3A_733 = vector.shape_cast %swap3A_732 : vector<1x16xf32> to vector<16xf32>
        %swap3A_734 = vector.shape_cast %mul3A_723 : vector<16xf32> to vector<1x16xf32>
        tpu.vector_store %arg9[%swap3A_730, %swap3A_731], %swap3A_734 {strides = array<i32>} : memref<200x64xf32, #tpu.memory_space<vmem>>, vector<1x16xf32>,
        %mul3A_735 = arith.constant 2 : i32
        %mul3A_736 = arith.muli %scan3A_568, %mul3A_735 : i32
        %add3A_737 = arith.constant 150 : i32
        %add3A_738 = arith.addi %add3A_737, %mul3A_736 : i32
        %add3A_739 = arith.constant 1 : i32
        %add3A_740 = arith.addi %add3A_738, %add3A_739 : i32
        %get3A_741 = arith.index_cast %add3A_740 : i32 to index
        %get3A_742 = arith.constant 48 : index
        %get3A_743 = tpu.vector_load %arg7[%get3A_741, %get3A_742] {strides = array<i32>} : memref<200x128xf32, #tpu.memory_space<vmem>>, vector<1x16xf32>,
        %get3A_744 = vector.shape_cast %get3A_743 : vector<1x16xf32> to vector<16xf32>
        %mul3A_745 = arith.constant 8.000000e+00 : f32
        %mul3A_746 = vector.broadcast %mul3A_745 : f32 to vector<16xf32>
        %mul3A_747 = arith.mulf %get3A_744, %mul3A_746 : vector<16xf32>
        %mul3A_748 = arith.constant 2 : i32
        %mul3A_749 = arith.muli %scan3A_568, %mul3A_748 : i32
        %add3A_750 = arith.constant 150 : i32
        %add3A_751 = arith.addi %add3A_750, %mul3A_749 : i32
        %add3A_752 = arith.constant 1 : i32
        %add3A_753 = arith.addi %add3A_751, %add3A_752 : i32
        %swap3A_754 = arith.index_cast %add3A_753 : i32 to index
        %swap3A_755 = arith.constant 48 : index
        %swap3A_756 = tpu.vector_load %arg9[%swap3A_754, %swap3A_755] {strides = array<i32>} : memref<200x64xf32, #tpu.memory_space<vmem>>, vector<1x16xf32>,
        %swap3A_757 = vector.shape_cast %swap3A_756 : vector<1x16xf32> to vector<16xf32>
        %swap3A_758 = vector.shape_cast %mul3A_747 : vector<16xf32> to vector<1x16xf32>
        tpu.vector_store %arg9[%swap3A_754, %swap3A_755], %swap3A_758 {strides = array<i32>} : memref<200x64xf32, #tpu.memory_space<vmem>>, vector<1x16xf32>,
      }
      %scan3A_316 = arith.constant 25 : i32
      %mul3A_317 = arith.constant 4 : i32
      %mul3A_318 = arith.muli %mul3A_235, %mul3A_317 : i32
      %add3A_319 = arith.addi %mul3A_2, %mul3A_318 : i32
      %add3A_320 = arith.constant 3 : i32
      %add3A_321 = arith.addi %add3A_319, %add3A_320 : i32
      %dma_start3A_322 = arith.constant 150 : i32
      %dma_start3A_323 = arith.constant 0 : i32
      %dma_start3A_324 = tpu.memref_slice %arg9[%dma_start3A_322, %dma_start3A_323] : memref<200x64xf32, #tpu.memory_space<vmem>> -> memref<50x64xf32, #tpu.memory_space<vmem>>
      %dma_start3A_325 = arith.constant 0 : i32
      %dma_start3A_326 = arith.constant 0 : i32
      %dma_start3A_327 = tpu.memref_slice %arg4[%add3A_321, %dma_start3A_325, %dma_start3A_326] : memref<16384x50x64xf32, #tpu.memory_space<hbm>> -> memref<1x50x64xf32, #tpu.memory_space<hbm>>
      %dma_start3A_328 = tpu.memref_squeeze %dma_start3A_327 : memref<1x50x64xf32, #tpu.memory_space<hbm>> -> memref<50x64xf32, #tpu.memory_space<hbm>>
      %dma_start3A_329 = arith.constant 0 : i32
      %dma_start3A_330 = arith.constant 0 : i32
      %dma_start3A_331 = tpu.memref_slice %arg4[%add3A_321, %dma_start3A_329, %dma_start3A_330] : memref<16384x50x64xf32, #tpu.memory_space<hbm>> -> memref<1x50x64xf32, #tpu.memory_space<hbm>>
      %dma_start3A_332 = tpu.memref_squeeze %dma_start3A_331 : memref<1x50x64xf32, #tpu.memory_space<hbm>> -> memref<50x64xf32, #tpu.memory_space<hbm>>
      %dma_start3A_333 = arith.constant 150 : i32
      %dma_start3A_334 = arith.constant 0 : i32
      %dma_start3A_335 = tpu.memref_slice %arg9[%dma_start3A_333, %dma_start3A_334] : memref<200x64xf32, #tpu.memory_space<vmem>> -> memref<50x64xf32, #tpu.memory_space<vmem>>
      tpu.enqueue_dma source(%dma_start3A_335 : memref<50x64xf32, #tpu.memory_space<vmem>>) target(%dma_start3A_332 : memref<50x64xf32, #tpu.memory_space<hbm>>) target_semaphore(%arg13 : memref<!tpu.dma_semaphore, #tpu.memory_space<semaphore_mem>>)
      %mul3A_336 = arith.constant 2 : i32
      %mul3A_337 = arith.muli %mul3A_336, %scan3A_136 : i32
      %mul3A_338 = arith.constant 4 : i32
      %mul3A_339 = arith.muli %mul3A_337, %mul3A_338 : i32
      %add3A_340 = arith.addi %mul3A_2, %mul3A_339 : i32
      %add3A_341 = arith.constant 0 : i32
      %add3A_342 = arith.addi %add3A_340, %add3A_341 : i32
      %mul3A_343 = arith.constant 4 : i32
      %mul3A_344 = arith.muli %mul3A_337, %mul3A_343 : i32
      %add3A_345 = arith.addi %mul3A_2, %mul3A_344 : i32
      %add3A_346 = arith.constant 1 : i32
      %add3A_347 = arith.addi %add3A_345, %add3A_346 : i32
      %mul3A_348 = arith.constant 4 : i32
      %mul3A_349 = arith.muli %mul3A_337, %mul3A_348 : i32
      %add3A_350 = arith.addi %mul3A_2, %mul3A_349 : i32
      %add3A_351 = arith.constant 2 : i32
      %add3A_352 = arith.addi %add3A_350, %add3A_351 : i32
      %mul3A_353 = arith.constant 4 : i32
      %mul3A_354 = arith.muli %mul3A_337, %mul3A_353 : i32
      %add3A_355 = arith.addi %mul3A_2, %mul3A_354 : i32
      %add3A_356 = arith.constant 3 : i32
      %add3A_357 = arith.addi %add3A_355, %add3A_356 : i32
      %dma_wait3A_358 = arith.constant 0 : i32
      %dma_wait3A_359 = arith.constant 0 : i32
      %dma_wait3A_360 = tpu.memref_slice %arg9[%dma_wait3A_358, %dma_wait3A_359] : memref<200x64xf32, #tpu.memory_space<vmem>> -> memref<50x64xf32, #tpu.memory_space<vmem>>
      %dma_wait3A_361 = arith.constant 0 : i32
      %dma_wait3A_362 = arith.constant 0 : i32
      %dma_wait3A_363 = tpu.memref_slice %arg4[%add3A_342, %dma_wait3A_361, %dma_wait3A_362] : memref<16384x50x64xf32, #tpu.memory_space<hbm>> -> memref<1x50x64xf32, #tpu.memory_space<hbm>>
      %dma_wait3A_364 = tpu.memref_squeeze %dma_wait3A_363 : memref<1x50x64xf32, #tpu.memory_space<hbm>> -> memref<50x64xf32, #tpu.memory_space<hbm>>
      %dma_wait3A_365 = arith.constant 0 : i32
      %dma_wait3A_366 = arith.constant 0 : i32
      %dma_wait3A_367 = tpu.memref_slice %arg4[%add3A_342, %dma_wait3A_365, %dma_wait3A_366] : memref<16384x50x64xf32, #tpu.memory_space<hbm>> -> memref<1x50x64xf32, #tpu.memory_space<hbm>>
      %dma_wait3A_368 = tpu.memref_squeeze %dma_wait3A_367 : memref<1x50x64xf32, #tpu.memory_space<hbm>> -> memref<50x64xf32, #tpu.memory_space<hbm>>
      %dma_wait3A_369 = arith.constant 0 : i32
      %dma_wait3A_370 = arith.constant 0 : i32
      %dma_wait3A_371 = tpu.memref_slice %arg9[%dma_wait3A_369, %dma_wait3A_370] : memref<200x64xf32, #tpu.memory_space<vmem>> -> memref<50x64xf32, #tpu.memory_space<vmem>>
      tpu.wait_dma2 semaphore(%arg13 : memref<!tpu.dma_semaphore, #tpu.memory_space<semaphore_mem>>) src(%dma_wait3A_371 : memref<50x64xf32, #tpu.memory_space<vmem>>) dst(%dma_wait3A_368 : memref<50x64xf32, #tpu.memory_space<hbm>>)
      %dma_wait3A_372 = arith.constant 50 : i32
      %dma_wait3A_373 = arith.constant 0 : i32
      %dma_wait3A_374 = tpu.memref_slice %arg9[%dma_wait3A_372, %dma_wait3A_373] : memref<200x64xf32, #tpu.memory_space<vmem>> -> memref<50x64xf32, #tpu.memory_space<vmem>>
      %dma_wait3A_375 = arith.constant 0 : i32
      %dma_wait3A_376 = arith.constant 0 : i32
      %dma_wait3A_377 = tpu.memref_slice %arg4[%add3A_347, %dma_wait3A_375, %dma_wait3A_376] : memref<16384x50x64xf32, #tpu.memory_space<hbm>> -> memref<1x50x64xf32, #tpu.memory_space<hbm>>
      %dma_wait3A_378 = tpu.memref_squeeze %dma_wait3A_377 : memref<1x50x64xf32, #tpu.memory_space<hbm>> -> memref<50x64xf32, #tpu.memory_space<hbm>>
      %dma_wait3A_379 = arith.constant 0 : i32
      %dma_wait3A_380 = arith.constant 0 : i32
      %dma_wait3A_381 = tpu.memref_slice %arg4[%add3A_347, %dma_wait3A_379, %dma_wait3A_380] : memref<16384x50x64xf32, #tpu.memory_space<hbm>> -> memref<1x50x64xf32, #tpu.memory_space<hbm>>
      %dma_wait3A_382 = tpu.memref_squeeze %dma_wait3A_381 : memref<1x50x64xf32, #tpu.memory_space<hbm>> -> memref<50x64xf32, #tpu.memory_space<hbm>>
      %dma_wait3A_383 = arith.constant 50 : i32
      %dma_wait3A_384 = arith.constant 0 : i32
      %dma_wait3A_385 = tpu.memref_slice %arg9[%dma_wait3A_383, %dma_wait3A_384] : memref<200x64xf32, #tpu.memory_space<vmem>> -> memref<50x64xf32, #tpu.memory_space<vmem>>
      tpu.wait_dma2 semaphore(%arg13 : memref<!tpu.dma_semaphore, #tpu.memory_space<semaphore_mem>>) src(%dma_wait3A_385 : memref<50x64xf32, #tpu.memory_space<vmem>>) dst(%dma_wait3A_382 : memref<50x64xf32, #tpu.memory_space<hbm>>)
      %dma_wait3A_386 = arith.constant 100 : i32
      %dma_wait3A_387 = arith.constant 0 : i32
      %dma_wait3A_388 = tpu.memref_slice %arg9[%dma_wait3A_386, %dma_wait3A_387] : memref<200x64xf32, #tpu.memory_space<vmem>> -> memref<50x64xf32, #tpu.memory_space<vmem>>
      %dma_wait3A_389 = arith.constant 0 : i32
      %dma_wait3A_390 = arith.constant 0 : i32
      %dma_wait3A_391 = tpu.memref_slice %arg4[%add3A_352, %dma_wait3A_389, %dma_wait3A_390] : memref<16384x50x64xf32, #tpu.memory_space<hbm>> -> memref<1x50x64xf32, #tpu.memory_space<hbm>>
      %dma_wait3A_392 = tpu.memref_squeeze %dma_wait3A_391 : memref<1x50x64xf32, #tpu.memory_space<hbm>> -> memref<50x64xf32, #tpu.memory_space<hbm>>
      %dma_wait3A_393 = arith.constant 0 : i32
      %dma_wait3A_394 = arith.constant 0 : i32
      %dma_wait3A_395 = tpu.memref_slice %arg4[%add3A_352, %dma_wait3A_393, %dma_wait3A_394] : memref<16384x50x64xf32, #tpu.memory_space<hbm>> -> memref<1x50x64xf32, #tpu.memory_space<hbm>>
      %dma_wait3A_396 = tpu.memref_squeeze %dma_wait3A_395 : memref<1x50x64xf32, #tpu.memory_space<hbm>> -> memref<50x64xf32, #tpu.memory_space<hbm>>
      %dma_wait3A_397 = arith.constant 100 : i32
      %dma_wait3A_398 = arith.constant 0 : i32
      %dma_wait3A_399 = tpu.memref_slice %arg9[%dma_wait3A_397, %dma_wait3A_398] : memref<200x64xf32, #tpu.memory_space<vmem>> -> memref<50x64xf32, #tpu.memory_space<vmem>>
      tpu.wait_dma2 semaphore(%arg13 : memref<!tpu.dma_semaphore, #tpu.memory_space<semaphore_mem>>) src(%dma_wait3A_399 : memref<50x64xf32, #tpu.memory_space<vmem>>) dst(%dma_wait3A_396 : memref<50x64xf32, #tpu.memory_space<hbm>>)
      %dma_wait3A_400 = arith.constant 150 : i32
      %dma_wait3A_401 = arith.constant 0 : i32
      %dma_wait3A_402 = tpu.memref_slice %arg9[%dma_wait3A_400, %dma_wait3A_401] : memref<200x64xf32, #tpu.memory_space<vmem>> -> memref<50x64xf32, #tpu.memory_space<vmem>>
      %dma_wait3A_403 = arith.constant 0 : i32
      %dma_wait3A_404 = arith.constant 0 : i32
      %dma_wait3A_405 = tpu.memref_slice %arg4[%add3A_357, %dma_wait3A_403, %dma_wait3A_404] : memref<16384x50x64xf32, #tpu.memory_space<hbm>> -> memref<1x50x64xf32, #tpu.memory_space<hbm>>
      %dma_wait3A_406 = tpu.memref_squeeze %dma_wait3A_405 : memref<1x50x64xf32, #tpu.memory_space<hbm>> -> memref<50x64xf32, #tpu.memory_space<hbm>>
      %dma_wait3A_407 = arith.constant 0 : i32
      %dma_wait3A_408 = arith.constant 0 : i32
      %dma_wait3A_409 = tpu.memref_slice %arg4[%add3A_357, %dma_wait3A_407, %dma_wait3A_408] : memref<16384x50x64xf32, #tpu.memory_space<hbm>> -> memref<1x50x64xf32, #tpu.memory_space<hbm>>
      %dma_wait3A_410 = tpu.memref_squeeze %dma_wait3A_409 : memref<1x50x64xf32, #tpu.memory_space<hbm>> -> memref<50x64xf32, #tpu.memory_space<hbm>>
      %dma_wait3A_411 = arith.constant 150 : i32
      %dma_wait3A_412 = arith.constant 0 : i32
      %dma_wait3A_413 = tpu.memref_slice %arg9[%dma_wait3A_411, %dma_wait3A_412] : memref<200x64xf32, #tpu.memory_space<vmem>> -> memref<50x64xf32, #tpu.memory_space<vmem>>
      tpu.wait_dma2 semaphore(%arg13 : memref<!tpu.dma_semaphore, #tpu.memory_space<semaphore_mem>>) src(%dma_wait3A_413 : memref<50x64xf32, #tpu.memory_space<vmem>>) dst(%dma_wait3A_410 : memref<50x64xf32, #tpu.memory_space<hbm>>)
      %lt3A_414 = arith.constant 63 : i32
      %lt3A_415 = arith.cmpi slt, %scan3A_136, %lt3A_414 : i32
      %convert_element_type3A_416 = arith.extui %lt3A_415 : i1 to i32
      %cond3A_417 = arith.constant 0 : i32
      %cond3A_418 = arith.cmpi ne, %convert_element_type3A_416, %cond3A_417 : i32
      scf.if %cond3A_418 {
        %mul3A_568 = arith.constant 2 : i32
        %mul3A_569 = arith.muli %mul3A_568, %scan3A_136 : i32
        %add3A_570 = arith.constant 2 : i32
        %add3A_571 = arith.addi %mul3A_569, %add3A_570 : i32
        %mul3A_572 = arith.constant 4 : i32
        %mul3A_573 = arith.muli %add3A_571, %mul3A_572 : i32
        %add3A_574 = arith.addi %mul3A_2, %mul3A_573 : i32
        %dma_wait3A_575 = arith.constant 0 : i32
        %dma_wait3A_576 = tpu.memref_slice %arg2[%add3A_574, %dma_wait3A_575] : memref<16384x128xi32, #tpu.memory_space<hbm>> -> memref<4x128xi32, #tpu.memory_space<hbm>>
        %dma_wait3A_577 = arith.constant 0 : i32
        %dma_wait3A_578 = tpu.memref_slice %arg2[%add3A_574, %dma_wait3A_577] : memref<16384x128xi32, #tpu.memory_space<hbm>> -> memref<4x128xi32, #tpu.memory_space<hbm>>
        tpu.wait_dma2 semaphore(%arg15 : memref<!tpu.dma_semaphore, #tpu.memory_space<semaphore_mem>>) src(%dma_wait3A_578 : memref<4x128xi32, #tpu.memory_space<hbm>>) dst(%arg5 : memref<4x128xi32, #tpu.memory_space<vmem>>)
        %dma_start3A_579 = arith.constant 0 : i32
        %dma_start3A_580 = arith.constant 0 : i32
        %dma_start3A_581 = arith.constant 0 : i32
        %dma_start3A_582 = tpu.memref_slice %arg7[%dma_start3A_580, %dma_start3A_581] : memref<200x128xf32, #tpu.memory_space<vmem>> -> memref<50x128xf32, #tpu.memory_space<vmem>>
        %dma_start3A_583 = arith.constant 0 : i32
        %dma_start3A_584 = tpu.memref_slice %arg5[%dma_start3A_579, %dma_start3A_583] : memref<4x128xi32, #tpu.memory_space<vmem>> -> memref<1x50xi32, #tpu.memory_space<vmem>>
        %dma_start3A_585 = tpu.memref_squeeze %dma_start3A_584 : memref<1x50xi32, #tpu.memory_space<vmem>> -> memref<50xi32, #tpu.memory_space<vmem>>
        %dma_start3A_586 = arith.constant 0 : i32
        %dma_start3A_587 = arith.constant 0 : i32
        %dma_start3A_588 = tpu.memref_slice %arg3[%dma_start3A_586, %dma_start3A_587] : memref<1000000x128xf32, #tpu.memory_space<hbm>> -> memref<1000000x128xf32, #tpu.memory_space<hbm>>
        tpu.enqueue_indirect_dma source(%dma_start3A_588 : memref<1000000x128xf32, #tpu.memory_space<hbm>>) target(%dma_start3A_582 : memref<50x128xf32, #tpu.memory_space<vmem>>) offsets(%dma_start3A_585 : memref<50xi32, #tpu.memory_space<vmem>>) semaphore(%arg11 : memref<!tpu.dma_semaphore, #tpu.memory_space<semaphore_mem>>)
        %dma_start3A_589 = arith.constant 1 : i32
        %dma_start3A_590 = arith.constant 50 : i32
        %dma_start3A_591 = arith.constant 0 : i32
        %dma_start3A_592 = tpu.memref_slice %arg7[%dma_start3A_590, %dma_start3A_591] : memref<200x128xf32, #tpu.memory_space<vmem>> -> memref<50x128xf32, #tpu.memory_space<vmem>>
        %dma_start3A_593 = arith.constant 0 : i32
        %dma_start3A_594 = tpu.memref_slice %arg5[%dma_start3A_589, %dma_start3A_593] : memref<4x128xi32, #tpu.memory_space<vmem>> -> memref<1x50xi32, #tpu.memory_space<vmem>>
        %dma_start3A_595 = tpu.memref_squeeze %dma_start3A_594 : memref<1x50xi32, #tpu.memory_space<vmem>> -> memref<50xi32, #tpu.memory_space<vmem>>
        %dma_start3A_596 = arith.constant 0 : i32
        %dma_start3A_597 = arith.constant 0 : i32
        %dma_start3A_598 = tpu.memref_slice %arg3[%dma_start3A_596, %dma_start3A_597] : memref<1000000x128xf32, #tpu.memory_space<hbm>> -> memref<1000000x128xf32, #tpu.memory_space<hbm>>
        tpu.enqueue_indirect_dma source(%dma_start3A_598 : memref<1000000x128xf32, #tpu.memory_space<hbm>>) target(%dma_start3A_592 : memref<50x128xf32, #tpu.memory_space<vmem>>) offsets(%dma_start3A_595 : memref<50xi32, #tpu.memory_space<vmem>>) semaphore(%arg11 : memref<!tpu.dma_semaphore, #tpu.memory_space<semaphore_mem>>)
        %dma_start3A_599 = arith.constant 2 : i32
        %dma_start3A_600 = arith.constant 100 : i32
        %dma_start3A_601 = arith.constant 0 : i32
        %dma_start3A_602 = tpu.memref_slice %arg7[%dma_start3A_600, %dma_start3A_601] : memref<200x128xf32, #tpu.memory_space<vmem>> -> memref<50x128xf32, #tpu.memory_space<vmem>>
        %dma_start3A_603 = arith.constant 0 : i32
        %dma_start3A_604 = tpu.memref_slice %arg5[%dma_start3A_599, %dma_start3A_603] : memref<4x128xi32, #tpu.memory_space<vmem>> -> memref<1x50xi32, #tpu.memory_space<vmem>>
        %dma_start3A_605 = tpu.memref_squeeze %dma_start3A_604 : memref<1x50xi32, #tpu.memory_space<vmem>> -> memref<50xi32, #tpu.memory_space<vmem>>
        %dma_start3A_606 = arith.constant 0 : i32
        %dma_start3A_607 = arith.constant 0 : i32
        %dma_start3A_608 = tpu.memref_slice %arg3[%dma_start3A_606, %dma_start3A_607] : memref<1000000x128xf32, #tpu.memory_space<hbm>> -> memref<1000000x128xf32, #tpu.memory_space<hbm>>
        tpu.enqueue_indirect_dma source(%dma_start3A_608 : memref<1000000x128xf32, #tpu.memory_space<hbm>>) target(%dma_start3A_602 : memref<50x128xf32, #tpu.memory_space<vmem>>) offsets(%dma_start3A_605 : memref<50xi32, #tpu.memory_space<vmem>>) semaphore(%arg11 : memref<!tpu.dma_semaphore, #tpu.memory_space<semaphore_mem>>)
        %dma_start3A_609 = arith.constant 3 : i32
        %dma_start3A_610 = arith.constant 150 : i32
        %dma_start3A_611 = arith.constant 0 : i32
        %dma_start3A_612 = tpu.memref_slice %arg7[%dma_start3A_610, %dma_start3A_611] : memref<200x128xf32, #tpu.memory_space<vmem>> -> memref<50x128xf32, #tpu.memory_space<vmem>>
        %dma_start3A_613 = arith.constant 0 : i32
        %dma_start3A_614 = tpu.memref_slice %arg5[%dma_start3A_609, %dma_start3A_613] : memref<4x128xi32, #tpu.memory_space<vmem>> -> memref<1x50xi32, #tpu.memory_space<vmem>>
        %dma_start3A_615 = tpu.memref_squeeze %dma_start3A_614 : memref<1x50xi32, #tpu.memory_space<vmem>> -> memref<50xi32, #tpu.memory_space<vmem>>
        %dma_start3A_616 = arith.constant 0 : i32
        %dma_start3A_617 = arith.constant 0 : i32
        %dma_start3A_618 = tpu.memref_slice %arg3[%dma_start3A_616, %dma_start3A_617] : memref<1000000x128xf32, #tpu.memory_space<hbm>> -> memref<1000000x128xf32, #tpu.memory_space<hbm>>
        tpu.enqueue_indirect_dma source(%dma_start3A_618 : memref<1000000x128xf32, #tpu.memory_space<hbm>>) target(%dma_start3A_612 : memref<50x128xf32, #tpu.memory_space<vmem>>) offsets(%dma_start3A_615 : memref<50xi32, #tpu.memory_space<vmem>>) semaphore(%arg11 : memref<!tpu.dma_semaphore, #tpu.memory_space<semaphore_mem>>)
      } else {
      }
      %dma_wait3A_419 = arith.constant 0 : i32
      %dma_wait3A_420 = arith.constant 0 : i32
      %dma_wait3A_421 = arith.constant 0 : i32
      %dma_wait3A_422 = tpu.memref_slice %arg8[%dma_wait3A_420, %dma_wait3A_421] : memref<200x128xf32, #tpu.memory_space<vmem>> -> memref<50x128xf32, #tpu.memory_space<vmem>>
      %dma_wait3A_423 = arith.constant 0 : i32
      %dma_wait3A_424 = tpu.memref_slice %arg6[%dma_wait3A_419, %dma_wait3A_423] : memref<4x128xi32, #tpu.memory_space<vmem>> -> memref<1x50xi32, #tpu.memory_space<vmem>>
      %dma_wait3A_425 = tpu.memref_squeeze %dma_wait3A_424 : memref<1x50xi32, #tpu.memory_space<vmem>> -> memref<50xi32, #tpu.memory_space<vmem>>
      %dma_wait3A_426 = arith.constant 0 : i32
      %dma_wait3A_427 = arith.constant 0 : i32
      %dma_wait3A_428 = tpu.memref_slice %arg3[%dma_wait3A_426, %dma_wait3A_427] : memref<1000000x128xf32, #tpu.memory_space<hbm>> -> memref<1000000x128xf32, #tpu.memory_space<hbm>>
      tpu.wait_indirect_dma semaphore(%arg12 : memref<!tpu.dma_semaphore, #tpu.memory_space<semaphore_mem>>) src(%dma_wait3A_428 : memref<1000000x128xf32, #tpu.memory_space<hbm>>) dst(%dma_wait3A_422 : memref<50x128xf32, #tpu.memory_space<vmem>>)
      %dma_wait3A_429 = arith.constant 1 : i32
      %dma_wait3A_430 = arith.constant 50 : i32
      %dma_wait3A_431 = arith.constant 0 : i32
      %dma_wait3A_432 = tpu.memref_slice %arg8[%dma_wait3A_430, %dma_wait3A_431] : memref<200x128xf32, #tpu.memory_space<vmem>> -> memref<50x128xf32, #tpu.memory_space<vmem>>
      %dma_wait3A_433 = arith.constant 0 : i32
      %dma_wait3A_434 = tpu.memref_slice %arg6[%dma_wait3A_429, %dma_wait3A_433] : memref<4x128xi32, #tpu.memory_space<vmem>> -> memref<1x50xi32, #tpu.memory_space<vmem>>
      %dma_wait3A_435 = tpu.memref_squeeze %dma_wait3A_434 : memref<1x50xi32, #tpu.memory_space<vmem>> -> memref<50xi32, #tpu.memory_space<vmem>>
      %dma_wait3A_436 = arith.constant 0 : i32
      %dma_wait3A_437 = arith.constant 0 : i32
      %dma_wait3A_438 = tpu.memref_slice %arg3[%dma_wait3A_436, %dma_wait3A_437] : memref<1000000x128xf32, #tpu.memory_space<hbm>> -> memref<1000000x128xf32, #tpu.memory_space<hbm>>
      tpu.wait_indirect_dma semaphore(%arg12 : memref<!tpu.dma_semaphore, #tpu.memory_space<semaphore_mem>>) src(%dma_wait3A_438 : memref<1000000x128xf32, #tpu.memory_space<hbm>>) dst(%dma_wait3A_432 : memref<50x128xf32, #tpu.memory_space<vmem>>)
      %dma_wait3A_439 = arith.constant 2 : i32
      %dma_wait3A_440 = arith.constant 100 : i32
      %dma_wait3A_441 = arith.constant 0 : i32
      %dma_wait3A_442 = tpu.memref_slice %arg8[%dma_wait3A_440, %dma_wait3A_441] : memref<200x128xf32, #tpu.memory_space<vmem>> -> memref<50x128xf32, #tpu.memory_space<vmem>>
      %dma_wait3A_443 = arith.constant 0 : i32
      %dma_wait3A_444 = tpu.memref_slice %arg6[%dma_wait3A_439, %dma_wait3A_443] : memref<4x128xi32, #tpu.memory_space<vmem>> -> memref<1x50xi32, #tpu.memory_space<vmem>>
      %dma_wait3A_445 = tpu.memref_squeeze %dma_wait3A_444 : memref<1x50xi32, #tpu.memory_space<vmem>> -> memref<50xi32, #tpu.memory_space<vmem>>
      %dma_wait3A_446 = arith.constant 0 : i32
      %dma_wait3A_447 = arith.constant 0 : i32
      %dma_wait3A_448 = tpu.memref_slice %arg3[%dma_wait3A_446, %dma_wait3A_447] : memref<1000000x128xf32, #tpu.memory_space<hbm>> -> memref<1000000x128xf32, #tpu.memory_space<hbm>>
      tpu.wait_indirect_dma semaphore(%arg12 : memref<!tpu.dma_semaphore, #tpu.memory_space<semaphore_mem>>) src(%dma_wait3A_448 : memref<1000000x128xf32, #tpu.memory_space<hbm>>) dst(%dma_wait3A_442 : memref<50x128xf32, #tpu.memory_space<vmem>>)
      %dma_wait3A_449 = arith.constant 3 : i32
      %dma_wait3A_450 = arith.constant 150 : i32
      %dma_wait3A_451 = arith.constant 0 : i32
      %dma_wait3A_452 = tpu.memref_slice %arg8[%dma_wait3A_450, %dma_wait3A_451] : memref<200x128xf32, #tpu.memory_space<vmem>> -> memref<50x128xf32, #tpu.memory_space<vmem>>
      %dma_wait3A_453 = arith.constant 0 : i32
      %dma_wait3A_454 = tpu.memref_slice %arg6[%dma_wait3A_449, %dma_wait3A_453] : memref<4x128xi32, #tpu.memory_space<vmem>> -> memref<1x50xi32, #tpu.memory_space<vmem>>
      %dma_wait3A_455 = tpu.memref_squeeze %dma_wait3A_454 : memref<1x50xi32, #tpu.memory_space<vmem>> -> memref<50xi32, #tpu.memory_space<vmem>>
      %dma_wait3A_456 = arith.constant 0 : i32
      %dma_wait3A_457 = arith.constant 0 : i32
      %dma_wait3A_458 = tpu.memref_slice %arg3[%dma_wait3A_456, %dma_wait3A_457] : memref<1000000x128xf32, #tpu.memory_space<hbm>> -> memref<1000000x128xf32, #tpu.memory_space<hbm>>
      tpu.wait_indirect_dma semaphore(%arg12 : memref<!tpu.dma_semaphore, #tpu.memory_space<semaphore_mem>>) src(%dma_wait3A_458 : memref<1000000x128xf32, #tpu.memory_space<hbm>>) dst(%dma_wait3A_452 : memref<50x128xf32, #tpu.memory_space<vmem>>)
      %lt3A_459 = arith.constant 63 : i32
      %lt3A_460 = arith.cmpi slt, %scan3A_136, %lt3A_459 : i32
      %convert_element_type3A_461 = arith.extui %lt3A_460 : i1 to i32
      %cond3A_462 = arith.constant 0 : i32
      %cond3A_463 = arith.cmpi ne, %convert_element_type3A_461, %cond3A_462 : i32
      scf.if %cond3A_463 {
        %mul3A_568 = arith.constant 2 : i32
        %mul3A_569 = arith.muli %mul3A_568, %scan3A_136 : i32
        %add3A_570 = arith.constant 3 : i32
        %add3A_571 = arith.addi %mul3A_569, %add3A_570 : i32
        %mul3A_572 = arith.constant 4 : i32
        %mul3A_573 = arith.muli %add3A_571, %mul3A_572 : i32
        %add3A_574 = arith.addi %mul3A_2, %mul3A_573 : i32
        %dma_start3A_575 = arith.constant 0 : i32
        %dma_start3A_576 = tpu.memref_slice %arg2[%add3A_574, %dma_start3A_575] : memref<16384x128xi32, #tpu.memory_space<hbm>> -> memref<4x128xi32, #tpu.memory_space<hbm>>
        %dma_start3A_577 = arith.constant 0 : i32
        %dma_start3A_578 = tpu.memref_slice %arg2[%add3A_574, %dma_start3A_577] : memref<16384x128xi32, #tpu.memory_space<hbm>> -> memref<4x128xi32, #tpu.memory_space<hbm>>
        tpu.enqueue_dma source(%dma_start3A_578 : memref<4x128xi32, #tpu.memory_space<hbm>>) target(%arg6 : memref<4x128xi32, #tpu.memory_space<vmem>>) target_semaphore(%arg16 : memref<!tpu.dma_semaphore, #tpu.memory_space<semaphore_mem>>)
      } else {
      }
      %mul3A_464 = arith.constant 2 : i32
      %mul3A_465 = arith.muli %mul3A_464, %scan3A_136 : i32
      %add3A_466 = arith.constant 1 : i32
      %add3A_467 = arith.addi %mul3A_465, %add3A_466 : i32
      %scan3A_468 = arith.constant 0 : i32
      %scan3A_469 = arith.constant 0 : i32
      %scan3A_470 = arith.constant 25 : i32
      %scan3A_471 = arith.addi %scan3A_469, %scan3A_470 : i32
      %scan3A_472 = arith.constant 1 : i32
      scf.for %scan3A_568 = %scan3A_469 to %scan3A_471 step %scan3A_472  : i32 {
        %mul3A_569 = arith.constant 2 : i32
        %mul3A_570 = arith.muli %scan3A_568, %mul3A_569 : i32
        %add3A_571 = arith.constant 0 : i32
        %add3A_572 = arith.addi %add3A_571, %mul3A_570 : i32
        %add3A_573 = arith.constant 0 : i32
        %add3A_574 = arith.addi %add3A_572, %add3A_573 : i32
        %get3A = arith.index_cast %add3A_574 : i32 to index
        %get3A_575 = arith.constant 0 : index
        %get3A_576 = tpu.vector_load %arg8[%get3A, %get3A_575] {strides = array<i32>} : memref<200x128xf32, #tpu.memory_space<vmem>>, vector<1x16xf32>,
        %get3A_577 = vector.shape_cast %get3A_576 : vector<1x16xf32> to vector<16xf32>
        %mul3A_578 = arith.constant 8.000000e+00 : f32
        %mul3A_579 = vector.broadcast %mul3A_578 : f32 to vector<16xf32>
        %mul3A_580 = arith.mulf %get3A_577, %mul3A_579 : vector<16xf32>
        %mul3A_581 = arith.constant 2 : i32
        %mul3A_582 = arith.muli %scan3A_568, %mul3A_581 : i32
        %add3A_583 = arith.constant 0 : i32
        %add3A_584 = arith.addi %add3A_583, %mul3A_582 : i32
        %add3A_585 = arith.constant 0 : i32
        %add3A_586 = arith.addi %add3A_584, %add3A_585 : i32
        %swap3A = arith.index_cast %add3A_586 : i32 to index
        %swap3A_587 = arith.constant 0 : index
        %swap3A_588 = tpu.vector_load %arg10[%swap3A, %swap3A_587] {strides = array<i32>} : memref<200x64xf32, #tpu.memory_space<vmem>>, vector<1x16xf32>,
        %swap3A_589 = vector.shape_cast %swap3A_588 : vector<1x16xf32> to vector<16xf32>
        %swap3A_590 = vector.shape_cast %mul3A_580 : vector<16xf32> to vector<1x16xf32>
        tpu.vector_store %arg10[%swap3A, %swap3A_587], %swap3A_590 {strides = array<i32>} : memref<200x64xf32, #tpu.memory_space<vmem>>, vector<1x16xf32>,
        %mul3A_591 = arith.constant 2 : i32
        %mul3A_592 = arith.muli %scan3A_568, %mul3A_591 : i32
        %add3A_593 = arith.constant 0 : i32
        %add3A_594 = arith.addi %add3A_593, %mul3A_592 : i32
        %add3A_595 = arith.constant 0 : i32
        %add3A_596 = arith.addi %add3A_594, %add3A_595 : i32
        %get3A_597 = arith.index_cast %add3A_596 : i32 to index
        %get3A_598 = arith.constant 16 : index
        %get3A_599 = tpu.vector_load %arg8[%get3A_597, %get3A_598] {strides = array<i32>} : memref<200x128xf32, #tpu.memory_space<vmem>>, vector<1x16xf32>,
        %get3A_600 = vector.shape_cast %get3A_599 : vector<1x16xf32> to vector<16xf32>
        %mul3A_601 = arith.constant 8.000000e+00 : f32
        %mul3A_602 = vector.broadcast %mul3A_601 : f32 to vector<16xf32>
        %mul3A_603 = arith.mulf %get3A_600, %mul3A_602 : vector<16xf32>
        %mul3A_604 = arith.constant 2 : i32
        %mul3A_605 = arith.muli %scan3A_568, %mul3A_604 : i32
        %add3A_606 = arith.constant 0 : i32
        %add3A_607 = arith.addi %add3A_606, %mul3A_605 : i32
        %add3A_608 = arith.constant 0 : i32
        %add3A_609 = arith.addi %add3A_607, %add3A_608 : i32
        %swap3A_610 = arith.index_cast %add3A_609 : i32 to index
        %swap3A_611 = arith.constant 16 : index
        %swap3A_612 = tpu.vector_load %arg10[%swap3A_610, %swap3A_611] {strides = array<i32>} : memref<200x64xf32, #tpu.memory_space<vmem>>, vector<1x16xf32>,
        %swap3A_613 = vector.shape_cast %swap3A_612 : vector<1x16xf32> to vector<16xf32>
        %swap3A_614 = vector.shape_cast %mul3A_603 : vector<16xf32> to vector<1x16xf32>
        tpu.vector_store %arg10[%swap3A_610, %swap3A_611], %swap3A_614 {strides = array<i32>} : memref<200x64xf32, #tpu.memory_space<vmem>>, vector<1x16xf32>,
        %mul3A_615 = arith.constant 2 : i32
        %mul3A_616 = arith.muli %scan3A_568, %mul3A_615 : i32
        %add3A_617 = arith.constant 0 : i32
        %add3A_618 = arith.addi %add3A_617, %mul3A_616 : i32
        %add3A_619 = arith.constant 0 : i32
        %add3A_620 = arith.addi %add3A_618, %add3A_619 : i32
        %get3A_621 = arith.index_cast %add3A_620 : i32 to index
        %get3A_622 = arith.constant 32 : index
        %get3A_623 = tpu.vector_load %arg8[%get3A_621, %get3A_622] {strides = array<i32>} : memref<200x128xf32, #tpu.memory_space<vmem>>, vector<1x16xf32>,
        %get3A_624 = vector.shape_cast %get3A_623 : vector<1x16xf32> to vector<16xf32>
        %mul3A_625 = arith.constant 8.000000e+00 : f32
        %mul3A_626 = vector.broadcast %mul3A_625 : f32 to vector<16xf32>
        %mul3A_627 = arith.mulf %get3A_624, %mul3A_626 : vector<16xf32>
        %mul3A_628 = arith.constant 2 : i32
        %mul3A_629 = arith.muli %scan3A_568, %mul3A_628 : i32
        %add3A_630 = arith.constant 0 : i32
        %add3A_631 = arith.addi %add3A_630, %mul3A_629 : i32
        %add3A_632 = arith.constant 0 : i32
        %add3A_633 = arith.addi %add3A_631, %add3A_632 : i32
        %swap3A_634 = arith.index_cast %add3A_633 : i32 to index
        %swap3A_635 = arith.constant 32 : index
        %swap3A_636 = tpu.vector_load %arg10[%swap3A_634, %swap3A_635] {strides = array<i32>} : memref<200x64xf32, #tpu.memory_space<vmem>>, vector<1x16xf32>,
        %swap3A_637 = vector.shape_cast %swap3A_636 : vector<1x16xf32> to vector<16xf32>
        %swap3A_638 = vector.shape_cast %mul3A_627 : vector<16xf32> to vector<1x16xf32>
        tpu.vector_store %arg10[%swap3A_634, %swap3A_635], %swap3A_638 {strides = array<i32>} : memref<200x64xf32, #tpu.memory_space<vmem>>, vector<1x16xf32>,
        %mul3A_639 = arith.constant 2 : i32
        %mul3A_640 = arith.muli %scan3A_568, %mul3A_639 : i32
        %add3A_641 = arith.constant 0 : i32
        %add3A_642 = arith.addi %add3A_641, %mul3A_640 : i32
        %add3A_643 = arith.constant 0 : i32
        %add3A_644 = arith.addi %add3A_642, %add3A_643 : i32
        %get3A_645 = arith.index_cast %add3A_644 : i32 to index
        %get3A_646 = arith.constant 48 : index
        %get3A_647 = tpu.vector_load %arg8[%get3A_645, %get3A_646] {strides = array<i32>} : memref<200x128xf32, #tpu.memory_space<vmem>>, vector<1x16xf32>,
        %get3A_648 = vector.shape_cast %get3A_647 : vector<1x16xf32> to vector<16xf32>
        %mul3A_649 = arith.constant 8.000000e+00 : f32
        %mul3A_650 = vector.broadcast %mul3A_649 : f32 to vector<16xf32>
        %mul3A_651 = arith.mulf %get3A_648, %mul3A_650 : vector<16xf32>
        %mul3A_652 = arith.constant 2 : i32
        %mul3A_653 = arith.muli %scan3A_568, %mul3A_652 : i32
        %add3A_654 = arith.constant 0 : i32
        %add3A_655 = arith.addi %add3A_654, %mul3A_653 : i32
        %add3A_656 = arith.constant 0 : i32
        %add3A_657 = arith.addi %add3A_655, %add3A_656 : i32
        %swap3A_658 = arith.index_cast %add3A_657 : i32 to index
        %swap3A_659 = arith.constant 48 : index
        %swap3A_660 = tpu.vector_load %arg10[%swap3A_658, %swap3A_659] {strides = array<i32>} : memref<200x64xf32, #tpu.memory_space<vmem>>, vector<1x16xf32>,
        %swap3A_661 = vector.shape_cast %swap3A_660 : vector<1x16xf32> to vector<16xf32>
        %swap3A_662 = vector.shape_cast %mul3A_651 : vector<16xf32> to vector<1x16xf32>
        tpu.vector_store %arg10[%swap3A_658, %swap3A_659], %swap3A_662 {strides = array<i32>} : memref<200x64xf32, #tpu.memory_space<vmem>>, vector<1x16xf32>,
        %mul3A_663 = arith.constant 2 : i32
        %mul3A_664 = arith.muli %scan3A_568, %mul3A_663 : i32
        %add3A_665 = arith.constant 0 : i32
        %add3A_666 = arith.addi %add3A_665, %mul3A_664 : i32
        %add3A_667 = arith.constant 1 : i32
        %add3A_668 = arith.addi %add3A_666, %add3A_667 : i32
        %get3A_669 = arith.index_cast %add3A_668 : i32 to index
        %get3A_670 = arith.constant 0 : index
        %get3A_671 = tpu.vector_load %arg8[%get3A_669, %get3A_670] {strides = array<i32>} : memref<200x128xf32, #tpu.memory_space<vmem>>, vector<1x16xf32>,
        %get3A_672 = vector.shape_cast %get3A_671 : vector<1x16xf32> to vector<16xf32>
        %mul3A_673 = arith.constant 8.000000e+00 : f32
        %mul3A_674 = vector.broadcast %mul3A_673 : f32 to vector<16xf32>
        %mul3A_675 = arith.mulf %get3A_672, %mul3A_674 : vector<16xf32>
        %mul3A_676 = arith.constant 2 : i32
        %mul3A_677 = arith.muli %scan3A_568, %mul3A_676 : i32
        %add3A_678 = arith.constant 0 : i32
        %add3A_679 = arith.addi %add3A_678, %mul3A_677 : i32
        %add3A_680 = arith.constant 1 : i32
        %add3A_681 = arith.addi %add3A_679, %add3A_680 : i32
        %swap3A_682 = arith.index_cast %add3A_681 : i32 to index
        %swap3A_683 = arith.constant 0 : index
        %swap3A_684 = tpu.vector_load %arg10[%swap3A_682, %swap3A_683] {strides = array<i32>} : memref<200x64xf32, #tpu.memory_space<vmem>>, vector<1x16xf32>,
        %swap3A_685 = vector.shape_cast %swap3A_684 : vector<1x16xf32> to vector<16xf32>
        %swap3A_686 = vector.shape_cast %mul3A_675 : vector<16xf32> to vector<1x16xf32>
        tpu.vector_store %arg10[%swap3A_682, %swap3A_683], %swap3A_686 {strides = array<i32>} : memref<200x64xf32, #tpu.memory_space<vmem>>, vector<1x16xf32>,
        %mul3A_687 = arith.constant 2 : i32
        %mul3A_688 = arith.muli %scan3A_568, %mul3A_687 : i32
        %add3A_689 = arith.constant 0 : i32
        %add3A_690 = arith.addi %add3A_689, %mul3A_688 : i32
        %add3A_691 = arith.constant 1 : i32
        %add3A_692 = arith.addi %add3A_690, %add3A_691 : i32
        %get3A_693 = arith.index_cast %add3A_692 : i32 to index
        %get3A_694 = arith.constant 16 : index
        %get3A_695 = tpu.vector_load %arg8[%get3A_693, %get3A_694] {strides = array<i32>} : memref<200x128xf32, #tpu.memory_space<vmem>>, vector<1x16xf32>,
        %get3A_696 = vector.shape_cast %get3A_695 : vector<1x16xf32> to vector<16xf32>
        %mul3A_697 = arith.constant 8.000000e+00 : f32
        %mul3A_698 = vector.broadcast %mul3A_697 : f32 to vector<16xf32>
        %mul3A_699 = arith.mulf %get3A_696, %mul3A_698 : vector<16xf32>
        %mul3A_700 = arith.constant 2 : i32
        %mul3A_701 = arith.muli %scan3A_568, %mul3A_700 : i32
        %add3A_702 = arith.constant 0 : i32
        %add3A_703 = arith.addi %add3A_702, %mul3A_701 : i32
        %add3A_704 = arith.constant 1 : i32
        %add3A_705 = arith.addi %add3A_703, %add3A_704 : i32
        %swap3A_706 = arith.index_cast %add3A_705 : i32 to index
        %swap3A_707 = arith.constant 16 : index
        %swap3A_708 = tpu.vector_load %arg10[%swap3A_706, %swap3A_707] {strides = array<i32>} : memref<200x64xf32, #tpu.memory_space<vmem>>, vector<1x16xf32>,
        %swap3A_709 = vector.shape_cast %swap3A_708 : vector<1x16xf32> to vector<16xf32>
        %swap3A_710 = vector.shape_cast %mul3A_699 : vector<16xf32> to vector<1x16xf32>
        tpu.vector_store %arg10[%swap3A_706, %swap3A_707], %swap3A_710 {strides = array<i32>} : memref<200x64xf32, #tpu.memory_space<vmem>>, vector<1x16xf32>,
        %mul3A_711 = arith.constant 2 : i32
        %mul3A_712 = arith.muli %scan3A_568, %mul3A_711 : i32
        %add3A_713 = arith.constant 0 : i32
        %add3A_714 = arith.addi %add3A_713, %mul3A_712 : i32
        %add3A_715 = arith.constant 1 : i32
        %add3A_716 = arith.addi %add3A_714, %add3A_715 : i32
        %get3A_717 = arith.index_cast %add3A_716 : i32 to index
        %get3A_718 = arith.constant 32 : index
        %get3A_719 = tpu.vector_load %arg8[%get3A_717, %get3A_718] {strides = array<i32>} : memref<200x128xf32, #tpu.memory_space<vmem>>, vector<1x16xf32>,
        %get3A_720 = vector.shape_cast %get3A_719 : vector<1x16xf32> to vector<16xf32>
        %mul3A_721 = arith.constant 8.000000e+00 : f32
        %mul3A_722 = vector.broadcast %mul3A_721 : f32 to vector<16xf32>
        %mul3A_723 = arith.mulf %get3A_720, %mul3A_722 : vector<16xf32>
        %mul3A_724 = arith.constant 2 : i32
        %mul3A_725 = arith.muli %scan3A_568, %mul3A_724 : i32
        %add3A_726 = arith.constant 0 : i32
        %add3A_727 = arith.addi %add3A_726, %mul3A_725 : i32
        %add3A_728 = arith.constant 1 : i32
        %add3A_729 = arith.addi %add3A_727, %add3A_728 : i32
        %swap3A_730 = arith.index_cast %add3A_729 : i32 to index
        %swap3A_731 = arith.constant 32 : index
        %swap3A_732 = tpu.vector_load %arg10[%swap3A_730, %swap3A_731] {strides = array<i32>} : memref<200x64xf32, #tpu.memory_space<vmem>>, vector<1x16xf32>,
        %swap3A_733 = vector.shape_cast %swap3A_732 : vector<1x16xf32> to vector<16xf32>
        %swap3A_734 = vector.shape_cast %mul3A_723 : vector<16xf32> to vector<1x16xf32>
        tpu.vector_store %arg10[%swap3A_730, %swap3A_731], %swap3A_734 {strides = array<i32>} : memref<200x64xf32, #tpu.memory_space<vmem>>, vector<1x16xf32>,
        %mul3A_735 = arith.constant 2 : i32
        %mul3A_736 = arith.muli %scan3A_568, %mul3A_735 : i32
        %add3A_737 = arith.constant 0 : i32
        %add3A_738 = arith.addi %add3A_737, %mul3A_736 : i32
        %add3A_739 = arith.constant 1 : i32
        %add3A_740 = arith.addi %add3A_738, %add3A_739 : i32
        %get3A_741 = arith.index_cast %add3A_740 : i32 to index
        %get3A_742 = arith.constant 48 : index
        %get3A_743 = tpu.vector_load %arg8[%get3A_741, %get3A_742] {strides = array<i32>} : memref<200x128xf32, #tpu.memory_space<vmem>>, vector<1x16xf32>,
        %get3A_744 = vector.shape_cast %get3A_743 : vector<1x16xf32> to vector<16xf32>
        %mul3A_745 = arith.constant 8.000000e+00 : f32
        %mul3A_746 = vector.broadcast %mul3A_745 : f32 to vector<16xf32>
        %mul3A_747 = arith.mulf %get3A_744, %mul3A_746 : vector<16xf32>
        %mul3A_748 = arith.constant 2 : i32
        %mul3A_749 = arith.muli %scan3A_568, %mul3A_748 : i32
        %add3A_750 = arith.constant 0 : i32
        %add3A_751 = arith.addi %add3A_750, %mul3A_749 : i32
        %add3A_752 = arith.constant 1 : i32
        %add3A_753 = arith.addi %add3A_751, %add3A_752 : i32
        %swap3A_754 = arith.index_cast %add3A_753 : i32 to index
        %swap3A_755 = arith.constant 48 : index
        %swap3A_756 = tpu.vector_load %arg10[%swap3A_754, %swap3A_755] {strides = array<i32>} : memref<200x64xf32, #tpu.memory_space<vmem>>, vector<1x16xf32>,
        %swap3A_757 = vector.shape_cast %swap3A_756 : vector<1x16xf32> to vector<16xf32>
        %swap3A_758 = vector.shape_cast %mul3A_747 : vector<16xf32> to vector<1x16xf32>
        tpu.vector_store %arg10[%swap3A_754, %swap3A_755], %swap3A_758 {strides = array<i32>} : memref<200x64xf32, #tpu.memory_space<vmem>>, vector<1x16xf32>,
      }
      %scan3A_473 = arith.constant 25 : i32
      %mul3A_474 = arith.constant 4 : i32
      %mul3A_475 = arith.muli %add3A_467, %mul3A_474 : i32
      %add3A_476 = arith.addi %mul3A_2, %mul3A_475 : i32
      %add3A_477 = arith.constant 0 : i32
      %add3A_478 = arith.addi %add3A_476, %add3A_477 : i32
      %dma_start3A_479 = arith.constant 0 : i32
      %dma_start3A_480 = arith.constant 0 : i32
      %dma_start3A_481 = tpu.memref_slice %arg10[%dma_start3A_479, %dma_start3A_480] : memref<200x64xf32, #tpu.memory_space<vmem>> -> memref<50x64xf32, #tpu.memory_space<vmem>>
      %dma_start3A_482 = arith.constant 0 : i32
      %dma_start3A_483 = arith.constant 0 : i32
      %dma_start3A_484 = tpu.memref_slice %arg4[%add3A_478, %dma_start3A_482, %dma_start3A_483] : memref<16384x50x64xf32, #tpu.memory_space<hbm>> -> memref<1x50x64xf32, #tpu.memory_space<hbm>>
      %dma_start3A_485 = tpu.memref_squeeze %dma_start3A_484 : memref<1x50x64xf32, #tpu.memory_space<hbm>> -> memref<50x64xf32, #tpu.memory_space<hbm>>
      %dma_start3A_486 = arith.constant 0 : i32
      %dma_start3A_487 = arith.constant 0 : i32
      %dma_start3A_488 = tpu.memref_slice %arg4[%add3A_478, %dma_start3A_486, %dma_start3A_487] : memref<16384x50x64xf32, #tpu.memory_space<hbm>> -> memref<1x50x64xf32, #tpu.memory_space<hbm>>
      %dma_start3A_489 = tpu.memref_squeeze %dma_start3A_488 : memref<1x50x64xf32, #tpu.memory_space<hbm>> -> memref<50x64xf32, #tpu.memory_space<hbm>>
      %dma_start3A_490 = arith.constant 0 : i32
      %dma_start3A_491 = arith.constant 0 : i32
      %dma_start3A_492 = tpu.memref_slice %arg10[%dma_start3A_490, %dma_start3A_491] : memref<200x64xf32, #tpu.memory_space<vmem>> -> memref<50x64xf32, #tpu.memory_space<vmem>>
      tpu.enqueue_dma source(%dma_start3A_492 : memref<50x64xf32, #tpu.memory_space<vmem>>) target(%dma_start3A_489 : memref<50x64xf32, #tpu.memory_space<hbm>>) target_semaphore(%arg14 : memref<!tpu.dma_semaphore, #tpu.memory_space<semaphore_mem>>)
      %scan3A_493 = arith.constant 0 : i32
      %scan3A_494 = arith.constant 0 : i32
      %scan3A_495 = arith.constant 25 : i32
      %scan3A_496 = arith.addi %scan3A_494, %scan3A_495 : i32
      %scan3A_497 = arith.constant 1 : i32
      scf.for %scan3A_568 = %scan3A_494 to %scan3A_496 step %scan3A_497  : i32 {
        %mul3A_569 = arith.constant 2 : i32
        %mul3A_570 = arith.muli %scan3A_568, %mul3A_569 : i32
        %add3A_571 = arith.constant 50 : i32
        %add3A_572 = arith.addi %add3A_571, %mul3A_570 : i32
        %add3A_573 = arith.constant 0 : i32
        %add3A_574 = arith.addi %add3A_572, %add3A_573 : i32
        %get3A = arith.index_cast %add3A_574 : i32 to index
        %get3A_575 = arith.constant 0 : index
        %get3A_576 = tpu.vector_load %arg8[%get3A, %get3A_575] {strides = array<i32>} : memref<200x128xf32, #tpu.memory_space<vmem>>, vector<1x16xf32>,
        %get3A_577 = vector.shape_cast %get3A_576 : vector<1x16xf32> to vector<16xf32>
        %mul3A_578 = arith.constant 8.000000e+00 : f32
        %mul3A_579 = vector.broadcast %mul3A_578 : f32 to vector<16xf32>
        %mul3A_580 = arith.mulf %get3A_577, %mul3A_579 : vector<16xf32>
        %mul3A_581 = arith.constant 2 : i32
        %mul3A_582 = arith.muli %scan3A_568, %mul3A_581 : i32
        %add3A_583 = arith.constant 50 : i32
        %add3A_584 = arith.addi %add3A_583, %mul3A_582 : i32
        %add3A_585 = arith.constant 0 : i32
        %add3A_586 = arith.addi %add3A_584, %add3A_585 : i32
        %swap3A = arith.index_cast %add3A_586 : i32 to index
        %swap3A_587 = arith.constant 0 : index
        %swap3A_588 = tpu.vector_load %arg10[%swap3A, %swap3A_587] {strides = array<i32>} : memref<200x64xf32, #tpu.memory_space<vmem>>, vector<1x16xf32>,
        %swap3A_589 = vector.shape_cast %swap3A_588 : vector<1x16xf32> to vector<16xf32>
        %swap3A_590 = vector.shape_cast %mul3A_580 : vector<16xf32> to vector<1x16xf32>
        tpu.vector_store %arg10[%swap3A, %swap3A_587], %swap3A_590 {strides = array<i32>} : memref<200x64xf32, #tpu.memory_space<vmem>>, vector<1x16xf32>,
        %mul3A_591 = arith.constant 2 : i32
        %mul3A_592 = arith.muli %scan3A_568, %mul3A_591 : i32
        %add3A_593 = arith.constant 50 : i32
        %add3A_594 = arith.addi %add3A_593, %mul3A_592 : i32
        %add3A_595 = arith.constant 0 : i32
        %add3A_596 = arith.addi %add3A_594, %add3A_595 : i32
        %get3A_597 = arith.index_cast %add3A_596 : i32 to index
        %get3A_598 = arith.constant 16 : index
        %get3A_599 = tpu.vector_load %arg8[%get3A_597, %get3A_598] {strides = array<i32>} : memref<200x128xf32, #tpu.memory_space<vmem>>, vector<1x16xf32>,
        %get3A_600 = vector.shape_cast %get3A_599 : vector<1x16xf32> to vector<16xf32>
        %mul3A_601 = arith.constant 8.000000e+00 : f32
        %mul3A_602 = vector.broadcast %mul3A_601 : f32 to vector<16xf32>
        %mul3A_603 = arith.mulf %get3A_600, %mul3A_602 : vector<16xf32>
        %mul3A_604 = arith.constant 2 : i32
        %mul3A_605 = arith.muli %scan3A_568, %mul3A_604 : i32
        %add3A_606 = arith.constant 50 : i32
        %add3A_607 = arith.addi %add3A_606, %mul3A_605 : i32
        %add3A_608 = arith.constant 0 : i32
        %add3A_609 = arith.addi %add3A_607, %add3A_608 : i32
        %swap3A_610 = arith.index_cast %add3A_609 : i32 to index
        %swap3A_611 = arith.constant 16 : index
        %swap3A_612 = tpu.vector_load %arg10[%swap3A_610, %swap3A_611] {strides = array<i32>} : memref<200x64xf32, #tpu.memory_space<vmem>>, vector<1x16xf32>,
        %swap3A_613 = vector.shape_cast %swap3A_612 : vector<1x16xf32> to vector<16xf32>
        %swap3A_614 = vector.shape_cast %mul3A_603 : vector<16xf32> to vector<1x16xf32>
        tpu.vector_store %arg10[%swap3A_610, %swap3A_611], %swap3A_614 {strides = array<i32>} : memref<200x64xf32, #tpu.memory_space<vmem>>, vector<1x16xf32>,
        %mul3A_615 = arith.constant 2 : i32
        %mul3A_616 = arith.muli %scan3A_568, %mul3A_615 : i32
        %add3A_617 = arith.constant 50 : i32
        %add3A_618 = arith.addi %add3A_617, %mul3A_616 : i32
        %add3A_619 = arith.constant 0 : i32
        %add3A_620 = arith.addi %add3A_618, %add3A_619 : i32
        %get3A_621 = arith.index_cast %add3A_620 : i32 to index
        %get3A_622 = arith.constant 32 : index
        %get3A_623 = tpu.vector_load %arg8[%get3A_621, %get3A_622] {strides = array<i32>} : memref<200x128xf32, #tpu.memory_space<vmem>>, vector<1x16xf32>,
        %get3A_624 = vector.shape_cast %get3A_623 : vector<1x16xf32> to vector<16xf32>
        %mul3A_625 = arith.constant 8.000000e+00 : f32
        %mul3A_626 = vector.broadcast %mul3A_625 : f32 to vector<16xf32>
        %mul3A_627 = arith.mulf %get3A_624, %mul3A_626 : vector<16xf32>
        %mul3A_628 = arith.constant 2 : i32
        %mul3A_629 = arith.muli %scan3A_568, %mul3A_628 : i32
        %add3A_630 = arith.constant 50 : i32
        %add3A_631 = arith.addi %add3A_630, %mul3A_629 : i32
        %add3A_632 = arith.constant 0 : i32
        %add3A_633 = arith.addi %add3A_631, %add3A_632 : i32
        %swap3A_634 = arith.index_cast %add3A_633 : i32 to index
        %swap3A_635 = arith.constant 32 : index
        %swap3A_636 = tpu.vector_load %arg10[%swap3A_634, %swap3A_635] {strides = array<i32>} : memref<200x64xf32, #tpu.memory_space<vmem>>, vector<1x16xf32>,
        %swap3A_637 = vector.shape_cast %swap3A_636 : vector<1x16xf32> to vector<16xf32>
        %swap3A_638 = vector.shape_cast %mul3A_627 : vector<16xf32> to vector<1x16xf32>
        tpu.vector_store %arg10[%swap3A_634, %swap3A_635], %swap3A_638 {strides = array<i32>} : memref<200x64xf32, #tpu.memory_space<vmem>>, vector<1x16xf32>,
        %mul3A_639 = arith.constant 2 : i32
        %mul3A_640 = arith.muli %scan3A_568, %mul3A_639 : i32
        %add3A_641 = arith.constant 50 : i32
        %add3A_642 = arith.addi %add3A_641, %mul3A_640 : i32
        %add3A_643 = arith.constant 0 : i32
        %add3A_644 = arith.addi %add3A_642, %add3A_643 : i32
        %get3A_645 = arith.index_cast %add3A_644 : i32 to index
        %get3A_646 = arith.constant 48 : index
        %get3A_647 = tpu.vector_load %arg8[%get3A_645, %get3A_646] {strides = array<i32>} : memref<200x128xf32, #tpu.memory_space<vmem>>, vector<1x16xf32>,
        %get3A_648 = vector.shape_cast %get3A_647 : vector<1x16xf32> to vector<16xf32>
        %mul3A_649 = arith.constant 8.000000e+00 : f32
        %mul3A_650 = vector.broadcast %mul3A_649 : f32 to vector<16xf32>
        %mul3A_651 = arith.mulf %get3A_648, %mul3A_650 : vector<16xf32>
        %mul3A_652 = arith.constant 2 : i32
        %mul3A_653 = arith.muli %scan3A_568, %mul3A_652 : i32
        %add3A_654 = arith.constant 50 : i32
        %add3A_655 = arith.addi %add3A_654, %mul3A_653 : i32
        %add3A_656 = arith.constant 0 : i32
        %add3A_657 = arith.addi %add3A_655, %add3A_656 : i32
        %swap3A_658 = arith.index_cast %add3A_657 : i32 to index
        %swap3A_659 = arith.constant 48 : index
        %swap3A_660 = tpu.vector_load %arg10[%swap3A_658, %swap3A_659] {strides = array<i32>} : memref<200x64xf32, #tpu.memory_space<vmem>>, vector<1x16xf32>,
        %swap3A_661 = vector.shape_cast %swap3A_660 : vector<1x16xf32> to vector<16xf32>
        %swap3A_662 = vector.shape_cast %mul3A_651 : vector<16xf32> to vector<1x16xf32>
        tpu.vector_store %arg10[%swap3A_658, %swap3A_659], %swap3A_662 {strides = array<i32>} : memref<200x64xf32, #tpu.memory_space<vmem>>, vector<1x16xf32>,
        %mul3A_663 = arith.constant 2 : i32
        %mul3A_664 = arith.muli %scan3A_568, %mul3A_663 : i32
        %add3A_665 = arith.constant 50 : i32
        %add3A_666 = arith.addi %add3A_665, %mul3A_664 : i32
        %add3A_667 = arith.constant 1 : i32
        %add3A_668 = arith.addi %add3A_666, %add3A_667 : i32
        %get3A_669 = arith.index_cast %add3A_668 : i32 to index
        %get3A_670 = arith.constant 0 : index
        %get3A_671 = tpu.vector_load %arg8[%get3A_669, %get3A_670] {strides = array<i32>} : memref<200x128xf32, #tpu.memory_space<vmem>>, vector<1x16xf32>,
        %get3A_672 = vector.shape_cast %get3A_671 : vector<1x16xf32> to vector<16xf32>
        %mul3A_673 = arith.constant 8.000000e+00 : f32
        %mul3A_674 = vector.broadcast %mul3A_673 : f32 to vector<16xf32>
        %mul3A_675 = arith.mulf %get3A_672, %mul3A_674 : vector<16xf32>
        %mul3A_676 = arith.constant 2 : i32
        %mul3A_677 = arith.muli %scan3A_568, %mul3A_676 : i32
        %add3A_678 = arith.constant 50 : i32
        %add3A_679 = arith.addi %add3A_678, %mul3A_677 : i32
        %add3A_680 = arith.constant 1 : i32
        %add3A_681 = arith.addi %add3A_679, %add3A_680 : i32
        %swap3A_682 = arith.index_cast %add3A_681 : i32 to index
        %swap3A_683 = arith.constant 0 : index
        %swap3A_684 = tpu.vector_load %arg10[%swap3A_682, %swap3A_683] {strides = array<i32>} : memref<200x64xf32, #tpu.memory_space<vmem>>, vector<1x16xf32>,
        %swap3A_685 = vector.shape_cast %swap3A_684 : vector<1x16xf32> to vector<16xf32>
        %swap3A_686 = vector.shape_cast %mul3A_675 : vector<16xf32> to vector<1x16xf32>
        tpu.vector_store %arg10[%swap3A_682, %swap3A_683], %swap3A_686 {strides = array<i32>} : memref<200x64xf32, #tpu.memory_space<vmem>>, vector<1x16xf32>,
        %mul3A_687 = arith.constant 2 : i32
        %mul3A_688 = arith.muli %scan3A_568, %mul3A_687 : i32
        %add3A_689 = arith.constant 50 : i32
        %add3A_690 = arith.addi %add3A_689, %mul3A_688 : i32
        %add3A_691 = arith.constant 1 : i32
        %add3A_692 = arith.addi %add3A_690, %add3A_691 : i32
        %get3A_693 = arith.index_cast %add3A_692 : i32 to index
        %get3A_694 = arith.constant 16 : index
        %get3A_695 = tpu.vector_load %arg8[%get3A_693, %get3A_694] {strides = array<i32>} : memref<200x128xf32, #tpu.memory_space<vmem>>, vector<1x16xf32>,
        %get3A_696 = vector.shape_cast %get3A_695 : vector<1x16xf32> to vector<16xf32>
        %mul3A_697 = arith.constant 8.000000e+00 : f32
        %mul3A_698 = vector.broadcast %mul3A_697 : f32 to vector<16xf32>
        %mul3A_699 = arith.mulf %get3A_696, %mul3A_698 : vector<16xf32>
        %mul3A_700 = arith.constant 2 : i32
        %mul3A_701 = arith.muli %scan3A_568, %mul3A_700 : i32
        %add3A_702 = arith.constant 50 : i32
        %add3A_703 = arith.addi %add3A_702, %mul3A_701 : i32
        %add3A_704 = arith.constant 1 : i32
        %add3A_705 = arith.addi %add3A_703, %add3A_704 : i32
        %swap3A_706 = arith.index_cast %add3A_705 : i32 to index
        %swap3A_707 = arith.constant 16 : index
        %swap3A_708 = tpu.vector_load %arg10[%swap3A_706, %swap3A_707] {strides = array<i32>} : memref<200x64xf32, #tpu.memory_space<vmem>>, vector<1x16xf32>,
        %swap3A_709 = vector.shape_cast %swap3A_708 : vector<1x16xf32> to vector<16xf32>
        %swap3A_710 = vector.shape_cast %mul3A_699 : vector<16xf32> to vector<1x16xf32>
        tpu.vector_store %arg10[%swap3A_706, %swap3A_707], %swap3A_710 {strides = array<i32>} : memref<200x64xf32, #tpu.memory_space<vmem>>, vector<1x16xf32>,
        %mul3A_711 = arith.constant 2 : i32
        %mul3A_712 = arith.muli %scan3A_568, %mul3A_711 : i32
        %add3A_713 = arith.constant 50 : i32
        %add3A_714 = arith.addi %add3A_713, %mul3A_712 : i32
        %add3A_715 = arith.constant 1 : i32
        %add3A_716 = arith.addi %add3A_714, %add3A_715 : i32
        %get3A_717 = arith.index_cast %add3A_716 : i32 to index
        %get3A_718 = arith.constant 32 : index
        %get3A_719 = tpu.vector_load %arg8[%get3A_717, %get3A_718] {strides = array<i32>} : memref<200x128xf32, #tpu.memory_space<vmem>>, vector<1x16xf32>,
        %get3A_720 = vector.shape_cast %get3A_719 : vector<1x16xf32> to vector<16xf32>
        %mul3A_721 = arith.constant 8.000000e+00 : f32
        %mul3A_722 = vector.broadcast %mul3A_721 : f32 to vector<16xf32>
        %mul3A_723 = arith.mulf %get3A_720, %mul3A_722 : vector<16xf32>
        %mul3A_724 = arith.constant 2 : i32
        %mul3A_725 = arith.muli %scan3A_568, %mul3A_724 : i32
        %add3A_726 = arith.constant 50 : i32
        %add3A_727 = arith.addi %add3A_726, %mul3A_725 : i32
        %add3A_728 = arith.constant 1 : i32
        %add3A_729 = arith.addi %add3A_727, %add3A_728 : i32
        %swap3A_730 = arith.index_cast %add3A_729 : i32 to index
        %swap3A_731 = arith.constant 32 : index
        %swap3A_732 = tpu.vector_load %arg10[%swap3A_730, %swap3A_731] {strides = array<i32>} : memref<200x64xf32, #tpu.memory_space<vmem>>, vector<1x16xf32>,
        %swap3A_733 = vector.shape_cast %swap3A_732 : vector<1x16xf32> to vector<16xf32>
        %swap3A_734 = vector.shape_cast %mul3A_723 : vector<16xf32> to vector<1x16xf32>
        tpu.vector_store %arg10[%swap3A_730, %swap3A_731], %swap3A_734 {strides = array<i32>} : memref<200x64xf32, #tpu.memory_space<vmem>>, vector<1x16xf32>,
        %mul3A_735 = arith.constant 2 : i32
        %mul3A_736 = arith.muli %scan3A_568, %mul3A_735 : i32
        %add3A_737 = arith.constant 50 : i32
        %add3A_738 = arith.addi %add3A_737, %mul3A_736 : i32
        %add3A_739 = arith.constant 1 : i32
        %add3A_740 = arith.addi %add3A_738, %add3A_739 : i32
        %get3A_741 = arith.index_cast %add3A_740 : i32 to index
        %get3A_742 = arith.constant 48 : index
        %get3A_743 = tpu.vector_load %arg8[%get3A_741, %get3A_742] {strides = array<i32>} : memref<200x128xf32, #tpu.memory_space<vmem>>, vector<1x16xf32>,
        %get3A_744 = vector.shape_cast %get3A_743 : vector<1x16xf32> to vector<16xf32>
        %mul3A_745 = arith.constant 8.000000e+00 : f32
        %mul3A_746 = vector.broadcast %mul3A_745 : f32 to vector<16xf32>
        %mul3A_747 = arith.mulf %get3A_744, %mul3A_746 : vector<16xf32>
        %mul3A_748 = arith.constant 2 : i32
        %mul3A_749 = arith.muli %scan3A_568, %mul3A_748 : i32
        %add3A_750 = arith.constant 50 : i32
        %add3A_751 = arith.addi %add3A_750, %mul3A_749 : i32
        %add3A_752 = arith.constant 1 : i32
        %add3A_753 = arith.addi %add3A_751, %add3A_752 : i32
        %swap3A_754 = arith.index_cast %add3A_753 : i32 to index
        %swap3A_755 = arith.constant 48 : index
        %swap3A_756 = tpu.vector_load %arg10[%swap3A_754, %swap3A_755] {strides = array<i32>} : memref<200x64xf32, #tpu.memory_space<vmem>>, vector<1x16xf32>,
        %swap3A_757 = vector.shape_cast %swap3A_756 : vector<1x16xf32> to vector<16xf32>
        %swap3A_758 = vector.shape_cast %mul3A_747 : vector<16xf32> to vector<1x16xf32>
        tpu.vector_store %arg10[%swap3A_754, %swap3A_755], %swap3A_758 {strides = array<i32>} : memref<200x64xf32, #tpu.memory_space<vmem>>, vector<1x16xf32>,
      }
      %scan3A_498 = arith.constant 25 : i32
      %mul3A_499 = arith.constant 4 : i32
      %mul3A_500 = arith.muli %add3A_467, %mul3A_499 : i32
      %add3A_501 = arith.addi %mul3A_2, %mul3A_500 : i32
      %add3A_502 = arith.constant 1 : i32
      %add3A_503 = arith.addi %add3A_501, %add3A_502 : i32
      %dma_start3A_504 = arith.constant 50 : i32
      %dma_start3A_505 = arith.constant 0 : i32
      %dma_start3A_506 = tpu.memref_slice %arg10[%dma_start3A_504, %dma_start3A_505] : memref<200x64xf32, #tpu.memory_space<vmem>> -> memref<50x64xf32, #tpu.memory_space<vmem>>
      %dma_start3A_507 = arith.constant 0 : i32
      %dma_start3A_508 = arith.constant 0 : i32
      %dma_start3A_509 = tpu.memref_slice %arg4[%add3A_503, %dma_start3A_507, %dma_start3A_508] : memref<16384x50x64xf32, #tpu.memory_space<hbm>> -> memref<1x50x64xf32, #tpu.memory_space<hbm>>
      %dma_start3A_510 = tpu.memref_squeeze %dma_start3A_509 : memref<1x50x64xf32, #tpu.memory_space<hbm>> -> memref<50x64xf32, #tpu.memory_space<hbm>>
      %dma_start3A_511 = arith.constant 0 : i32
      %dma_start3A_512 = arith.constant 0 : i32
      %dma_start3A_513 = tpu.memref_slice %arg4[%add3A_503, %dma_start3A_511, %dma_start3A_512] : memref<16384x50x64xf32, #tpu.memory_space<hbm>> -> memref<1x50x64xf32, #tpu.memory_space<hbm>>
      %dma_start3A_514 = tpu.memref_squeeze %dma_start3A_513 : memref<1x50x64xf32, #tpu.memory_space<hbm>> -> memref<50x64xf32, #tpu.memory_space<hbm>>
      %dma_start3A_515 = arith.constant 50 : i32
      %dma_start3A_516 = arith.constant 0 : i32
      %dma_start3A_517 = tpu.memref_slice %arg10[%dma_start3A_515, %dma_start3A_516] : memref<200x64xf32, #tpu.memory_space<vmem>> -> memref<50x64xf32, #tpu.memory_space<vmem>>
      tpu.enqueue_dma source(%dma_start3A_517 : memref<50x64xf32, #tpu.memory_space<vmem>>) target(%dma_start3A_514 : memref<50x64xf32, #tpu.memory_space<hbm>>) target_semaphore(%arg14 : memref<!tpu.dma_semaphore, #tpu.memory_space<semaphore_mem>>)
      %scan3A_518 = arith.constant 0 : i32
      %scan3A_519 = arith.constant 0 : i32
      %scan3A_520 = arith.constant 25 : i32
      %scan3A_521 = arith.addi %scan3A_519, %scan3A_520 : i32
      %scan3A_522 = arith.constant 1 : i32
      scf.for %scan3A_568 = %scan3A_519 to %scan3A_521 step %scan3A_522  : i32 {
        %mul3A_569 = arith.constant 2 : i32
        %mul3A_570 = arith.muli %scan3A_568, %mul3A_569 : i32
        %add3A_571 = arith.constant 100 : i32
        %add3A_572 = arith.addi %add3A_571, %mul3A_570 : i32
        %add3A_573 = arith.constant 0 : i32
        %add3A_574 = arith.addi %add3A_572, %add3A_573 : i32
        %get3A = arith.index_cast %add3A_574 : i32 to index
        %get3A_575 = arith.constant 0 : index
        %get3A_576 = tpu.vector_load %arg8[%get3A, %get3A_575] {strides = array<i32>} : memref<200x128xf32, #tpu.memory_space<vmem>>, vector<1x16xf32>,
        %get3A_577 = vector.shape_cast %get3A_576 : vector<1x16xf32> to vector<16xf32>
        %mul3A_578 = arith.constant 8.000000e+00 : f32
        %mul3A_579 = vector.broadcast %mul3A_578 : f32 to vector<16xf32>
        %mul3A_580 = arith.mulf %get3A_577, %mul3A_579 : vector<16xf32>
        %mul3A_581 = arith.constant 2 : i32
        %mul3A_582 = arith.muli %scan3A_568, %mul3A_581 : i32
        %add3A_583 = arith.constant 100 : i32
        %add3A_584 = arith.addi %add3A_583, %mul3A_582 : i32
        %add3A_585 = arith.constant 0 : i32
        %add3A_586 = arith.addi %add3A_584, %add3A_585 : i32
        %swap3A = arith.index_cast %add3A_586 : i32 to index
        %swap3A_587 = arith.constant 0 : index
        %swap3A_588 = tpu.vector_load %arg10[%swap3A, %swap3A_587] {strides = array<i32>} : memref<200x64xf32, #tpu.memory_space<vmem>>, vector<1x16xf32>,
        %swap3A_589 = vector.shape_cast %swap3A_588 : vector<1x16xf32> to vector<16xf32>
        %swap3A_590 = vector.shape_cast %mul3A_580 : vector<16xf32> to vector<1x16xf32>
        tpu.vector_store %arg10[%swap3A, %swap3A_587], %swap3A_590 {strides = array<i32>} : memref<200x64xf32, #tpu.memory_space<vmem>>, vector<1x16xf32>,
        %mul3A_591 = arith.constant 2 : i32
        %mul3A_592 = arith.muli %scan3A_568, %mul3A_591 : i32
        %add3A_593 = arith.constant 100 : i32
        %add3A_594 = arith.addi %add3A_593, %mul3A_592 : i32
        %add3A_595 = arith.constant 0 : i32
        %add3A_596 = arith.addi %add3A_594, %add3A_595 : i32
        %get3A_597 = arith.index_cast %add3A_596 : i32 to index
        %get3A_598 = arith.constant 16 : index
        %get3A_599 = tpu.vector_load %arg8[%get3A_597, %get3A_598] {strides = array<i32>} : memref<200x128xf32, #tpu.memory_space<vmem>>, vector<1x16xf32>,
        %get3A_600 = vector.shape_cast %get3A_599 : vector<1x16xf32> to vector<16xf32>
        %mul3A_601 = arith.constant 8.000000e+00 : f32
        %mul3A_602 = vector.broadcast %mul3A_601 : f32 to vector<16xf32>
        %mul3A_603 = arith.mulf %get3A_600, %mul3A_602 : vector<16xf32>
        %mul3A_604 = arith.constant 2 : i32
        %mul3A_605 = arith.muli %scan3A_568, %mul3A_604 : i32
        %add3A_606 = arith.constant 100 : i32
        %add3A_607 = arith.addi %add3A_606, %mul3A_605 : i32
        %add3A_608 = arith.constant 0 : i32
        %add3A_609 = arith.addi %add3A_607, %add3A_608 : i32
        %swap3A_610 = arith.index_cast %add3A_609 : i32 to index
        %swap3A_611 = arith.constant 16 : index
        %swap3A_612 = tpu.vector_load %arg10[%swap3A_610, %swap3A_611] {strides = array<i32>} : memref<200x64xf32, #tpu.memory_space<vmem>>, vector<1x16xf32>,
        %swap3A_613 = vector.shape_cast %swap3A_612 : vector<1x16xf32> to vector<16xf32>
        %swap3A_614 = vector.shape_cast %mul3A_603 : vector<16xf32> to vector<1x16xf32>
        tpu.vector_store %arg10[%swap3A_610, %swap3A_611], %swap3A_614 {strides = array<i32>} : memref<200x64xf32, #tpu.memory_space<vmem>>, vector<1x16xf32>,
        %mul3A_615 = arith.constant 2 : i32
        %mul3A_616 = arith.muli %scan3A_568, %mul3A_615 : i32
        %add3A_617 = arith.constant 100 : i32
        %add3A_618 = arith.addi %add3A_617, %mul3A_616 : i32
        %add3A_619 = arith.constant 0 : i32
        %add3A_620 = arith.addi %add3A_618, %add3A_619 : i32
        %get3A_621 = arith.index_cast %add3A_620 : i32 to index
        %get3A_622 = arith.constant 32 : index
        %get3A_623 = tpu.vector_load %arg8[%get3A_621, %get3A_622] {strides = array<i32>} : memref<200x128xf32, #tpu.memory_space<vmem>>, vector<1x16xf32>,
        %get3A_624 = vector.shape_cast %get3A_623 : vector<1x16xf32> to vector<16xf32>
        %mul3A_625 = arith.constant 8.000000e+00 : f32
        %mul3A_626 = vector.broadcast %mul3A_625 : f32 to vector<16xf32>
        %mul3A_627 = arith.mulf %get3A_624, %mul3A_626 : vector<16xf32>
        %mul3A_628 = arith.constant 2 : i32
        %mul3A_629 = arith.muli %scan3A_568, %mul3A_628 : i32
        %add3A_630 = arith.constant 100 : i32
        %add3A_631 = arith.addi %add3A_630, %mul3A_629 : i32
        %add3A_632 = arith.constant 0 : i32
        %add3A_633 = arith.addi %add3A_631, %add3A_632 : i32
        %swap3A_634 = arith.index_cast %add3A_633 : i32 to index
        %swap3A_635 = arith.constant 32 : index
        %swap3A_636 = tpu.vector_load %arg10[%swap3A_634, %swap3A_635] {strides = array<i32>} : memref<200x64xf32, #tpu.memory_space<vmem>>, vector<1x16xf32>,
        %swap3A_637 = vector.shape_cast %swap3A_636 : vector<1x16xf32> to vector<16xf32>
        %swap3A_638 = vector.shape_cast %mul3A_627 : vector<16xf32> to vector<1x16xf32>
        tpu.vector_store %arg10[%swap3A_634, %swap3A_635], %swap3A_638 {strides = array<i32>} : memref<200x64xf32, #tpu.memory_space<vmem>>, vector<1x16xf32>,
        %mul3A_639 = arith.constant 2 : i32
        %mul3A_640 = arith.muli %scan3A_568, %mul3A_639 : i32
        %add3A_641 = arith.constant 100 : i32
        %add3A_642 = arith.addi %add3A_641, %mul3A_640 : i32
        %add3A_643 = arith.constant 0 : i32
        %add3A_644 = arith.addi %add3A_642, %add3A_643 : i32
        %get3A_645 = arith.index_cast %add3A_644 : i32 to index
        %get3A_646 = arith.constant 48 : index
        %get3A_647 = tpu.vector_load %arg8[%get3A_645, %get3A_646] {strides = array<i32>} : memref<200x128xf32, #tpu.memory_space<vmem>>, vector<1x16xf32>,
        %get3A_648 = vector.shape_cast %get3A_647 : vector<1x16xf32> to vector<16xf32>
        %mul3A_649 = arith.constant 8.000000e+00 : f32
        %mul3A_650 = vector.broadcast %mul3A_649 : f32 to vector<16xf32>
        %mul3A_651 = arith.mulf %get3A_648, %mul3A_650 : vector<16xf32>
        %mul3A_652 = arith.constant 2 : i32
        %mul3A_653 = arith.muli %scan3A_568, %mul3A_652 : i32
        %add3A_654 = arith.constant 100 : i32
        %add3A_655 = arith.addi %add3A_654, %mul3A_653 : i32
        %add3A_656 = arith.constant 0 : i32
        %add3A_657 = arith.addi %add3A_655, %add3A_656 : i32
        %swap3A_658 = arith.index_cast %add3A_657 : i32 to index
        %swap3A_659 = arith.constant 48 : index
        %swap3A_660 = tpu.vector_load %arg10[%swap3A_658, %swap3A_659] {strides = array<i32>} : memref<200x64xf32, #tpu.memory_space<vmem>>, vector<1x16xf32>,
        %swap3A_661 = vector.shape_cast %swap3A_660 : vector<1x16xf32> to vector<16xf32>
        %swap3A_662 = vector.shape_cast %mul3A_651 : vector<16xf32> to vector<1x16xf32>
        tpu.vector_store %arg10[%swap3A_658, %swap3A_659], %swap3A_662 {strides = array<i32>} : memref<200x64xf32, #tpu.memory_space<vmem>>, vector<1x16xf32>,
        %mul3A_663 = arith.constant 2 : i32
        %mul3A_664 = arith.muli %scan3A_568, %mul3A_663 : i32
        %add3A_665 = arith.constant 100 : i32
        %add3A_666 = arith.addi %add3A_665, %mul3A_664 : i32
        %add3A_667 = arith.constant 1 : i32
        %add3A_668 = arith.addi %add3A_666, %add3A_667 : i32
        %get3A_669 = arith.index_cast %add3A_668 : i32 to index
        %get3A_670 = arith.constant 0 : index
        %get3A_671 = tpu.vector_load %arg8[%get3A_669, %get3A_670] {strides = array<i32>} : memref<200x128xf32, #tpu.memory_space<vmem>>, vector<1x16xf32>,
        %get3A_672 = vector.shape_cast %get3A_671 : vector<1x16xf32> to vector<16xf32>
        %mul3A_673 = arith.constant 8.000000e+00 : f32
        %mul3A_674 = vector.broadcast %mul3A_673 : f32 to vector<16xf32>
        %mul3A_675 = arith.mulf %get3A_672, %mul3A_674 : vector<16xf32>
        %mul3A_676 = arith.constant 2 : i32
        %mul3A_677 = arith.muli %scan3A_568, %mul3A_676 : i32
        %add3A_678 = arith.constant 100 : i32
        %add3A_679 = arith.addi %add3A_678, %mul3A_677 : i32
        %add3A_680 = arith.constant 1 : i32
        %add3A_681 = arith.addi %add3A_679, %add3A_680 : i32
        %swap3A_682 = arith.index_cast %add3A_681 : i32 to index
        %swap3A_683 = arith.constant 0 : index
        %swap3A_684 = tpu.vector_load %arg10[%swap3A_682, %swap3A_683] {strides = array<i32>} : memref<200x64xf32, #tpu.memory_space<vmem>>, vector<1x16xf32>,
        %swap3A_685 = vector.shape_cast %swap3A_684 : vector<1x16xf32> to vector<16xf32>
        %swap3A_686 = vector.shape_cast %mul3A_675 : vector<16xf32> to vector<1x16xf32>
        tpu.vector_store %arg10[%swap3A_682, %swap3A_683], %swap3A_686 {strides = array<i32>} : memref<200x64xf32, #tpu.memory_space<vmem>>, vector<1x16xf32>,
        %mul3A_687 = arith.constant 2 : i32
        %mul3A_688 = arith.muli %scan3A_568, %mul3A_687 : i32
        %add3A_689 = arith.constant 100 : i32
        %add3A_690 = arith.addi %add3A_689, %mul3A_688 : i32
        %add3A_691 = arith.constant 1 : i32
        %add3A_692 = arith.addi %add3A_690, %add3A_691 : i32
        %get3A_693 = arith.index_cast %add3A_692 : i32 to index
        %get3A_694 = arith.constant 16 : index
        %get3A_695 = tpu.vector_load %arg8[%get3A_693, %get3A_694] {strides = array<i32>} : memref<200x128xf32, #tpu.memory_space<vmem>>, vector<1x16xf32>,
        %get3A_696 = vector.shape_cast %get3A_695 : vector<1x16xf32> to vector<16xf32>
        %mul3A_697 = arith.constant 8.000000e+00 : f32
        %mul3A_698 = vector.broadcast %mul3A_697 : f32 to vector<16xf32>
        %mul3A_699 = arith.mulf %get3A_696, %mul3A_698 : vector<16xf32>
        %mul3A_700 = arith.constant 2 : i32
        %mul3A_701 = arith.muli %scan3A_568, %mul3A_700 : i32
        %add3A_702 = arith.constant 100 : i32
        %add3A_703 = arith.addi %add3A_702, %mul3A_701 : i32
        %add3A_704 = arith.constant 1 : i32
        %add3A_705 = arith.addi %add3A_703, %add3A_704 : i32
        %swap3A_706 = arith.index_cast %add3A_705 : i32 to index
        %swap3A_707 = arith.constant 16 : index
        %swap3A_708 = tpu.vector_load %arg10[%swap3A_706, %swap3A_707] {strides = array<i32>} : memref<200x64xf32, #tpu.memory_space<vmem>>, vector<1x16xf32>,
        %swap3A_709 = vector.shape_cast %swap3A_708 : vector<1x16xf32> to vector<16xf32>
        %swap3A_710 = vector.shape_cast %mul3A_699 : vector<16xf32> to vector<1x16xf32>
        tpu.vector_store %arg10[%swap3A_706, %swap3A_707], %swap3A_710 {strides = array<i32>} : memref<200x64xf32, #tpu.memory_space<vmem>>, vector<1x16xf32>,
        %mul3A_711 = arith.constant 2 : i32
        %mul3A_712 = arith.muli %scan3A_568, %mul3A_711 : i32
        %add3A_713 = arith.constant 100 : i32
        %add3A_714 = arith.addi %add3A_713, %mul3A_712 : i32
        %add3A_715 = arith.constant 1 : i32
        %add3A_716 = arith.addi %add3A_714, %add3A_715 : i32
        %get3A_717 = arith.index_cast %add3A_716 : i32 to index
        %get3A_718 = arith.constant 32 : index
        %get3A_719 = tpu.vector_load %arg8[%get3A_717, %get3A_718] {strides = array<i32>} : memref<200x128xf32, #tpu.memory_space<vmem>>, vector<1x16xf32>,
        %get3A_720 = vector.shape_cast %get3A_719 : vector<1x16xf32> to vector<16xf32>
        %mul3A_721 = arith.constant 8.000000e+00 : f32
        %mul3A_722 = vector.broadcast %mul3A_721 : f32 to vector<16xf32>
        %mul3A_723 = arith.mulf %get3A_720, %mul3A_722 : vector<16xf32>
        %mul3A_724 = arith.constant 2 : i32
        %mul3A_725 = arith.muli %scan3A_568, %mul3A_724 : i32
        %add3A_726 = arith.constant 100 : i32
        %add3A_727 = arith.addi %add3A_726, %mul3A_725 : i32
        %add3A_728 = arith.constant 1 : i32
        %add3A_729 = arith.addi %add3A_727, %add3A_728 : i32
        %swap3A_730 = arith.index_cast %add3A_729 : i32 to index
        %swap3A_731 = arith.constant 32 : index
        %swap3A_732 = tpu.vector_load %arg10[%swap3A_730, %swap3A_731] {strides = array<i32>} : memref<200x64xf32, #tpu.memory_space<vmem>>, vector<1x16xf32>,
        %swap3A_733 = vector.shape_cast %swap3A_732 : vector<1x16xf32> to vector<16xf32>
        %swap3A_734 = vector.shape_cast %mul3A_723 : vector<16xf32> to vector<1x16xf32>
        tpu.vector_store %arg10[%swap3A_730, %swap3A_731], %swap3A_734 {strides = array<i32>} : memref<200x64xf32, #tpu.memory_space<vmem>>, vector<1x16xf32>,
        %mul3A_735 = arith.constant 2 : i32
        %mul3A_736 = arith.muli %scan3A_568, %mul3A_735 : i32
        %add3A_737 = arith.constant 100 : i32
        %add3A_738 = arith.addi %add3A_737, %mul3A_736 : i32
        %add3A_739 = arith.constant 1 : i32
        %add3A_740 = arith.addi %add3A_738, %add3A_739 : i32
        %get3A_741 = arith.index_cast %add3A_740 : i32 to index
        %get3A_742 = arith.constant 48 : index
        %get3A_743 = tpu.vector_load %arg8[%get3A_741, %get3A_742] {strides = array<i32>} : memref<200x128xf32, #tpu.memory_space<vmem>>, vector<1x16xf32>,
        %get3A_744 = vector.shape_cast %get3A_743 : vector<1x16xf32> to vector<16xf32>
        %mul3A_745 = arith.constant 8.000000e+00 : f32
        %mul3A_746 = vector.broadcast %mul3A_745 : f32 to vector<16xf32>
        %mul3A_747 = arith.mulf %get3A_744, %mul3A_746 : vector<16xf32>
        %mul3A_748 = arith.constant 2 : i32
        %mul3A_749 = arith.muli %scan3A_568, %mul3A_748 : i32
        %add3A_750 = arith.constant 100 : i32
        %add3A_751 = arith.addi %add3A_750, %mul3A_749 : i32
        %add3A_752 = arith.constant 1 : i32
        %add3A_753 = arith.addi %add3A_751, %add3A_752 : i32
        %swap3A_754 = arith.index_cast %add3A_753 : i32 to index
        %swap3A_755 = arith.constant 48 : index
        %swap3A_756 = tpu.vector_load %arg10[%swap3A_754, %swap3A_755] {strides = array<i32>} : memref<200x64xf32, #tpu.memory_space<vmem>>, vector<1x16xf32>,
        %swap3A_757 = vector.shape_cast %swap3A_756 : vector<1x16xf32> to vector<16xf32>
        %swap3A_758 = vector.shape_cast %mul3A_747 : vector<16xf32> to vector<1x16xf32>
        tpu.vector_store %arg10[%swap3A_754, %swap3A_755], %swap3A_758 {strides = array<i32>} : memref<200x64xf32, #tpu.memory_space<vmem>>, vector<1x16xf32>,
      }
      %scan3A_523 = arith.constant 25 : i32
      %mul3A_524 = arith.constant 4 : i32
      %mul3A_525 = arith.muli %add3A_467, %mul3A_524 : i32
      %add3A_526 = arith.addi %mul3A_2, %mul3A_525 : i32
      %add3A_527 = arith.constant 2 : i32
      %add3A_528 = arith.addi %add3A_526, %add3A_527 : i32
      %dma_start3A_529 = arith.constant 100 : i32
      %dma_start3A_530 = arith.constant 0 : i32
      %dma_start3A_531 = tpu.memref_slice %arg10[%dma_start3A_529, %dma_start3A_530] : memref<200x64xf32, #tpu.memory_space<vmem>> -> memref<50x64xf32, #tpu.memory_space<vmem>>
      %dma_start3A_532 = arith.constant 0 : i32
      %dma_start3A_533 = arith.constant 0 : i32
      %dma_start3A_534 = tpu.memref_slice %arg4[%add3A_528, %dma_start3A_532, %dma_start3A_533] : memref<16384x50x64xf32, #tpu.memory_space<hbm>> -> memref<1x50x64xf32, #tpu.memory_space<hbm>>
      %dma_start3A_535 = tpu.memref_squeeze %dma_start3A_534 : memref<1x50x64xf32, #tpu.memory_space<hbm>> -> memref<50x64xf32, #tpu.memory_space<hbm>>
      %dma_start3A_536 = arith.constant 0 : i32
      %dma_start3A_537 = arith.constant 0 : i32
      %dma_start3A_538 = tpu.memref_slice %arg4[%add3A_528, %dma_start3A_536, %dma_start3A_537] : memref<16384x50x64xf32, #tpu.memory_space<hbm>> -> memref<1x50x64xf32, #tpu.memory_space<hbm>>
      %dma_start3A_539 = tpu.memref_squeeze %dma_start3A_538 : memref<1x50x64xf32, #tpu.memory_space<hbm>> -> memref<50x64xf32, #tpu.memory_space<hbm>>
      %dma_start3A_540 = arith.constant 100 : i32
      %dma_start3A_541 = arith.constant 0 : i32
      %dma_start3A_542 = tpu.memref_slice %arg10[%dma_start3A_540, %dma_start3A_541] : memref<200x64xf32, #tpu.memory_space<vmem>> -> memref<50x64xf32, #tpu.memory_space<vmem>>
      tpu.enqueue_dma source(%dma_start3A_542 : memref<50x64xf32, #tpu.memory_space<vmem>>) target(%dma_start3A_539 : memref<50x64xf32, #tpu.memory_space<hbm>>) target_semaphore(%arg14 : memref<!tpu.dma_semaphore, #tpu.memory_space<semaphore_mem>>)
      %scan3A_543 = arith.constant 0 : i32
      %scan3A_544 = arith.constant 0 : i32
      %scan3A_545 = arith.constant 25 : i32
      %scan3A_546 = arith.addi %scan3A_544, %scan3A_545 : i32
      %scan3A_547 = arith.constant 1 : i32
      scf.for %scan3A_568 = %scan3A_544 to %scan3A_546 step %scan3A_547  : i32 {
        %mul3A_569 = arith.constant 2 : i32
        %mul3A_570 = arith.muli %scan3A_568, %mul3A_569 : i32
        %add3A_571 = arith.constant 150 : i32
        %add3A_572 = arith.addi %add3A_571, %mul3A_570 : i32
        %add3A_573 = arith.constant 0 : i32
        %add3A_574 = arith.addi %add3A_572, %add3A_573 : i32
        %get3A = arith.index_cast %add3A_574 : i32 to index
        %get3A_575 = arith.constant 0 : index
        %get3A_576 = tpu.vector_load %arg8[%get3A, %get3A_575] {strides = array<i32>} : memref<200x128xf32, #tpu.memory_space<vmem>>, vector<1x16xf32>,
        %get3A_577 = vector.shape_cast %get3A_576 : vector<1x16xf32> to vector<16xf32>
        %mul3A_578 = arith.constant 8.000000e+00 : f32
        %mul3A_579 = vector.broadcast %mul3A_578 : f32 to vector<16xf32>
        %mul3A_580 = arith.mulf %get3A_577, %mul3A_579 : vector<16xf32>
        %mul3A_581 = arith.constant 2 : i32
        %mul3A_582 = arith.muli %scan3A_568, %mul3A_581 : i32
        %add3A_583 = arith.constant 150 : i32
        %add3A_584 = arith.addi %add3A_583, %mul3A_582 : i32
        %add3A_585 = arith.constant 0 : i32
        %add3A_586 = arith.addi %add3A_584, %add3A_585 : i32
        %swap3A = arith.index_cast %add3A_586 : i32 to index
        %swap3A_587 = arith.constant 0 : index
        %swap3A_588 = tpu.vector_load %arg10[%swap3A, %swap3A_587] {strides = array<i32>} : memref<200x64xf32, #tpu.memory_space<vmem>>, vector<1x16xf32>,
        %swap3A_589 = vector.shape_cast %swap3A_588 : vector<1x16xf32> to vector<16xf32>
        %swap3A_590 = vector.shape_cast %mul3A_580 : vector<16xf32> to vector<1x16xf32>
        tpu.vector_store %arg10[%swap3A, %swap3A_587], %swap3A_590 {strides = array<i32>} : memref<200x64xf32, #tpu.memory_space<vmem>>, vector<1x16xf32>,
        %mul3A_591 = arith.constant 2 : i32
        %mul3A_592 = arith.muli %scan3A_568, %mul3A_591 : i32
        %add3A_593 = arith.constant 150 : i32
        %add3A_594 = arith.addi %add3A_593, %mul3A_592 : i32
        %add3A_595 = arith.constant 0 : i32
        %add3A_596 = arith.addi %add3A_594, %add3A_595 : i32
        %get3A_597 = arith.index_cast %add3A_596 : i32 to index
        %get3A_598 = arith.constant 16 : index
        %get3A_599 = tpu.vector_load %arg8[%get3A_597, %get3A_598] {strides = array<i32>} : memref<200x128xf32, #tpu.memory_space<vmem>>, vector<1x16xf32>,
        %get3A_600 = vector.shape_cast %get3A_599 : vector<1x16xf32> to vector<16xf32>
        %mul3A_601 = arith.constant 8.000000e+00 : f32
        %mul3A_602 = vector.broadcast %mul3A_601 : f32 to vector<16xf32>
        %mul3A_603 = arith.mulf %get3A_600, %mul3A_602 : vector<16xf32>
        %mul3A_604 = arith.constant 2 : i32
        %mul3A_605 = arith.muli %scan3A_568, %mul3A_604 : i32
        %add3A_606 = arith.constant 150 : i32
        %add3A_607 = arith.addi %add3A_606, %mul3A_605 : i32
        %add3A_608 = arith.constant 0 : i32
        %add3A_609 = arith.addi %add3A_607, %add3A_608 : i32
        %swap3A_610 = arith.index_cast %add3A_609 : i32 to index
        %swap3A_611 = arith.constant 16 : index
        %swap3A_612 = tpu.vector_load %arg10[%swap3A_610, %swap3A_611] {strides = array<i32>} : memref<200x64xf32, #tpu.memory_space<vmem>>, vector<1x16xf32>,
        %swap3A_613 = vector.shape_cast %swap3A_612 : vector<1x16xf32> to vector<16xf32>
        %swap3A_614 = vector.shape_cast %mul3A_603 : vector<16xf32> to vector<1x16xf32>
        tpu.vector_store %arg10[%swap3A_610, %swap3A_611], %swap3A_614 {strides = array<i32>} : memref<200x64xf32, #tpu.memory_space<vmem>>, vector<1x16xf32>,
        %mul3A_615 = arith.constant 2 : i32
        %mul3A_616 = arith.muli %scan3A_568, %mul3A_615 : i32
        %add3A_617 = arith.constant 150 : i32
        %add3A_618 = arith.addi %add3A_617, %mul3A_616 : i32
        %add3A_619 = arith.constant 0 : i32
        %add3A_620 = arith.addi %add3A_618, %add3A_619 : i32
        %get3A_621 = arith.index_cast %add3A_620 : i32 to index
        %get3A_622 = arith.constant 32 : index
        %get3A_623 = tpu.vector_load %arg8[%get3A_621, %get3A_622] {strides = array<i32>} : memref<200x128xf32, #tpu.memory_space<vmem>>, vector<1x16xf32>,
        %get3A_624 = vector.shape_cast %get3A_623 : vector<1x16xf32> to vector<16xf32>
        %mul3A_625 = arith.constant 8.000000e+00 : f32
        %mul3A_626 = vector.broadcast %mul3A_625 : f32 to vector<16xf32>
        %mul3A_627 = arith.mulf %get3A_624, %mul3A_626 : vector<16xf32>
        %mul3A_628 = arith.constant 2 : i32
        %mul3A_629 = arith.muli %scan3A_568, %mul3A_628 : i32
        %add3A_630 = arith.constant 150 : i32
        %add3A_631 = arith.addi %add3A_630, %mul3A_629 : i32
        %add3A_632 = arith.constant 0 : i32
        %add3A_633 = arith.addi %add3A_631, %add3A_632 : i32
        %swap3A_634 = arith.index_cast %add3A_633 : i32 to index
        %swap3A_635 = arith.constant 32 : index
        %swap3A_636 = tpu.vector_load %arg10[%swap3A_634, %swap3A_635] {strides = array<i32>} : memref<200x64xf32, #tpu.memory_space<vmem>>, vector<1x16xf32>,
        %swap3A_637 = vector.shape_cast %swap3A_636 : vector<1x16xf32> to vector<16xf32>
        %swap3A_638 = vector.shape_cast %mul3A_627 : vector<16xf32> to vector<1x16xf32>
        tpu.vector_store %arg10[%swap3A_634, %swap3A_635], %swap3A_638 {strides = array<i32>} : memref<200x64xf32, #tpu.memory_space<vmem>>, vector<1x16xf32>,
        %mul3A_639 = arith.constant 2 : i32
        %mul3A_640 = arith.muli %scan3A_568, %mul3A_639 : i32
        %add3A_641 = arith.constant 150 : i32
        %add3A_642 = arith.addi %add3A_641, %mul3A_640 : i32
        %add3A_643 = arith.constant 0 : i32
        %add3A_644 = arith.addi %add3A_642, %add3A_643 : i32
        %get3A_645 = arith.index_cast %add3A_644 : i32 to index
        %get3A_646 = arith.constant 48 : index
        %get3A_647 = tpu.vector_load %arg8[%get3A_645, %get3A_646] {strides = array<i32>} : memref<200x128xf32, #tpu.memory_space<vmem>>, vector<1x16xf32>,
        %get3A_648 = vector.shape_cast %get3A_647 : vector<1x16xf32> to vector<16xf32>
        %mul3A_649 = arith.constant 8.000000e+00 : f32
        %mul3A_650 = vector.broadcast %mul3A_649 : f32 to vector<16xf32>
        %mul3A_651 = arith.mulf %get3A_648, %mul3A_650 : vector<16xf32>
        %mul3A_652 = arith.constant 2 : i32
        %mul3A_653 = arith.muli %scan3A_568, %mul3A_652 : i32
        %add3A_654 = arith.constant 150 : i32
        %add3A_655 = arith.addi %add3A_654, %mul3A_653 : i32
        %add3A_656 = arith.constant 0 : i32
        %add3A_657 = arith.addi %add3A_655, %add3A_656 : i32
        %swap3A_658 = arith.index_cast %add3A_657 : i32 to index
        %swap3A_659 = arith.constant 48 : index
        %swap3A_660 = tpu.vector_load %arg10[%swap3A_658, %swap3A_659] {strides = array<i32>} : memref<200x64xf32, #tpu.memory_space<vmem>>, vector<1x16xf32>,
        %swap3A_661 = vector.shape_cast %swap3A_660 : vector<1x16xf32> to vector<16xf32>
        %swap3A_662 = vector.shape_cast %mul3A_651 : vector<16xf32> to vector<1x16xf32>
        tpu.vector_store %arg10[%swap3A_658, %swap3A_659], %swap3A_662 {strides = array<i32>} : memref<200x64xf32, #tpu.memory_space<vmem>>, vector<1x16xf32>,
        %mul3A_663 = arith.constant 2 : i32
        %mul3A_664 = arith.muli %scan3A_568, %mul3A_663 : i32
        %add3A_665 = arith.constant 150 : i32
        %add3A_666 = arith.addi %add3A_665, %mul3A_664 : i32
        %add3A_667 = arith.constant 1 : i32
        %add3A_668 = arith.addi %add3A_666, %add3A_667 : i32
        %get3A_669 = arith.index_cast %add3A_668 : i32 to index
        %get3A_670 = arith.constant 0 : index
        %get3A_671 = tpu.vector_load %arg8[%get3A_669, %get3A_670] {strides = array<i32>} : memref<200x128xf32, #tpu.memory_space<vmem>>, vector<1x16xf32>,
        %get3A_672 = vector.shape_cast %get3A_671 : vector<1x16xf32> to vector<16xf32>
        %mul3A_673 = arith.constant 8.000000e+00 : f32
        %mul3A_674 = vector.broadcast %mul3A_673 : f32 to vector<16xf32>
        %mul3A_675 = arith.mulf %get3A_672, %mul3A_674 : vector<16xf32>
        %mul3A_676 = arith.constant 2 : i32
        %mul3A_677 = arith.muli %scan3A_568, %mul3A_676 : i32
        %add3A_678 = arith.constant 150 : i32
        %add3A_679 = arith.addi %add3A_678, %mul3A_677 : i32
        %add3A_680 = arith.constant 1 : i32
        %add3A_681 = arith.addi %add3A_679, %add3A_680 : i32
        %swap3A_682 = arith.index_cast %add3A_681 : i32 to index
        %swap3A_683 = arith.constant 0 : index
        %swap3A_684 = tpu.vector_load %arg10[%swap3A_682, %swap3A_683] {strides = array<i32>} : memref<200x64xf32, #tpu.memory_space<vmem>>, vector<1x16xf32>,
        %swap3A_685 = vector.shape_cast %swap3A_684 : vector<1x16xf32> to vector<16xf32>
        %swap3A_686 = vector.shape_cast %mul3A_675 : vector<16xf32> to vector<1x16xf32>
        tpu.vector_store %arg10[%swap3A_682, %swap3A_683], %swap3A_686 {strides = array<i32>} : memref<200x64xf32, #tpu.memory_space<vmem>>, vector<1x16xf32>,
        %mul3A_687 = arith.constant 2 : i32
        %mul3A_688 = arith.muli %scan3A_568, %mul3A_687 : i32
        %add3A_689 = arith.constant 150 : i32
        %add3A_690 = arith.addi %add3A_689, %mul3A_688 : i32
        %add3A_691 = arith.constant 1 : i32
        %add3A_692 = arith.addi %add3A_690, %add3A_691 : i32
        %get3A_693 = arith.index_cast %add3A_692 : i32 to index
        %get3A_694 = arith.constant 16 : index
        %get3A_695 = tpu.vector_load %arg8[%get3A_693, %get3A_694] {strides = array<i32>} : memref<200x128xf32, #tpu.memory_space<vmem>>, vector<1x16xf32>,
        %get3A_696 = vector.shape_cast %get3A_695 : vector<1x16xf32> to vector<16xf32>
        %mul3A_697 = arith.constant 8.000000e+00 : f32
        %mul3A_698 = vector.broadcast %mul3A_697 : f32 to vector<16xf32>
        %mul3A_699 = arith.mulf %get3A_696, %mul3A_698 : vector<16xf32>
        %mul3A_700 = arith.constant 2 : i32
        %mul3A_701 = arith.muli %scan3A_568, %mul3A_700 : i32
        %add3A_702 = arith.constant 150 : i32
        %add3A_703 = arith.addi %add3A_702, %mul3A_701 : i32
        %add3A_704 = arith.constant 1 : i32
        %add3A_705 = arith.addi %add3A_703, %add3A_704 : i32
        %swap3A_706 = arith.index_cast %add3A_705 : i32 to index
        %swap3A_707 = arith.constant 16 : index
        %swap3A_708 = tpu.vector_load %arg10[%swap3A_706, %swap3A_707] {strides = array<i32>} : memref<200x64xf32, #tpu.memory_space<vmem>>, vector<1x16xf32>,
        %swap3A_709 = vector.shape_cast %swap3A_708 : vector<1x16xf32> to vector<16xf32>
        %swap3A_710 = vector.shape_cast %mul3A_699 : vector<16xf32> to vector<1x16xf32>
        tpu.vector_store %arg10[%swap3A_706, %swap3A_707], %swap3A_710 {strides = array<i32>} : memref<200x64xf32, #tpu.memory_space<vmem>>, vector<1x16xf32>,
        %mul3A_711 = arith.constant 2 : i32
        %mul3A_712 = arith.muli %scan3A_568, %mul3A_711 : i32
        %add3A_713 = arith.constant 150 : i32
        %add3A_714 = arith.addi %add3A_713, %mul3A_712 : i32
        %add3A_715 = arith.constant 1 : i32
        %add3A_716 = arith.addi %add3A_714, %add3A_715 : i32
        %get3A_717 = arith.index_cast %add3A_716 : i32 to index
        %get3A_718 = arith.constant 32 : index
        %get3A_719 = tpu.vector_load %arg8[%get3A_717, %get3A_718] {strides = array<i32>} : memref<200x128xf32, #tpu.memory_space<vmem>>, vector<1x16xf32>,
        %get3A_720 = vector.shape_cast %get3A_719 : vector<1x16xf32> to vector<16xf32>
        %mul3A_721 = arith.constant 8.000000e+00 : f32
        %mul3A_722 = vector.broadcast %mul3A_721 : f32 to vector<16xf32>
        %mul3A_723 = arith.mulf %get3A_720, %mul3A_722 : vector<16xf32>
        %mul3A_724 = arith.constant 2 : i32
        %mul3A_725 = arith.muli %scan3A_568, %mul3A_724 : i32
        %add3A_726 = arith.constant 150 : i32
        %add3A_727 = arith.addi %add3A_726, %mul3A_725 : i32
        %add3A_728 = arith.constant 1 : i32
        %add3A_729 = arith.addi %add3A_727, %add3A_728 : i32
        %swap3A_730 = arith.index_cast %add3A_729 : i32 to index
        %swap3A_731 = arith.constant 32 : index
        %swap3A_732 = tpu.vector_load %arg10[%swap3A_730, %swap3A_731] {strides = array<i32>} : memref<200x64xf32, #tpu.memory_space<vmem>>, vector<1x16xf32>,
        %swap3A_733 = vector.shape_cast %swap3A_732 : vector<1x16xf32> to vector<16xf32>
        %swap3A_734 = vector.shape_cast %mul3A_723 : vector<16xf32> to vector<1x16xf32>
        tpu.vector_store %arg10[%swap3A_730, %swap3A_731], %swap3A_734 {strides = array<i32>} : memref<200x64xf32, #tpu.memory_space<vmem>>, vector<1x16xf32>,
        %mul3A_735 = arith.constant 2 : i32
        %mul3A_736 = arith.muli %scan3A_568, %mul3A_735 : i32
        %add3A_737 = arith.constant 150 : i32
        %add3A_738 = arith.addi %add3A_737, %mul3A_736 : i32
        %add3A_739 = arith.constant 1 : i32
        %add3A_740 = arith.addi %add3A_738, %add3A_739 : i32
        %get3A_741 = arith.index_cast %add3A_740 : i32 to index
        %get3A_742 = arith.constant 48 : index
        %get3A_743 = tpu.vector_load %arg8[%get3A_741, %get3A_742] {strides = array<i32>} : memref<200x128xf32, #tpu.memory_space<vmem>>, vector<1x16xf32>,
        %get3A_744 = vector.shape_cast %get3A_743 : vector<1x16xf32> to vector<16xf32>
        %mul3A_745 = arith.constant 8.000000e+00 : f32
        %mul3A_746 = vector.broadcast %mul3A_745 : f32 to vector<16xf32>
        %mul3A_747 = arith.mulf %get3A_744, %mul3A_746 : vector<16xf32>
        %mul3A_748 = arith.constant 2 : i32
        %mul3A_749 = arith.muli %scan3A_568, %mul3A_748 : i32
        %add3A_750 = arith.constant 150 : i32
        %add3A_751 = arith.addi %add3A_750, %mul3A_749 : i32
        %add3A_752 = arith.constant 1 : i32
        %add3A_753 = arith.addi %add3A_751, %add3A_752 : i32
        %swap3A_754 = arith.index_cast %add3A_753 : i32 to index
        %swap3A_755 = arith.constant 48 : index
        %swap3A_756 = tpu.vector_load %arg10[%swap3A_754, %swap3A_755] {strides = array<i32>} : memref<200x64xf32, #tpu.memory_space<vmem>>, vector<1x16xf32>,
        %swap3A_757 = vector.shape_cast %swap3A_756 : vector<1x16xf32> to vector<16xf32>
        %swap3A_758 = vector.shape_cast %mul3A_747 : vector<16xf32> to vector<1x16xf32>
        tpu.vector_store %arg10[%swap3A_754, %swap3A_755], %swap3A_758 {strides = array<i32>} : memref<200x64xf32, #tpu.memory_space<vmem>>, vector<1x16xf32>,
      }
      %scan3A_548 = arith.constant 25 : i32
      %mul3A_549 = arith.constant 4 : i32
      %mul3A_550 = arith.muli %add3A_467, %mul3A_549 : i32
      %add3A_551 = arith.addi %mul3A_2, %mul3A_550 : i32
      %add3A_552 = arith.constant 3 : i32
      %add3A_553 = arith.addi %add3A_551, %add3A_552 : i32
      %dma_start3A_554 = arith.constant 150 : i32
      %dma_start3A_555 = arith.constant 0 : i32
      %dma_start3A_556 = tpu.memref_slice %arg10[%dma_start3A_554, %dma_start3A_555] : memref<200x64xf32, #tpu.memory_space<vmem>> -> memref<50x64xf32, #tpu.memory_space<vmem>>
      %dma_start3A_557 = arith.constant 0 : i32
      %dma_start3A_558 = arith.constant 0 : i32
      %dma_start3A_559 = tpu.memref_slice %arg4[%add3A_553, %dma_start3A_557, %dma_start3A_558] : memref<16384x50x64xf32, #tpu.memory_space<hbm>> -> memref<1x50x64xf32, #tpu.memory_space<hbm>>
      %dma_start3A_560 = tpu.memref_squeeze %dma_start3A_559 : memref<1x50x64xf32, #tpu.memory_space<hbm>> -> memref<50x64xf32, #tpu.memory_space<hbm>>
      %dma_start3A_561 = arith.constant 0 : i32
      %dma_start3A_562 = arith.constant 0 : i32
      %dma_start3A_563 = tpu.memref_slice %arg4[%add3A_553, %dma_start3A_561, %dma_start3A_562] : memref<16384x50x64xf32, #tpu.memory_space<hbm>> -> memref<1x50x64xf32, #tpu.memory_space<hbm>>
      %dma_start3A_564 = tpu.memref_squeeze %dma_start3A_563 : memref<1x50x64xf32, #tpu.memory_space<hbm>> -> memref<50x64xf32, #tpu.memory_space<hbm>>
      %dma_start3A_565 = arith.constant 150 : i32
      %dma_start3A_566 = arith.constant 0 : i32
      %dma_start3A_567 = tpu.memref_slice %arg10[%dma_start3A_565, %dma_start3A_566] : memref<200x64xf32, #tpu.memory_space<vmem>> -> memref<50x64xf32, #tpu.memory_space<vmem>>
      tpu.enqueue_dma source(%dma_start3A_567 : memref<50x64xf32, #tpu.memory_space<vmem>>) target(%dma_start3A_564 : memref<50x64xf32, #tpu.memory_space<hbm>>) target_semaphore(%arg14 : memref<!tpu.dma_semaphore, #tpu.memory_space<semaphore_mem>>)
    }
    %scan3A_63 = arith.constant 64 : i32
    %add3A_64 = arith.constant 508 : i32
    %add3A_65 = arith.addi %mul3A_2, %add3A_64 : i32
    %add3A_66 = arith.constant 0 : i32
    %add3A_67 = arith.addi %add3A_65, %add3A_66 : i32
    %add3A_68 = arith.constant 508 : i32
    %add3A_69 = arith.addi %mul3A_2, %add3A_68 : i32
    %add3A_70 = arith.constant 1 : i32
    %add3A_71 = arith.addi %add3A_69, %add3A_70 : i32
    %add3A_72 = arith.constant 508 : i32
    %add3A_73 = arith.addi %mul3A_2, %add3A_72 : i32
    %add3A_74 = arith.constant 2 : i32
    %add3A_75 = arith.addi %add3A_73, %add3A_74 : i32
    %add3A_76 = arith.constant 508 : i32
    %add3A_77 = arith.addi %mul3A_2, %add3A_76 : i32
    %add3A_78 = arith.constant 3 : i32
    %add3A_79 = arith.addi %add3A_77, %add3A_78 : i32
    %dma_wait3A_80 = arith.constant 0 : i32
    %dma_wait3A_81 = arith.constant 0 : i32
    %dma_wait3A_82 = tpu.memref_slice %arg10[%dma_wait3A_80, %dma_wait3A_81] : memref<200x64xf32, #tpu.memory_space<vmem>> -> memref<50x64xf32, #tpu.memory_space<vmem>>
    %dma_wait3A_83 = arith.constant 0 : i32
    %dma_wait3A_84 = arith.constant 0 : i32
    %dma_wait3A_85 = tpu.memref_slice %arg4[%add3A_67, %dma_wait3A_83, %dma_wait3A_84] : memref<16384x50x64xf32, #tpu.memory_space<hbm>> -> memref<1x50x64xf32, #tpu.memory_space<hbm>>
    %dma_wait3A_86 = tpu.memref_squeeze %dma_wait3A_85 : memref<1x50x64xf32, #tpu.memory_space<hbm>> -> memref<50x64xf32, #tpu.memory_space<hbm>>
    %dma_wait3A_87 = arith.constant 0 : i32
    %dma_wait3A_88 = arith.constant 0 : i32
    %dma_wait3A_89 = tpu.memref_slice %arg4[%add3A_67, %dma_wait3A_87, %dma_wait3A_88] : memref<16384x50x64xf32, #tpu.memory_space<hbm>> -> memref<1x50x64xf32, #tpu.memory_space<hbm>>
    %dma_wait3A_90 = tpu.memref_squeeze %dma_wait3A_89 : memref<1x50x64xf32, #tpu.memory_space<hbm>> -> memref<50x64xf32, #tpu.memory_space<hbm>>
    %dma_wait3A_91 = arith.constant 0 : i32
    %dma_wait3A_92 = arith.constant 0 : i32
    %dma_wait3A_93 = tpu.memref_slice %arg10[%dma_wait3A_91, %dma_wait3A_92] : memref<200x64xf32, #tpu.memory_space<vmem>> -> memref<50x64xf32, #tpu.memory_space<vmem>>
    tpu.wait_dma2 semaphore(%arg14 : memref<!tpu.dma_semaphore, #tpu.memory_space<semaphore_mem>>) src(%dma_wait3A_93 : memref<50x64xf32, #tpu.memory_space<vmem>>) dst(%dma_wait3A_90 : memref<50x64xf32, #tpu.memory_space<hbm>>)
    %dma_wait3A_94 = arith.constant 50 : i32
    %dma_wait3A_95 = arith.constant 0 : i32
    %dma_wait3A_96 = tpu.memref_slice %arg10[%dma_wait3A_94, %dma_wait3A_95] : memref<200x64xf32, #tpu.memory_space<vmem>> -> memref<50x64xf32, #tpu.memory_space<vmem>>
    %dma_wait3A_97 = arith.constant 0 : i32
    %dma_wait3A_98 = arith.constant 0 : i32
    %dma_wait3A_99 = tpu.memref_slice %arg4[%add3A_71, %dma_wait3A_97, %dma_wait3A_98] : memref<16384x50x64xf32, #tpu.memory_space<hbm>> -> memref<1x50x64xf32, #tpu.memory_space<hbm>>
    %dma_wait3A_100 = tpu.memref_squeeze %dma_wait3A_99 : memref<1x50x64xf32, #tpu.memory_space<hbm>> -> memref<50x64xf32, #tpu.memory_space<hbm>>
    %dma_wait3A_101 = arith.constant 0 : i32
    %dma_wait3A_102 = arith.constant 0 : i32
    %dma_wait3A_103 = tpu.memref_slice %arg4[%add3A_71, %dma_wait3A_101, %dma_wait3A_102] : memref<16384x50x64xf32, #tpu.memory_space<hbm>> -> memref<1x50x64xf32, #tpu.memory_space<hbm>>
    %dma_wait3A_104 = tpu.memref_squeeze %dma_wait3A_103 : memref<1x50x64xf32, #tpu.memory_space<hbm>> -> memref<50x64xf32, #tpu.memory_space<hbm>>
    %dma_wait3A_105 = arith.constant 50 : i32
    %dma_wait3A_106 = arith.constant 0 : i32
    %dma_wait3A_107 = tpu.memref_slice %arg10[%dma_wait3A_105, %dma_wait3A_106] : memref<200x64xf32, #tpu.memory_space<vmem>> -> memref<50x64xf32, #tpu.memory_space<vmem>>
    tpu.wait_dma2 semaphore(%arg14 : memref<!tpu.dma_semaphore, #tpu.memory_space<semaphore_mem>>) src(%dma_wait3A_107 : memref<50x64xf32, #tpu.memory_space<vmem>>) dst(%dma_wait3A_104 : memref<50x64xf32, #tpu.memory_space<hbm>>)
    %dma_wait3A_108 = arith.constant 100 : i32
    %dma_wait3A_109 = arith.constant 0 : i32
    %dma_wait3A_110 = tpu.memref_slice %arg10[%dma_wait3A_108, %dma_wait3A_109] : memref<200x64xf32, #tpu.memory_space<vmem>> -> memref<50x64xf32, #tpu.memory_space<vmem>>
    %dma_wait3A_111 = arith.constant 0 : i32
    %dma_wait3A_112 = arith.constant 0 : i32
    %dma_wait3A_113 = tpu.memref_slice %arg4[%add3A_75, %dma_wait3A_111, %dma_wait3A_112] : memref<16384x50x64xf32, #tpu.memory_space<hbm>> -> memref<1x50x64xf32, #tpu.memory_space<hbm>>
    %dma_wait3A_114 = tpu.memref_squeeze %dma_wait3A_113 : memref<1x50x64xf32, #tpu.memory_space<hbm>> -> memref<50x64xf32, #tpu.memory_space<hbm>>
    %dma_wait3A_115 = arith.constant 0 : i32
    %dma_wait3A_116 = arith.constant 0 : i32
    %dma_wait3A_117 = tpu.memref_slice %arg4[%add3A_75, %dma_wait3A_115, %dma_wait3A_116] : memref<16384x50x64xf32, #tpu.memory_space<hbm>> -> memref<1x50x64xf32, #tpu.memory_space<hbm>>
    %dma_wait3A_118 = tpu.memref_squeeze %dma_wait3A_117 : memref<1x50x64xf32, #tpu.memory_space<hbm>> -> memref<50x64xf32, #tpu.memory_space<hbm>>
    %dma_wait3A_119 = arith.constant 100 : i32
    %dma_wait3A_120 = arith.constant 0 : i32
    %dma_wait3A_121 = tpu.memref_slice %arg10[%dma_wait3A_119, %dma_wait3A_120] : memref<200x64xf32, #tpu.memory_space<vmem>> -> memref<50x64xf32, #tpu.memory_space<vmem>>
    tpu.wait_dma2 semaphore(%arg14 : memref<!tpu.dma_semaphore, #tpu.memory_space<semaphore_mem>>) src(%dma_wait3A_121 : memref<50x64xf32, #tpu.memory_space<vmem>>) dst(%dma_wait3A_118 : memref<50x64xf32, #tpu.memory_space<hbm>>)
    %dma_wait3A_122 = arith.constant 150 : i32
    %dma_wait3A_123 = arith.constant 0 : i32
    %dma_wait3A_124 = tpu.memref_slice %arg10[%dma_wait3A_122, %dma_wait3A_123] : memref<200x64xf32, #tpu.memory_space<vmem>> -> memref<50x64xf32, #tpu.memory_space<vmem>>
    %dma_wait3A_125 = arith.constant 0 : i32
    %dma_wait3A_126 = arith.constant 0 : i32
    %dma_wait3A_127 = tpu.memref_slice %arg4[%add3A_79, %dma_wait3A_125, %dma_wait3A_126] : memref<16384x50x64xf32, #tpu.memory_space<hbm>> -> memref<1x50x64xf32, #tpu.memory_space<hbm>>
    %dma_wait3A_128 = tpu.memref_squeeze %dma_wait3A_127 : memref<1x50x64xf32, #tpu.memory_space<hbm>> -> memref<50x64xf32, #tpu.memory_space<hbm>>
    %dma_wait3A_129 = arith.constant 0 : i32
    %dma_wait3A_130 = arith.constant 0 : i32
    %dma_wait3A_131 = tpu.memref_slice %arg4[%add3A_79, %dma_wait3A_129, %dma_wait3A_130] : memref<16384x50x64xf32, #tpu.memory_space<hbm>> -> memref<1x50x64xf32, #tpu.memory_space<hbm>>
    %dma_wait3A_132 = tpu.memref_squeeze %dma_wait3A_131 : memref<1x50x64xf32, #tpu.memory_space<hbm>> -> memref<50x64xf32, #tpu.memory_space<hbm>>
    %dma_wait3A_133 = arith.constant 150 : i32
    %dma_wait3A_134 = arith.constant 0 : i32
    %dma_wait3A_135 = tpu.memref_slice %arg10[%dma_wait3A_133, %dma_wait3A_134] : memref<200x64xf32, #tpu.memory_space<vmem>> -> memref<50x64xf32, #tpu.memory_space<vmem>>
    tpu.wait_dma2 semaphore(%arg14 : memref<!tpu.dma_semaphore, #tpu.memory_space<semaphore_mem>>) src(%dma_wait3A_135 : memref<50x64xf32, #tpu.memory_space<vmem>>) dst(%dma_wait3A_132 : memref<50x64xf32, #tpu.memory_space<hbm>>)
    return
  }
}

</mosaic_0001>

<sc_bundles>
// kernel: kernel.3.cloned.1.call-start
scs
__scs_entry_jumppad:
0x0: {  	(pc) =	sbr.rel $0x88, $3  }
0x1: {  	(tag) =	ssettag $0x0;
	lr =	simm.s32 $0x1  }
0x2: {  	[smem:$0x3F9F] =	sst lr;
	_ =	strace $0xD0000000  }
0x3: {  	_ = 	snop  }
0x4: {  	_ = 	snop  }
0x5: {  	_ = 	snop  }
0x6: {  	_ = 	snop  }
0x7: {  	_ = 	snop  }
__scs_overlays_trampoline_lowered:
0x8: {  	[smem:$0x3FAE] =	sst s0  }
0x9: {  	[smem:$0x3FAF] =	sst s1  }
0xa: {  	[smem:$0x3FB0] =	sst s2  }
0xb: {  	[smem:$0x3FB1] =	sst s3  }
0xc: {  	[smem:$0x3FB2] =	sst s4  }
0xd: {  	[smem:$0x3FB3] =	sst s5  }
0xe: {  	[smem:$0x3FB4] =	sst s6  }
0xf: {  	[smem:$0x3FB5] =	sst s7  }
0x10: {  	[smem:$0x3FB6] =	sst s8  }
0x11: {  	[smem:$0x3FB7] =	sst s9;
	s0 =	simm.s32 @!p0 $0x0  }
0x12: {  	s1 =	sld [smem:$0x3F9D];
	s0 =	simm.s32 @p0 $0x1  }
0x13: {  	[smem:$0x3FB8] =	sst s0;
	s0 =	simm.s32 @!p1 $0x0  }
0x14: {  	s2 =	sld [smem:$0x3F9C];
	s0 =	simm.s32 @p1 $0x1  }
0x15: {  	[smem:$0x3FB9] =	sst s0;
	s0 =	simm.s32 @!p2 $0x0  }
0x16: {  	s3 =	sld [smem:$0x3FDB];
	s0 =	simm.s32 @p2 $0x1  }
0x17: {  	s4 =	simm.s32 $0x1BF5;
	[smem:$0x3FBB] =	sst s0  }
0x18: {  	s0 =	sld [smem:$0x3F9E];
	_ =	swait.ge [sflag:s4], $0x0  }
0x19: {  	s7 =	sld [smem:$0x3F9F]  }
0x1a: {  	s8 =	sadd.s32 $0xFFFFE003, lr  }
0x1b: {  	s9 =	sadd.s32 $0xFFFFFEF7, lr;
	s5 =	simm.s32 $0xFFFFFFFF;
	p2 =	slt.u32 s8, $0xFFFFF086  }
0x1c: {  	p1 =	slt.u32 s9, $0xF7A;
	s5 =	simm.s32 @!p2 $0x0  }
0x1d: {  	s5 =	simm.s32 @p1 $0x1;
	p0 =	seq.s32 s7, s2  }
0x1e: {  	s7 =	smul.u32 @!p0 $0xF7A, s2;
	p2 =	seq.s32 @!p0 s5, $0x0  }
0x1f: {  	s9 =	smul.u32 $0xF7A, s1;
	s8 =	simm.s32 @!p0 $0x1BF5;
	p2 =	por !p2, p0  }
0x20: {  	[sflag:s8] =	ssyncset.s32 @!p0 $0xFFFFF086;
	s6 =	sadd.s32 @!p0 s3, s7;
	s7 =	simm.s32 @!p0 $0x108  }
0x21: {  	s3 =	sadd.s32 s3, s9;
	s6 =	sadd.s32 @!p0 $0x88, s6;
	s7 =	simm.s32 @p2 $0x1082  }
0x22: {  	[simem:s7], [sflag:s8] =	dma.local @!p0 [hbm:s6], $0xF7A  }
0x23: {  	s9 =	sor.u32 $0xD0000000, s2;
	s6 =	simm.s32 $0x108;
	_ =	swait.ge @!p0 [sflag:s8], $0x0  }
0x24: {  	s3 =	sadd.s32 $0x88, s3;
	s6 =	simm.s32 @!p1 $0x1082;
	[sflag:s4] =	ssyncset.s32 $0xFFFFF086  }
0x25: {  	[simem:s6], [sflag:s4] =	dma.local [hbm:s3], $0xF7A  }
0x26: {  	[smem:$0x3F9F] =	sst s1;
	(tag) =	ssettag s2;
	_ =	strace s9  }
0x27: {  	s1 =	sld [smem:$0x3FAF]  }
0x28: {  	s2 =	sld [smem:$0x3FB0]  }
0x29: {  	s4 =	sld [smem:$0x3FB2]  }
0x2a: {  	p0 =	seq.s32 s5, $0x0;
	s5 =	sld [smem:$0x3FB3]  }
0x2b: {  	s6 =	sld [smem:$0x3FB4]  }
0x2c: {  	s7 =	sld [smem:$0x3FB5]  }
0x2d: {  	s3 =	simm.s32 $0x108;
	s8 =	sld [smem:$0x3FB6]  }
0x2e: {  	s3 =	simm.s32 @!p0 $0x1082;
	s9 =	sld [smem:$0x3FB7]  }
0x2f: {  	lr =	sadd.s32 s0, s3;
	s0 =	sld [smem:$0x3FAE]  }
0x30: {  	s3 =	sld [smem:$0x3FB1]  }
0x31: {  	[smem:$0x3FBA] =	sst s10  }
0x32: {  	s10 =	sld [smem:$0x3FB8];
	_ =	sdelay $0x3  }
0x33: {  	p0 =	seq.s32 s10, $0x1;
	s10 =	sld [smem:$0x3FBA];
	_ =	sdelay $0x3  }
0x34: {  	[smem:$0x3FBA] =	sst s10  }
0x35: {  	s10 =	sld [smem:$0x3FB9];
	_ =	sdelay $0x3  }
0x36: {  	p1 =	seq.s32 s10, $0x1;
	s10 =	sld [smem:$0x3FBA];
	_ =	sdelay $0x3  }
0x37: {  	[smem:$0x3FBA] =	sst s10  }
0x38: {  	s10 =	sld [smem:$0x3FBB]  }
0x39: {  	_ = 	snop;
	(pc) =	sbr.ind lr, $3  }
0x3a: {  	_ = 	snop  }
0x3b: {  	_ = 	snop  }
0x3c: {  	p2 =	seq.s32 s10, $0x1;
	s10 =	sld [smem:$0x3FBA]  }
0x3d: {  	_ =	shalt  }
0x3e: {  	_ =	shalt  }
0x3f: {  	_ =	shalt  }
0x40: {  	_ =	shalt  }
0x41: {  	_ =	shalt  }
0x42: {  	_ =	shalt  }
0x43: {  	_ =	shalt  }
0x44: {  	_ =	shalt  }
0x45: {  	_ =	shalt  }
0x46: {  	_ =	shalt  }
0x47: {  	_ =	shalt  }
0x48: {  	_ =	shalt  }
0x49: {  	_ =	shalt  }
0x4a: {  	_ =	shalt  }
0x4b: {  	_ =	shalt  }
0x4c: {  	_ =	shalt  }
0x4d: {  	_ =	shalt  }
0x4e: {  	_ =	shalt  }
0x4f: {  	_ =	shalt  }
0x50: {  	_ =	shalt  }
0x51: {  	_ =	shalt  }
0x52: {  	_ =	shalt  }
0x53: {  	_ =	shalt  }
0x54: {  	_ =	shalt  }
0x55: {  	_ =	shalt  }
0x56: {  	_ =	shalt  }
0x57: {  	_ =	shalt  }
0x58: {  	_ =	shalt  }
0x59: {  	_ =	shalt  }
0x5a: {  	_ =	shalt  }
0x5b: {  	_ =	shalt  }
0x5c: {  	_ =	shalt  }
0x5d: {  	_ =	shalt  }
0x5e: {  	_ =	shalt  }
0x5f: {  	_ =	shalt  }
0x60: {  	_ =	shalt  }
0x61: {  	_ =	shalt  }
0x62: {  	_ =	shalt  }
0x63: {  	_ =	shalt  }
0x64: {  	_ =	shalt  }
0x65: {  	_ =	shalt  }
0x66: {  	_ =	shalt  }
0x67: {  	_ =	shalt  }
0x68: {  	_ =	shalt  }
0x69: {  	_ =	shalt  }
0x6a: {  	_ =	shalt  }
0x6b: {  	_ =	shalt  }
0x6c: {  	_ =	shalt  }
0x6d: {  	_ =	shalt  }
0x6e: {  	_ =	shalt  }
0x6f: {  	_ =	shalt  }
0x70: {  	_ =	shalt  }
0x71: {  	_ =	shalt  }
0x72: {  	_ =	shalt  }
0x73: {  	_ =	shalt  }
0x74: {  	_ =	shalt  }
0x75: {  	_ =	shalt  }
0x76: {  	_ =	shalt  }
0x77: {  	_ =	shalt  }
0x78: {  	_ =	shalt  }
0x79: {  	_ =	shalt  }
0x7a: {  	_ =	shalt  }
0x7b: {  	_ =	shalt  }
0x7c: {  	_ =	shalt  }
0x7d: {  	_ =	shalt  }
0x7e: {  	_ =	shalt  }
0x7f: {  	_ =	shalt  }
0x80: {  	_ =	shalt  }
0x81: {  	_ =	shalt  }
0x82: {  	_ =	shalt  }
0x83: {  	_ =	shalt  }
0x84: {  	_ =	shalt  }
0x85: {  	_ =	shalt  }
0x86: {  	_ =	shalt  }
0x87: {  	_ =	shalt  }
.Lfunc_end0:
.L_simem_size_0:
called_computation_lowered:
.L_overlay_start_0:
0x88: {  	s2 =	sld [smem:$0x3FD9]  }
0x89: {  	s3 =	sld [smem:$0x3FFE];
	_ =	sdelay $0x1  }
0x8a: {  	s1 =	srdreg.scid  }
0x8b: {  	s0 =	sand.u32 $0x1, s1  }
0x8c: {  	s17 =	sshll.u32 s0, $0xA;
	s2 =	sadd.s32 s3, s2  }
0x8d: {  	s2 =	sadd.s32 s2, s17  }
0x8e: {  	[smem:$0x3FC6] =	sst s2  }
0x8f: {  	_ = 	snop  }
0x90: {  	s2 =	sld [smem:$0x3FD0];
	(tm) =	ssettm $0x1  }
0x91: {  	s18 =	sld [smem:$0x3FFB];
	_ =	sdelay $0x3  }
0x92: {  	_ =	strace s18  }
0x93: {  	s3 =	sld [smem:$0x3FFC];
	_ =	sdelay $0x3  }
0x94: {  	_ =	strace s3  }
0x95: {  	s3 =	sld [smem:$0x3FFD];
	_ =	sdelay $0x3  }
0x96: {  	_ =	strace s3  }
0x97: {  	_ =	strace $0x8FFFFFFF  }
0x98: {  	s19 =	sld [smem:$0x3FDB];
	_ =	sdelay $0x1  }
0x99: {  	s4 =	simm.s32 $_scs_section_size  }
0x9a: {  	s5 =	simm.s32 $_size__tile_overlayer_lowered;
	s6 =	simm.s32 $_tile_overlayer_lowered  }
0x9b: {  	s22 =	simm.s32 $0x1BFF;
	s21 =	sshll.u32 s6, $0x1;
	s3 =	sadd.s32 s4, s19  }
0x9c: {  	s7 =	simm.s32 $0x0;
	s20 =	sshll.u32 s5, $0x1;
	s5 =	sadd.s32 s21, s3  }
0x9d: {  	[timem:s7], [sflag:s22] =	dma.local [hbm:s5], s20  }
0x9e: {  	_ =	swait.ge [sflag:s22], s20  }
0x9f: {  	s4 =	ssub.s32 $0x0, s20;
	[sflag:s22] =	ssyncset.done $0x0  }
0xa0: {  	[sflag:s22] =	ssyncadd.s32 s4;
	_ =	sdelay $0x1  }
0xa1: {  	s23 =	simm.s32 $0x1B8B  }
0xa2: {  	_ =	swait.ge [sflag:s23], $0x1  }
0xa3: {  	[sflag:s23] =	ssyncset.done $0x0  }
0xa4: {  	s25 =	simm.s32 $0x1B8E;
	s24 =	sld [smem:$0x3FFE];
	[sflag:s23] =	ssyncadd.s32 $0xFFFFFFFF  }
0xa5: {  	s26 =	simm.s32 $execute0_lowered;
	[smem:$0x3FD2] =	sst s25  }
0xa6: {  	s5 =	sshll.u32 s26, $0x1;
	_ =	strace $0x80000046;
	[dreg:$0x1] =	wrdreg $0xFFFFFFFF  }
0xa7: {  	s28 =	simm.s32 $_size_execute0_lowered;
	s3 =	sadd.s32 s3, s5;
	[dreg:$0x0] =	wrdreg $0x0  }
0xa8: {  	s5 =	sshll.u32 s28, $0x1;
	[dreg:$0x2] =	wrdreg s3  }
0xa9: {  	[dreg:$0x3] =	wrdreg s5  }
0xaa: {  	[dreg:$0x4] =	wrdreg $0xC0  }
0xab: {  	_ =	task [dreg:s7], $0x5FFFF  }
0xac: {  	[dreg:$0x1] =	wrdreg $0xFFFFFFFF  }
0xad: {  	[dreg:$0x0] =	wrdreg $0x60  }
0xae: {  	[dreg:$0x2] =	wrdreg s2  }
0xaf: {  	[dreg:$0x3] =	wrdreg s24  }
0xb0: {  	[dreg:$0x4] =	wrdreg $0x9  }
0xb1: {  	_ =	task.clear_ibuf [dreg:s7], $0x5FFFF;
	_ =	strace $0x90000046  }
0xb2: {  	s29 =	simm.s32 $0x9;
	_ =	strace $0x80000048  }
0xb3: {  	_ =	swait.ge [sflag:s29], $0x1  }
0xb4: {  	[sflag:s29] =	ssyncadd.s32 $0xFFFFFFFF  }
0xb5: {  	_ =	strace $0x90000048  }
0xb6: {  	_ =	sfence  }
0xb7: {  	s30 =	sld [smem:$0x0];
	_ =	sdelay $0x2  }
0xb8: {  	s31 =	sshll.u32 s1, $0xD;
	s1 =	sshrl.u32 s1, $0x2  }
0xb9: {  	s3 =	sand.u32 $0x4000, s31;
	s1 =	sadd.s32 s1, s30  }
0xba: {  	s0 =	sor.u32 s3, s0;
	s1 =	sshll.u32 s1, $0x11  }
0xbb: {  	s0 =	sor.u32 s1, s0  }
0xbc: {  	s0 =	sadd.s32 $0x8F2B, s0  }
0xbd: {  	[sflag:s0] =	ssyncadd.remote.s32 $0x1  }
0xbe: {  	_ =	sfence.sel $0xFFFF  }
0xbf: {  	[dreg:$0x0] =	wrdreg $0xFFFFFFFF;
	(pc) =	sbr.abs _section_cstart, $3  }
0xc0: {  	[dreg:$0x1] =	wrdreg $0xFFFFFFFF  }
0xc1: {  	_ =	task.clear_ibuf [dreg:s7], $0x2FFFF;
	_ =	strace $0x9FFFFFFF  }
0xc2: {  	(tm) =	ssettm $0x7FFFFFFF  }
0xc3: {  	_ =	shalt  }
tec
execute0_lowered:
.L_overlay_start_1:
0x0: {  	(tag) =	ssettag $0x1  }
0x1: {  	s1 =	rddreg [dreg:$0x0]  }
0x2: {  	s0 =	rddreg [dreg:$0x1];
	s2 =	srdreg.scid  }
0x3: {  	s3 =	simm.s32 $0x0;
	s4 =	stileid.u32;
	s14 =	simm.s32 $0x200  }
0x4: {  	s15 =	simm.s32 $0x32;
	s23 =	simm.s32 $0x6;
	s31 =	simm.s32 $0xB300  }
0x5: {  	s16 =	simm.s32 $0xE500;
	s17 =	simm.s32 $0xFE00;
	s18 =	simm.s32 $0x11700  }
0x6: {  	s19 =	simm.s32 $0x3;
	s20 =	simm.s32 $0x2;
	s21 =	simm.s32 $0x13000  }
0x7: {  	s22 =	simm.s32 $0x14900;
	s12 =	simm.s32 $0x17B00;
	s24 =	simm.s32 $0x0  }
0x8: {  	s2 =	sand.u32 $0x1, s2;
	[smem:$0x7FF] =	sst s3;
	s4 =	sshll.u32 s4, $0xA  }
0x9: {  	s6 =	sadd.s32 $0x800, s0;
	s10 =	sadd.s32 $0xB80, s0;
	s5 =	sshll.u32 s2, $0x9  }
0xa: {  	_ =	strace $0x80000047;
	s2 =	ssub.s32 $0x2, s2;
	s4 =	sor.u32 s5, s4  }
0xb: {  	s5 =	sadd.s32 $0xF42C00, s0;
	s7 =	sshrl.u32 s2, $0x1;
	s8 =	sshll.u32 s4, $0x4  }
0xc: {  	s0 =	simm.s32 $0x1;
	s2 =	ssub.s32 s2, s7;
	s29 =	sadd.s32 s1, s8  }
0xd: {  	s9 =	sor.u32 $0x8, s4;
	s30 =	smax.u32 s2, $0x1;
	[dreg:$0x3] =	wrdreg s29  }
0xe: {  	s11 =	sor.u32 $0xC, s4;
	s7 =	sadd.s32 $0x40, s29;
	[dreg:$0x5] =	wrdreg s30  }
0xf: {  	s2 =	simm.s32 $0xCC00;
	s8 =	simm.s32 $0x16200;
	[dreg:$0x4] =	wrdreg s7  }
.LBB2_1:
0x10: {  	[dreg:$0x6] =	wrdreg s24  }
0x11: {  	s7 =	rddreg [dreg:$0x3];
	s30 =	simm.s32 $0x5  }
0x12: {  	[tilespmem:s3], [sflag:$0x5] =	stream.linear.gather [hbm4b:s7+s3], $0x200, $0x38;
	[tilespmem:$0x19400] =	vst v63  }
0x13: {  	_ =	swait.ge [sflag:s30], $0x200  }
0x14: {  	[sflag:s30] =	ssyncset.done $0x0  }
0x15: {  	s13 =	rddreg [dreg:$0x4];
	[sflag:s30] =	ssyncadd.s32 $0xFFFFFE00  }
0x16: {  	[tilespmem:s14], [sflag:$0x6] =	stream.linear.gather [hbm4b:s13+s3], $0x200, $0x38;
	[tilespmem:$0x19400] =	vst v63  }
0x17: {  	s24 =	simm.s32 $0x400  }
0x18: {  	[tilespmem:s24], [sflag:$0x1] =	stream.indirect.gather [hbm4b:s5+s15], $0x80, s3, s15, $0xb8;
	[tilespmem:$0x19400] =	vst v63  }
0x19: {  	s25 =	simm.s32 $0x80;
	s13 =	simm.s32 $0x1D00  }
0x1a: {  	[tilespmem:s13], [sflag:$0x1] =	stream.indirect.gather [hbm4b:s5+s15], $0x80, s25, s15, $0xb8;
	[tilespmem:$0x19400] =	vst v63  }
0x1b: {  	s26 =	simm.s32 $0x100;
	s28 =	simm.s32 $0x3600  }
0x1c: {  	[tilespmem:s28], [sflag:$0x1] =	stream.indirect.gather [hbm4b:s5+s15], $0x80, s26, s15, $0xb8;
	[tilespmem:$0x19400] =	vst v63  }
0x1d: {  	s29 =	simm.s32 $0x180;
	s7 =	simm.s32 $0x0;
	s30 =	simm.s32 $0x4F00  }
0x1e: {  	[tilespmem:s30], [sflag:$0x1] =	stream.indirect.gather [hbm4b:s5+s15], $0x80, s29, s15, $0xb8;
	[tilespmem:$0x19400] =	vst v63  }
.LBB2_2:
0x1f: {  	p0 =	seq.s32 s7, $0x0  }
0x20: {  	s13 =	simm.s32 @!p0 $0x4  }
0x21: {  	_ =	swait.ge @!p0 [sflag:s13], $0x1900  }
0x22: {  	[sflag:s13] =	ssyncset.done @!p0 $0x0  }
0x23: {  	[sflag:s13] =	ssyncadd.s32 @!p0 $0xFFFFE700  }
0x24: {  	_ =	swait.ge @!p0 [sflag:s13], $0x1900  }
0x25: {  	[sflag:s13] =	ssyncset.done @!p0 $0x0  }
0x26: {  	[sflag:s13] =	ssyncadd.s32 @!p0 $0xFFFFE700  }
0x27: {  	_ =	swait.ge @!p0 [sflag:s13], $0x1900  }
0x28: {  	[sflag:s13] =	ssyncset.done @!p0 $0x0  }
0x29: {  	[sflag:s13] =	ssyncadd.s32 @!p0 $0xFFFFE700  }
0x2a: {  	_ =	swait.ge @!p0 [sflag:s13], $0x1900  }
0x2b: {  	[sflag:s13] =	ssyncset.done @!p0 $0x0  }
0x2c: {  	[sflag:s13] =	ssyncadd.s32 @!p0 $0xFFFFE700  }
0x2d: {  	_ =	swait.ge [sflag:s23], $0x200  }
0x2e: {  	[sflag:s23] =	ssyncset.done $0x0  }
0x2f: {  	s26 =	simm.s32 $0x6800;
	[sflag:s23] =	ssyncadd.s32 $0xFFFFFE00  }
0x30: {  	[tilespmem:s26], [sflag:$0x2] =	stream.indirect.gather [hbm4b:s5+s15], $0x80, s14, s15, $0xb8;
	[tilespmem:$0x19400] =	vst v63  }
0x31: {  	s30 =	simm.s32 $0x280;
	s24 =	simm.s32 $0x8100  }
0x32: {  	[tilespmem:s24], [sflag:$0x2] =	stream.indirect.gather [hbm4b:s5+s15], $0x80, s30, s15, $0xb8;
	[tilespmem:$0x19400] =	vst v63  }
0x33: {  	s25 =	simm.s32 $0x300;
	s26 =	simm.s32 $0x9A00  }
0x34: {  	[tilespmem:s26], [sflag:$0x2] =	stream.indirect.gather [hbm4b:s5+s15], $0x80, s25, s15, $0xb8;
	[tilespmem:$0x19400] =	vst v63  }
0x35: {  	s30 =	simm.s32 $0x380  }
0x36: {  	[tilespmem:s31], [sflag:$0x2] =	stream.indirect.gather [hbm4b:s5+s15], $0x80, s30, s15, $0xb8;
	[tilespmem:$0x19400] =	vst v63  }
0x37: {  	_ =	swait.ge [sflag:s0], $0x1900  }
0x38: {  	[sflag:s0] =	ssyncset.done $0x0  }
0x39: {  	[sflag:s0] =	ssyncadd.s32 $0xFFFFE700  }
0x3a: {  	_ =	swait.ge [sflag:s0], $0x1900  }
0x3b: {  	[sflag:s0] =	ssyncset.done $0x0  }
0x3c: {  	[sflag:s0] =	ssyncadd.s32 $0xFFFFE700  }
0x3d: {  	_ =	swait.ge [sflag:s0], $0x1900  }
0x3e: {  	[sflag:s0] =	ssyncset.done $0x0  }
0x3f: {  	p0 =	seq.s32 s7, $0x3F;
	s24 =	sshll.u32 s7, $0x3;
	[sflag:s0] =	ssyncadd.s32 $0xFFFFE700  }
0x40: {  	s13 =	sadd.s32 @!p0 s24, s9;
	_ =	swait.ge [sflag:s0], $0x1900  }
0x41: {  	s13 =	sshll.u32 @!p0 s13, $0x4;
	s25 =	simm.s32 @!p0 $0x0;
	[sflag:s0] =	ssyncset.done $0x0  }
0x42: {  	s26 =	simm.s32 $0xB0;
	s13 =	sadd.s32 @!p0 s1, s13;
	[sflag:s0] =	ssyncadd.s32 $0xFFFFE700  }
0x43: {  	[tilespmem:s25], [sflag:$0x5] =	stream.linear.gather @!p0 [hbm4b:s13+s25], $0x200, $0x38;
	[tilespmem:$0x19400] =	vst v63  }
0x44: {  	v1 =	vld [tilespmem:s26+$0x400]  }
0x45: {  	v5 =	vld [tilespmem:s26+$0x350]  }
0x46: {  	v6 =	vld [tilespmem:s26+$0x360]  }
0x47: {  	v4 =	vld [tilespmem:s26+$0x370]  }
0x48: {  	v2 =	vld [tilespmem:s26+$0x380]  }
0x49: {  	v0 =	vld [tilespmem:s26+$0x3D0];
	v7 =	vmul.f32 $8.000000000e+00, v1  }
0x4a: {  	s25 =	sor.u32 s24, s4;
	v1 =	vld [tilespmem:s26+$0x3E0];
	v5 =	vmul.f32 $8.000000000e+00, v5  }
0x4b: {  	s28 =	simm.s32 $0x1B0;
	s29 =	simm.s32 $0xAC0;
	v3 =	vld [tilespmem:s26+$0x3F0];
	s13 =	sor.u32 $0x4, s25;
	v6 =	vmul.f32 $8.000000000e+00, v6;
	[tilespmem:s26+$0xCC00] =	vst v7  }
.LBB2_3:
0x4c: {  	p1 =	sne.s32 s29, $0x62C0;
	v7 =	vld [tilespmem:s28+$0x400];
	[tilespmem:s26+$0xCB50] =	vst v5;
	v4 =	vmul.f32 $8.000000000e+00, v4  }
0x4d: {  	v5 =	vld [tilespmem:s28+$0x350];
	[tilespmem:s26+$0xCB60] =	vst v6;
	v2 =	vmul.f32 $8.000000000e+00, v2  }
0x4e: {  	v6 =	vld [tilespmem:s28+$0x360];
	[tilespmem:s26+$0xCB70] =	vst v4;
	v0 =	vmul.f32 $8.000000000e+00, v0  }
.Ltmp0:
0x4f: {  	v4 =	vld [tilespmem:s28+$0x370];
	[tilespmem:s26+$0xCB80] =	vst v2;
	v1 =	vmul.f32 $8.000000000e+00, v1;
	(pc) =	sbr.rel @p1 .LBB2_3-.Ltmp0, $4  }
0x50: {  	v2 =	vld [tilespmem:s28+$0x380];
	[tilespmem:s26+$0xCBD0] =	vst v0;
	v3 =	vmul.f32 $8.000000000e+00, v3  }
0x51: {  	v0 =	vld [tilespmem:s28+$0x3D0];
	v7 =	vmul.f32 $8.000000000e+00, v7;
	[tilespmem:s26+$0xCBE0] =	vst v1  }
0x52: {  	v5 =	vmul.f32 $8.000000000e+00, v5;
	v1 =	vld [tilespmem:s28+$0x3E0];
	[tilespmem:s26+$0xCBF0] =	vst v3;
	s26 =	smov.u32 s28  }
0x53: {  	s28 =	sshra.s32 s29, $0x2;
	s29 =	sadd.s32 $0x400, s29;
	v6 =	vmul.f32 $8.000000000e+00, v6;
	v3 =	vld [tilespmem:s26+$0x3F0];
	[tilespmem:s26+$0xCC00] =	vst v7  }
0x54: {  	v7 =	vld [tilespmem:s28+$0x400];
	[tilespmem:s26+$0xCB50] =	vst v5;
	v4 =	vmul.f32 $8.000000000e+00, v4  }
0x55: {  	v5 =	vld [tilespmem:s28+$0x350];
	[tilespmem:s26+$0xCB60] =	vst v6;
	v2 =	vmul.f32 $8.000000000e+00, v2  }
0x56: {  	v6 =	vld [tilespmem:s28+$0x360];
	[tilespmem:s26+$0xCB70] =	vst v4;
	v0 =	vmul.f32 $8.000000000e+00, v0  }
0x57: {  	v4 =	vld [tilespmem:s28+$0x370];
	[tilespmem:s26+$0xCB80] =	vst v2;
	v1 =	vmul.f32 $8.000000000e+00, v1  }
0x58: {  	v2 =	vld [tilespmem:s28+$0x380];
	[tilespmem:s26+$0xCBD0] =	vst v0;
	v3 =	vmul.f32 $8.000000000e+00, v3  }
0x59: {  	v0 =	vld [tilespmem:s28+$0x3D0];
	[tilespmem:s26+$0xCBE0] =	vst v1;
	v7 =	vmul.f32 $8.000000000e+00, v7  }
0x5a: {  	v1 =	vld [tilespmem:s28+$0x3E0];
	[tilespmem:s26+$0xCBF0] =	vst v3;
	v3 =	vmul.f32 $8.000000000e+00, v5  }
0x5b: {  	v5 =	vld [tilespmem:s28+$0x3F0];
	v6 =	vmul.f32 $8.000000000e+00, v6;
	[tilespmem:s28+$0xCC00] =	vst v7  }
0x5c: {  	[tilespmem:s28+$0xCB50] =	vst v3;
	v3 =	vmul.f32 $8.000000000e+00, v4  }
0x5d: {  	[tilespmem:s28+$0xCB60] =	vst v6;
	v2 =	vmul.f32 $8.000000000e+00, v2  }
0x5e: {  	[tilespmem:s28+$0xCB70] =	vst v3;
	v0 =	vmul.f32 $8.000000000e+00, v0  }
0x5f: {  	[tilespmem:s28+$0xCB80] =	vst v2;
	v1 =	vmul.f32 $8.000000000e+00, v1  }
0x60: {  	s26 =	smul.u32 $0x380, s25;
	[tilespmem:s28+$0xCBD0] =	vst v0;
	v0 =	vmul.f32 $8.000000000e+00, v5  }
0x61: {  	[tilespmem:s28+$0xCBE0] =	vst v1  }
0x62: {  	s29 =	simm.s32 $0x0;
	[tilespmem:s28+$0xCBF0] =	vst v0;
	s28 =	sadd.s32 s6, s26  }
0x63: {  	[hbm4b:s28+s29] =	stream.linear.scatter [tilespmem:s2], [sflag:$0x3], $0x1900, $0x38;
	[tilespmem:$0x19400] =	vst v63  }
0x64: {  	s29 =	simm.s32 $0x0  }
0x65: {  	v1 =	vld [tilespmem:s29+$0x1DB0]  }
0x66: {  	v5 =	vld [tilespmem:s29+$0x1D00]  }
0x67: {  	v6 =	vld [tilespmem:s29+$0x1D10]  }
0x68: {  	v4 =	vld [tilespmem:s29+$0x1D20]  }
0x69: {  	v3 =	vld [tilespmem:s29+$0x1D30]  }
0x6a: {  	v0 =	vld [tilespmem:s29+$0x1D80];
	v7 =	vmul.f32 $8.000000000e+00, v1  }
0x6b: {  	v1 =	vld [tilespmem:s29+$0x1D90];
	v5 =	vmul.f32 $8.000000000e+00, v5  }
0x6c: {  	s30 =	simm.s32 $0x800;
	s28 =	simm.s32 $0x100;
	v2 =	vld [tilespmem:s29+$0x1DA0];
	v6 =	vmul.f32 $8.000000000e+00, v6;
	[tilespmem:s29+$0xE5B0] =	vst v7  }
.LBB2_5:
0x6d: {  	p1 =	sne.s32 s30, $0x6000;
	v7 =	vld [tilespmem:s28+$0x1DB0];
	[tilespmem:s29+$0xE500] =	vst v5;
	v4 =	vmul.f32 $8.000000000e+00, v4  }
0x6e: {  	v5 =	vld [tilespmem:s28+$0x1D00];
	[tilespmem:s29+$0xE510] =	vst v6;
	v3 =	vmul.f32 $8.000000000e+00, v3  }
0x6f: {  	v6 =	vld [tilespmem:s28+$0x1D10];
	[tilespmem:s29+$0xE520] =	vst v4;
	v0 =	vmul.f32 $8.000000000e+00, v0  }
.Ltmp1:
0x70: {  	v4 =	vld [tilespmem:s28+$0x1D20];
	[tilespmem:s29+$0xE530] =	vst v3;
	v1 =	vmul.f32 $8.000000000e+00, v1;
	(pc) =	sbr.rel @p1 .LBB2_5-.Ltmp1, $4  }
0x71: {  	v3 =	vld [tilespmem:s28+$0x1D30];
	[tilespmem:s29+$0xE580] =	vst v0;
	v2 =	vmul.f32 $8.000000000e+00, v2  }
0x72: {  	v0 =	vld [tilespmem:s28+$0x1D80];
	v7 =	vmul.f32 $8.000000000e+00, v7;
	[tilespmem:s29+$0xE590] =	vst v1  }
0x73: {  	v5 =	vmul.f32 $8.000000000e+00, v5;
	v1 =	vld [tilespmem:s28+$0x1D90];
	[tilespmem:s29+$0xE5A0] =	vst v2;
	s29 =	smov.u32 s28  }
0x74: {  	s28 =	sshra.s32 s30, $0x2;
	s30 =	sadd.s32 $0x400, s30;
	v6 =	vmul.f32 $8.000000000e+00, v6;
	v2 =	vld [tilespmem:s29+$0x1DA0];
	[tilespmem:s29+$0xE5B0] =	vst v7  }
0x75: {  	v7 =	vld [tilespmem:s28+$0x1DB0];
	[tilespmem:s29+$0xE500] =	vst v5;
	v4 =	vmul.f32 $8.000000000e+00, v4  }
0x76: {  	v5 =	vld [tilespmem:s28+$0x1D00];
	[tilespmem:s29+$0xE510] =	vst v6;
	v3 =	vmul.f32 $8.000000000e+00, v3  }
0x77: {  	v6 =	vld [tilespmem:s28+$0x1D10];
	[tilespmem:s29+$0xE520] =	vst v4;
	v0 =	vmul.f32 $8.000000000e+00, v0  }
0x78: {  	v4 =	vld [tilespmem:s28+$0x1D20];
	[tilespmem:s29+$0xE530] =	vst v3;
	v1 =	vmul.f32 $8.000000000e+00, v1  }
0x79: {  	v3 =	vld [tilespmem:s28+$0x1D30];
	[tilespmem:s29+$0xE580] =	vst v0;
	v2 =	vmul.f32 $8.000000000e+00, v2  }
0x7a: {  	v0 =	vld [tilespmem:s28+$0x1D80];
	[tilespmem:s29+$0xE590] =	vst v1;
	v7 =	vmul.f32 $8.000000000e+00, v7  }
0x7b: {  	v1 =	vld [tilespmem:s28+$0x1D90];
	[tilespmem:s29+$0xE5A0] =	vst v2;
	v2 =	vmul.f32 $8.000000000e+00, v5  }
0x7c: {  	v5 =	vld [tilespmem:s28+$0x1DA0];
	v6 =	vmul.f32 $8.000000000e+00, v6;
	[tilespmem:s28+$0xE5B0] =	vst v7  }
0x7d: {  	[tilespmem:s28+$0xE500] =	vst v2;
	v2 =	vmul.f32 $8.000000000e+00, v4  }
0x7e: {  	[tilespmem:s28+$0xE510] =	vst v6;
	v3 =	vmul.f32 $8.000000000e+00, v3  }
0x7f: {  	[tilespmem:s28+$0xE520] =	vst v2;
	v0 =	vmul.f32 $8.000000000e+00, v0  }
0x80: {  	[tilespmem:s28+$0xE530] =	vst v3;
	v1 =	vmul.f32 $8.000000000e+00, v1  }
0x81: {  	[tilespmem:s28+$0xE580] =	vst v0;
	v0 =	vmul.f32 $8.000000000e+00, v5  }
0x82: {  	[tilespmem:s28+$0xE590] =	vst v1  }
0x83: {  	s26 =	sadd.s32 s26, s10;
	[tilespmem:s28+$0xE5A0] =	vst v0;
	s28 =	simm.s32 $0x0  }
0x84: {  	[hbm4b:s26+s28] =	stream.linear.scatter [tilespmem:s16], [sflag:$0x3], $0x1900, $0x38;
	[tilespmem:$0x19400] =	vst v63  }
0x85: {  	s28 =	simm.s32 $0x0  }
0x86: {  	v1 =	vld [tilespmem:s28+$0x36B0]  }
0x87: {  	v5 =	vld [tilespmem:s28+$0x3600]  }
0x88: {  	v6 =	vld [tilespmem:s28+$0x3610]  }
0x89: {  	v4 =	vld [tilespmem:s28+$0x3620]  }
0x8a: {  	v3 =	vld [tilespmem:s28+$0x3630]  }
0x8b: {  	v0 =	vld [tilespmem:s28+$0x3680];
	v7 =	vmul.f32 $8.000000000e+00, v1  }
0x8c: {  	v1 =	vld [tilespmem:s28+$0x3690];
	v5 =	vmul.f32 $8.000000000e+00, v5  }
0x8d: {  	s29 =	simm.s32 $0x800;
	s26 =	simm.s32 $0x100;
	v2 =	vld [tilespmem:s28+$0x36A0];
	v6 =	vmul.f32 $8.000000000e+00, v6;
	[tilespmem:s28+$0xFEB0] =	vst v7  }
.LBB2_7:
0x8e: {  	p1 =	sne.s32 s29, $0x6000;
	v7 =	vld [tilespmem:s26+$0x36B0];
	[tilespmem:s28+$0xFE00] =	vst v5;
	v4 =	vmul.f32 $8.000000000e+00, v4  }
0x8f: {  	v5 =	vld [tilespmem:s26+$0x3600];
	[tilespmem:s28+$0xFE10] =	vst v6;
	v3 =	vmul.f32 $8.000000000e+00, v3  }
0x90: {  	v6 =	vld [tilespmem:s26+$0x3610];
	[tilespmem:s28+$0xFE20] =	vst v4;
	v0 =	vmul.f32 $8.000000000e+00, v0  }
.Ltmp2:
0x91: {  	v4 =	vld [tilespmem:s26+$0x3620];
	[tilespmem:s28+$0xFE30] =	vst v3;
	v1 =	vmul.f32 $8.000000000e+00, v1;
	(pc) =	sbr.rel @p1 .LBB2_7-.Ltmp2, $4  }
0x92: {  	v3 =	vld [tilespmem:s26+$0x3630];
	[tilespmem:s28+$0xFE80] =	vst v0;
	v2 =	vmul.f32 $8.000000000e+00, v2  }
0x93: {  	v0 =	vld [tilespmem:s26+$0x3680];
	v7 =	vmul.f32 $8.000000000e+00, v7;
	[tilespmem:s28+$0xFE90] =	vst v1  }
0x94: {  	v5 =	vmul.f32 $8.000000000e+00, v5;
	v1 =	vld [tilespmem:s26+$0x3690];
	[tilespmem:s28+$0xFEA0] =	vst v2;
	s28 =	smov.u32 s26  }
0x95: {  	s26 =	sshra.s32 s29, $0x2;
	s29 =	sadd.s32 $0x400, s29;
	v6 =	vmul.f32 $8.000000000e+00, v6;
	v2 =	vld [tilespmem:s28+$0x36A0];
	[tilespmem:s28+$0xFEB0] =	vst v7  }
0x96: {  	v7 =	vld [tilespmem:s26+$0x36B0];
	[tilespmem:s28+$0xFE00] =	vst v5;
	v4 =	vmul.f32 $8.000000000e+00, v4  }
0x97: {  	v5 =	vld [tilespmem:s26+$0x3600];
	[tilespmem:s28+$0xFE10] =	vst v6;
	v3 =	vmul.f32 $8.000000000e+00, v3  }
0x98: {  	v6 =	vld [tilespmem:s26+$0x3610];
	[tilespmem:s28+$0xFE20] =	vst v4;
	v0 =	vmul.f32 $8.000000000e+00, v0  }
0x99: {  	v4 =	vld [tilespmem:s26+$0x3620];
	[tilespmem:s28+$0xFE30] =	vst v3;
	v1 =	vmul.f32 $8.000000000e+00, v1  }
0x9a: {  	v3 =	vld [tilespmem:s26+$0x3630];
	[tilespmem:s28+$0xFE80] =	vst v0;
	v2 =	vmul.f32 $8.000000000e+00, v2  }
0x9b: {  	v0 =	vld [tilespmem:s26+$0x3680];
	[tilespmem:s28+$0xFE90] =	vst v1;
	v7 =	vmul.f32 $8.000000000e+00, v7  }
0x9c: {  	v1 =	vld [tilespmem:s26+$0x3690];
	[tilespmem:s28+$0xFEA0] =	vst v2;
	v2 =	vmul.f32 $8.000000000e+00, v5  }
0x9d: {  	v5 =	vld [tilespmem:s26+$0x36A0];
	v6 =	vmul.f32 $8.000000000e+00, v6;
	[tilespmem:s26+$0xFEB0] =	vst v7  }
0x9e: {  	[tilespmem:s26+$0xFE00] =	vst v2;
	v2 =	vmul.f32 $8.000000000e+00, v4  }
0x9f: {  	[tilespmem:s26+$0xFE10] =	vst v6;
	v3 =	vmul.f32 $8.000000000e+00, v3  }
0xa0: {  	s25 =	smul.u32 $0x1C00, s25;
	[tilespmem:s26+$0xFE20] =	vst v2;
	v0 =	vmul.f32 $8.000000000e+00, v0  }
0xa1: {  	[tilespmem:s26+$0xFE30] =	vst v3;
	v1 =	vmul.f32 $8.000000000e+00, v1  }
0xa2: {  	s25 =	sshrl.u32 s25, $0x3;
	[tilespmem:s26+$0xFE80] =	vst v0;
	v0 =	vmul.f32 $8.000000000e+00, v5  }
0xa3: {  	s25 =	sadd.s32 s6, s25;
	[tilespmem:s26+$0xFE90] =	vst v1  }
0xa4: {  	s30 =	sadd.s32 $0x700, s25;
	s28 =	simm.s32 $0x0;
	[tilespmem:s26+$0xFEA0] =	vst v0  }
0xa5: {  	[hbm4b:s30+s28] =	stream.linear.scatter [tilespmem:s17], [sflag:$0x3], $0x1900, $0x38;
	[tilespmem:$0x19400] =	vst v63  }
0xa6: {  	s28 =	simm.s32 $0x0  }
0xa7: {  	v1 =	vld [tilespmem:s28+$0x4FB0]  }
0xa8: {  	v5 =	vld [tilespmem:s28+$0x4F00]  }
0xa9: {  	v6 =	vld [tilespmem:s28+$0x4F10]  }
0xaa: {  	v4 =	vld [tilespmem:s28+$0x4F20]  }
0xab: {  	v3 =	vld [tilespmem:s28+$0x4F30]  }
0xac: {  	v0 =	vld [tilespmem:s28+$0x4F80];
	v7 =	vmul.f32 $8.000000000e+00, v1  }
0xad: {  	v1 =	vld [tilespmem:s28+$0x4F90];
	v5 =	vmul.f32 $8.000000000e+00, v5  }
0xae: {  	s29 =	simm.s32 $0x800;
	s26 =	simm.s32 $0x100;
	v2 =	vld [tilespmem:s28+$0x4FA0];
	v6 =	vmul.f32 $8.000000000e+00, v6;
	[tilespmem:s28+$0x117B0] =	vst v7  }
.LBB2_9:
0xaf: {  	p1 =	sne.s32 s29, $0x6000;
	v7 =	vld [tilespmem:s26+$0x4FB0];
	[tilespmem:s28+$0x11700] =	vst v5;
	v4 =	vmul.f32 $8.000000000e+00, v4  }
0xb0: {  	v5 =	vld [tilespmem:s26+$0x4F00];
	[tilespmem:s28+$0x11710] =	vst v6;
	v3 =	vmul.f32 $8.000000000e+00, v3  }
0xb1: {  	v6 =	vld [tilespmem:s26+$0x4F10];
	[tilespmem:s28+$0x11720] =	vst v4;
	v0 =	vmul.f32 $8.000000000e+00, v0  }
.Ltmp3:
0xb2: {  	v4 =	vld [tilespmem:s26+$0x4F20];
	[tilespmem:s28+$0x11730] =	vst v3;
	v1 =	vmul.f32 $8.000000000e+00, v1;
	(pc) =	sbr.rel @p1 .LBB2_9-.Ltmp3, $4  }
0xb3: {  	v3 =	vld [tilespmem:s26+$0x4F30];
	[tilespmem:s28+$0x11780] =	vst v0;
	v2 =	vmul.f32 $8.000000000e+00, v2  }
0xb4: {  	v0 =	vld [tilespmem:s26+$0x4F80];
	v7 =	vmul.f32 $8.000000000e+00, v7;
	[tilespmem:s28+$0x11790] =	vst v1  }
0xb5: {  	v5 =	vmul.f32 $8.000000000e+00, v5;
	v1 =	vld [tilespmem:s26+$0x4F90];
	[tilespmem:s28+$0x117A0] =	vst v2;
	s28 =	smov.u32 s26  }
0xb6: {  	s26 =	sshra.s32 s29, $0x2;
	s29 =	sadd.s32 $0x400, s29;
	v6 =	vmul.f32 $8.000000000e+00, v6;
	v2 =	vld [tilespmem:s28+$0x4FA0];
	[tilespmem:s28+$0x117B0] =	vst v7  }
0xb7: {  	v7 =	vld [tilespmem:s26+$0x4FB0];
	[tilespmem:s28+$0x11700] =	vst v5;
	v4 =	vmul.f32 $8.000000000e+00, v4  }
0xb8: {  	v5 =	vld [tilespmem:s26+$0x4F00];
	[tilespmem:s28+$0x11710] =	vst v6;
	v3 =	vmul.f32 $8.000000000e+00, v3  }
0xb9: {  	v6 =	vld [tilespmem:s26+$0x4F10];
	[tilespmem:s28+$0x11720] =	vst v4;
	v0 =	vmul.f32 $8.000000000e+00, v0  }
0xba: {  	v4 =	vld [tilespmem:s26+$0x4F20];
	[tilespmem:s28+$0x11730] =	vst v3;
	v1 =	vmul.f32 $8.000000000e+00, v1  }
0xbb: {  	v3 =	vld [tilespmem:s26+$0x4F30];
	[tilespmem:s28+$0x11780] =	vst v0;
	v2 =	vmul.f32 $8.000000000e+00, v2  }
0xbc: {  	v0 =	vld [tilespmem:s26+$0x4F80];
	[tilespmem:s28+$0x11790] =	vst v1;
	v7 =	vmul.f32 $8.000000000e+00, v7  }
0xbd: {  	v1 =	vld [tilespmem:s26+$0x4F90];
	[tilespmem:s28+$0x117A0] =	vst v2;
	v2 =	vmul.f32 $8.000000000e+00, v5  }
0xbe: {  	v5 =	vld [tilespmem:s26+$0x4FA0];
	v6 =	vmul.f32 $8.000000000e+00, v6;
	[tilespmem:s26+$0x117B0] =	vst v7  }
0xbf: {  	[tilespmem:s26+$0x11700] =	vst v2;
	v2 =	vmul.f32 $8.000000000e+00, v4  }
0xc0: {  	[tilespmem:s26+$0x11710] =	vst v6;
	v3 =	vmul.f32 $8.000000000e+00, v3  }
0xc1: {  	[tilespmem:s26+$0x11720] =	vst v2;
	v0 =	vmul.f32 $8.000000000e+00, v0  }
0xc2: {  	[tilespmem:s26+$0x11730] =	vst v3;
	v1 =	vmul.f32 $8.000000000e+00, v1  }
0xc3: {  	[tilespmem:s26+$0x11780] =	vst v0;
	v0 =	vmul.f32 $8.000000000e+00, v5  }
0xc4: {  	[tilespmem:s26+$0x11790] =	vst v1  }
0xc5: {  	s25 =	sadd.s32 $0xA80, s25;
	[tilespmem:s26+$0x117A0] =	vst v0  }
0xc6: {  	[hbm4b:s25+s3] =	stream.linear.scatter [tilespmem:s18], [sflag:$0x3], $0x1900, $0x38;
	[tilespmem:$0x19400] =	vst v63  }
0xc7: {  	_ =	swait.ge [sflag:s19], $0x1900  }
0xc8: {  	[sflag:s19] =	ssyncset.done $0x0  }
0xc9: {  	[sflag:s19] =	ssyncadd.s32 $0xFFFFE700  }
0xca: {  	_ =	swait.ge [sflag:s19], $0x1900  }
0xcb: {  	[sflag:s19] =	ssyncset.done $0x0  }
0xcc: {  	[sflag:s19] =	ssyncadd.s32 $0xFFFFE700  }
0xcd: {  	_ =	swait.ge [sflag:s19], $0x1900  }
0xce: {  	[sflag:s19] =	ssyncset.done $0x0  }
0xcf: {  	[sflag:s19] =	ssyncadd.s32 $0xFFFFE700  }
0xd0: {  	_ =	swait.ge [sflag:s19], $0x1900  }
0xd1: {  	[sflag:s19] =	ssyncset.done $0x0  }
0xd2: {  	s25 =	simm.s32 @!p0 $0x5;
	[sflag:s19] =	ssyncadd.s32 $0xFFFFE700  }
0xd3: {  	_ =	swait.ge @!p0 [sflag:s25], $0x200  }
0xd4: {  	s28 =	simm.s32 @!p0 $0x400;
	[sflag:s25] =	ssyncset.done @!p0 $0x0  }
0xd5: {  	s26 =	simm.s32 @!p0 $0x0;
	[sflag:s25] =	ssyncadd.s32 @!p0 $0xFFFFFE00;
	s25 =	simm.s32 @!p0 $0x32  }
0xd6: {  	[tilespmem:s28], [sflag:$0x1] =	stream.indirect.gather @!p0 [hbm4b:s5+s25], $0x80, s26, s25, $0xb8;
	[tilespmem:$0x19400] =	vst v63  }
0xd7: {  	s29 =	simm.s32 @!p0 $0x1D00;
	s28 =	simm.s32 @!p0 $0x80  }
0xd8: {  	[tilespmem:s29], [sflag:$0x1] =	stream.indirect.gather @!p0 [hbm4b:s5+s25], $0x80, s28, s25, $0xb8;
	[tilespmem:$0x19400] =	vst v63  }
0xd9: {  	s28 =	simm.s32 @!p0 $0x100;
	s29 =	simm.s32 @!p0 $0x3600  }
0xda: {  	[tilespmem:s29], [sflag:$0x1] =	stream.indirect.gather @!p0 [hbm4b:s5+s25], $0x80, s28, s25, $0xb8;
	[tilespmem:$0x19400] =	vst v63  }
0xdb: {  	s28 =	simm.s32 @!p0 $0x180;
	s29 =	simm.s32 @!p0 $0x4F00  }
0xdc: {  	[tilespmem:s29], [sflag:$0x1] =	stream.indirect.gather @!p0 [hbm4b:s5+s25], $0x80, s28, s25, $0xb8;
	[tilespmem:$0x19400] =	vst v63  }
0xdd: {  	_ =	swait.ge [sflag:s20], $0x1900  }
0xde: {  	[sflag:s20] =	ssyncset.done $0x0  }
0xdf: {  	[sflag:s20] =	ssyncadd.s32 $0xFFFFE700  }
0xe0: {  	_ =	swait.ge [sflag:s20], $0x1900  }
0xe1: {  	[sflag:s20] =	ssyncset.done $0x0  }
0xe2: {  	[sflag:s20] =	ssyncadd.s32 $0xFFFFE700  }
0xe3: {  	_ =	swait.ge [sflag:s20], $0x1900  }
0xe4: {  	[sflag:s20] =	ssyncset.done $0x0  }
0xe5: {  	[sflag:s20] =	ssyncadd.s32 $0xFFFFE700  }
0xe6: {  	s24 =	sadd.s32 @!p0 s24, s11;
	_ =	swait.ge [sflag:s20], $0x1900  }
0xe7: {  	s24 =	sshll.u32 @!p0 s24, $0x4;
	[sflag:s20] =	ssyncset.done $0x0  }
0xe8: {  	s24 =	sadd.s32 @!p0 s1, s24;
	s25 =	simm.s32 @!p0 $0x200;
	[sflag:s20] =	ssyncadd.s32 $0xFFFFE700  }
0xe9: {  	[tilespmem:s25], [sflag:$0x6] =	stream.linear.gather @!p0 [hbm4b:s24+s26], $0x200, $0x38;
	[tilespmem:$0x19400] =	vst v63  }
0xea: {  	s25 =	simm.s32 $0xB0  }
0xeb: {  	v1 =	vld [tilespmem:s25+$0x6800]  }
0xec: {  	v5 =	vld [tilespmem:s25+$0x6750]  }
0xed: {  	v6 =	vld [tilespmem:s25+$0x6760]  }
0xee: {  	v4 =	vld [tilespmem:s25+$0x6770]  }
0xef: {  	v3 =	vld [tilespmem:s25+$0x6780]  }
0xf0: {  	v0 =	vld [tilespmem:s25+$0x67D0];
	v7 =	vmul.f32 $8.000000000e+00, v1  }
0xf1: {  	v1 =	vld [tilespmem:s25+$0x67E0];
	v5 =	vmul.f32 $8.000000000e+00, v5  }
0xf2: {  	s24 =	simm.s32 $0x1B0;
	s26 =	simm.s32 $0xAC0;
	v2 =	vld [tilespmem:s25+$0x67F0];
	v6 =	vmul.f32 $8.000000000e+00, v6;
	[tilespmem:s25+$0x13000] =	vst v7  }
.LBB2_11:
0xf3: {  	p0 =	sne.s32 s26, $0x62C0;
	v7 =	vld [tilespmem:s24+$0x6800];
	[tilespmem:s25+$0x12F50] =	vst v5;
	v4 =	vmul.f32 $8.000000000e+00, v4  }
0xf4: {  	v5 =	vld [tilespmem:s24+$0x6750];
	[tilespmem:s25+$0x12F60] =	vst v6;
	v3 =	vmul.f32 $8.000000000e+00, v3  }
0xf5: {  	v6 =	vld [tilespmem:s24+$0x6760];
	[tilespmem:s25+$0x12F70] =	vst v4;
	v0 =	vmul.f32 $8.000000000e+00, v0  }
.Ltmp4:
0xf6: {  	v4 =	vld [tilespmem:s24+$0x6770];
	[tilespmem:s25+$0x12F80] =	vst v3;
	v1 =	vmul.f32 $8.000000000e+00, v1;
	(pc) =	sbr.rel @p0 .LBB2_11-.Ltmp4, $4  }
0xf7: {  	v3 =	vld [tilespmem:s24+$0x6780];
	[tilespmem:s25+$0x12FD0] =	vst v0;
	v2 =	vmul.f32 $8.000000000e+00, v2  }
0xf8: {  	v0 =	vld [tilespmem:s24+$0x67D0];
	v7 =	vmul.f32 $8.000000000e+00, v7;
	[tilespmem:s25+$0x12FE0] =	vst v1  }
0xf9: {  	v5 =	vmul.f32 $8.000000000e+00, v5;
	v1 =	vld [tilespmem:s24+$0x67E0];
	[tilespmem:s25+$0x12FF0] =	vst v2;
	s25 =	smov.u32 s24  }
0xfa: {  	s24 =	sshra.s32 s26, $0x2;
	s26 =	sadd.s32 $0x400, s26;
	v6 =	vmul.f32 $8.000000000e+00, v6;
	v2 =	vld [tilespmem:s25+$0x67F0];
	[tilespmem:s25+$0x13000] =	vst v7  }
0xfb: {  	v7 =	vld [tilespmem:s24+$0x6800];
	[tilespmem:s25+$0x12F50] =	vst v5;
	v4 =	vmul.f32 $8.000000000e+00, v4  }
0xfc: {  	v5 =	vld [tilespmem:s24+$0x6750];
	[tilespmem:s25+$0x12F60] =	vst v6;
	v3 =	vmul.f32 $8.000000000e+00, v3  }
0xfd: {  	v6 =	vld [tilespmem:s24+$0x6760];
	[tilespmem:s25+$0x12F70] =	vst v4;
	v0 =	vmul.f32 $8.000000000e+00, v0  }
0xfe: {  	v4 =	vld [tilespmem:s24+$0x6770];
	[tilespmem:s25+$0x12F80] =	vst v3;
	v1 =	vmul.f32 $8.000000000e+00, v1  }
0xff: {  	v3 =	vld [tilespmem:s24+$0x6780];
	[tilespmem:s25+$0x12FD0] =	vst v0;
	v2 =	vmul.f32 $8.000000000e+00, v2  }
0x100: {  	v0 =	vld [tilespmem:s24+$0x67D0];
	[tilespmem:s25+$0x12FE0] =	vst v1;
	v7 =	vmul.f32 $8.000000000e+00, v7  }
0x101: {  	v1 =	vld [tilespmem:s24+$0x67E0];
	[tilespmem:s25+$0x12FF0] =	vst v2;
	v2 =	vmul.f32 $8.000000000e+00, v5  }
0x102: {  	v5 =	vld [tilespmem:s24+$0x67F0];
	v6 =	vmul.f32 $8.000000000e+00, v6;
	[tilespmem:s24+$0x13000] =	vst v7  }
0x103: {  	[tilespmem:s24+$0x12F50] =	vst v2;
	v2 =	vmul.f32 $8.000000000e+00, v4  }
0x104: {  	[tilespmem:s24+$0x12F60] =	vst v6;
	v3 =	vmul.f32 $8.000000000e+00, v3  }
0x105: {  	[tilespmem:s24+$0x12F70] =	vst v2;
	v0 =	vmul.f32 $8.000000000e+00, v0  }
0x106: {  	[tilespmem:s24+$0x12F80] =	vst v3;
	v1 =	vmul.f32 $8.000000000e+00, v1  }
0x107: {  	s28 =	smul.u32 $0x380, s13;
	[tilespmem:s24+$0x12FD0] =	vst v0;
	v0 =	vmul.f32 $8.000000000e+00, v5  }
0x108: {  	[tilespmem:s24+$0x12FE0] =	vst v1  }
0x109: {  	s30 =	simm.s32 $0x0;
	s29 =	sadd.s32 s6, s28;
	s25 =	simm.s32 $0x0;
	[tilespmem:s24+$0x12FF0] =	vst v0  }
0x10a: {  	[hbm4b:s29+s30] =	stream.linear.scatter [tilespmem:s21], [sflag:$0x4], $0x1900, $0x38;
	[tilespmem:$0x19400] =	vst v63  }
0x10b: {  	v1 =	vld [tilespmem:s25+$0x81B0]  }
0x10c: {  	v5 =	vld [tilespmem:s25+$0x8100]  }
0x10d: {  	v6 =	vld [tilespmem:s25+$0x8110]  }
0x10e: {  	v4 =	vld [tilespmem:s25+$0x8120]  }
0x10f: {  	v3 =	vld [tilespmem:s25+$0x8130]  }
0x110: {  	v0 =	vld [tilespmem:s25+$0x8180];
	v7 =	vmul.f32 $8.000000000e+00, v1  }
0x111: {  	v1 =	vld [tilespmem:s25+$0x8190];
	v5 =	vmul.f32 $8.000000000e+00, v5  }
0x112: {  	s26 =	simm.s32 $0x800;
	s24 =	simm.s32 $0x100;
	v2 =	vld [tilespmem:s25+$0x81A0];
	v6 =	vmul.f32 $8.000000000e+00, v6;
	[tilespmem:s25+$0x149B0] =	vst v7  }
.LBB2_13:
0x113: {  	p0 =	sne.s32 s26, $0x6000;
	v7 =	vld [tilespmem:s24+$0x81B0];
	[tilespmem:s25+$0x14900] =	vst v5;
	v4 =	vmul.f32 $8.000000000e+00, v4  }
0x114: {  	v5 =	vld [tilespmem:s24+$0x8100];
	[tilespmem:s25+$0x14910] =	vst v6;
	v3 =	vmul.f32 $8.000000000e+00, v3  }
0x115: {  	v6 =	vld [tilespmem:s24+$0x8110];
	[tilespmem:s25+$0x14920] =	vst v4;
	v0 =	vmul.f32 $8.000000000e+00, v0  }
.Ltmp5:
0x116: {  	v4 =	vld [tilespmem:s24+$0x8120];
	[tilespmem:s25+$0x14930] =	vst v3;
	v1 =	vmul.f32 $8.000000000e+00, v1;
	(pc) =	sbr.rel @p0 .LBB2_13-.Ltmp5, $4  }
0x117: {  	v3 =	vld [tilespmem:s24+$0x8130];
	[tilespmem:s25+$0x14980] =	vst v0;
	v2 =	vmul.f32 $8.000000000e+00, v2  }
0x118: {  	v0 =	vld [tilespmem:s24+$0x8180];
	v7 =	vmul.f32 $8.000000000e+00, v7;
	[tilespmem:s25+$0x14990] =	vst v1  }
0x119: {  	v5 =	vmul.f32 $8.000000000e+00, v5;
	v1 =	vld [tilespmem:s24+$0x8190];
	[tilespmem:s25+$0x149A0] =	vst v2;
	s25 =	smov.u32 s24  }
0x11a: {  	s24 =	sshra.s32 s26, $0x2;
	s26 =	sadd.s32 $0x400, s26;
	v6 =	vmul.f32 $8.000000000e+00, v6;
	v2 =	vld [tilespmem:s25+$0x81A0];
	[tilespmem:s25+$0x149B0] =	vst v7  }
0x11b: {  	v7 =	vld [tilespmem:s24+$0x81B0];
	[tilespmem:s25+$0x14900] =	vst v5;
	v4 =	vmul.f32 $8.000000000e+00, v4  }
0x11c: {  	v5 =	vld [tilespmem:s24+$0x8100];
	[tilespmem:s25+$0x14910] =	vst v6;
	v3 =	vmul.f32 $8.000000000e+00, v3  }
0x11d: {  	v6 =	vld [tilespmem:s24+$0x8110];
	[tilespmem:s25+$0x14920] =	vst v4;
	v0 =	vmul.f32 $8.000000000e+00, v0  }
0x11e: {  	v4 =	vld [tilespmem:s24+$0x8120];
	[tilespmem:s25+$0x14930] =	vst v3;
	v1 =	vmul.f32 $8.000000000e+00, v1  }
0x11f: {  	v3 =	vld [tilespmem:s24+$0x8130];
	[tilespmem:s25+$0x14980] =	vst v0;
	v2 =	vmul.f32 $8.000000000e+00, v2  }
0x120: {  	v0 =	vld [tilespmem:s24+$0x8180];
	[tilespmem:s25+$0x14990] =	vst v1;
	v7 =	vmul.f32 $8.000000000e+00, v7  }
0x121: {  	v1 =	vld [tilespmem:s24+$0x8190];
	[tilespmem:s25+$0x149A0] =	vst v2;
	v2 =	vmul.f32 $8.000000000e+00, v5  }
0x122: {  	v5 =	vld [tilespmem:s24+$0x81A0];
	v6 =	vmul.f32 $8.000000000e+00, v6;
	[tilespmem:s24+$0x149B0] =	vst v7  }
0x123: {  	[tilespmem:s24+$0x14900] =	vst v2;
	v2 =	vmul.f32 $8.000000000e+00, v4  }
0x124: {  	[tilespmem:s24+$0x14910] =	vst v6;
	v3 =	vmul.f32 $8.000000000e+00, v3  }
0x125: {  	s13 =	smul.u32 $0x1C00, s13;
	[tilespmem:s24+$0x14920] =	vst v2;
	v0 =	vmul.f32 $8.000000000e+00, v0  }
0x126: {  	[tilespmem:s24+$0x14930] =	vst v3;
	v1 =	vmul.f32 $8.000000000e+00, v1  }
0x127: {  	s13 =	sshrl.u32 s13, $0x3;
	[tilespmem:s24+$0x14980] =	vst v0;
	v0 =	vmul.f32 $8.000000000e+00, v5  }
0x128: {  	s13 =	sadd.s32 s6, s13;
	[tilespmem:s24+$0x14990] =	vst v1  }
0x129: {  	s30 =	simm.s32 $0x0;
	s29 =	sadd.s32 $0x380, s13;
	s25 =	simm.s32 $0x0;
	[tilespmem:s24+$0x149A0] =	vst v0  }
0x12a: {  	[hbm4b:s29+s30] =	stream.linear.scatter [tilespmem:s22], [sflag:$0x4], $0x1900, $0x38;
	[tilespmem:$0x19400] =	vst v63  }
0x12b: {  	v1 =	vld [tilespmem:s25+$0x9AB0]  }
0x12c: {  	v5 =	vld [tilespmem:s25+$0x9A00]  }
0x12d: {  	v6 =	vld [tilespmem:s25+$0x9A10]  }
0x12e: {  	v4 =	vld [tilespmem:s25+$0x9A20]  }
0x12f: {  	v3 =	vld [tilespmem:s25+$0x9A30]  }
0x130: {  	v0 =	vld [tilespmem:s25+$0x9A80];
	v7 =	vmul.f32 $8.000000000e+00, v1  }
0x131: {  	v1 =	vld [tilespmem:s25+$0x9A90];
	v5 =	vmul.f32 $8.000000000e+00, v5  }
0x132: {  	s26 =	simm.s32 $0x800;
	s24 =	simm.s32 $0x100;
	v2 =	vld [tilespmem:s25+$0x9AA0];
	v6 =	vmul.f32 $8.000000000e+00, v6;
	[tilespmem:s25+$0x162B0] =	vst v7  }
.LBB2_15:
0x133: {  	p0 =	sne.s32 s26, $0x6000;
	v7 =	vld [tilespmem:s24+$0x9AB0];
	[tilespmem:s25+$0x16200] =	vst v5;
	v4 =	vmul.f32 $8.000000000e+00, v4  }
0x134: {  	v5 =	vld [tilespmem:s24+$0x9A00];
	[tilespmem:s25+$0x16210] =	vst v6;
	v3 =	vmul.f32 $8.000000000e+00, v3  }
0x135: {  	v6 =	vld [tilespmem:s24+$0x9A10];
	[tilespmem:s25+$0x16220] =	vst v4;
	v0 =	vmul.f32 $8.000000000e+00, v0  }
.Ltmp6:
0x136: {  	v4 =	vld [tilespmem:s24+$0x9A20];
	[tilespmem:s25+$0x16230] =	vst v3;
	v1 =	vmul.f32 $8.000000000e+00, v1;
	(pc) =	sbr.rel @p0 .LBB2_15-.Ltmp6, $4  }
0x137: {  	v3 =	vld [tilespmem:s24+$0x9A30];
	[tilespmem:s25+$0x16280] =	vst v0;
	v2 =	vmul.f32 $8.000000000e+00, v2  }
0x138: {  	v0 =	vld [tilespmem:s24+$0x9A80];
	v7 =	vmul.f32 $8.000000000e+00, v7;
	[tilespmem:s25+$0x16290] =	vst v1  }
0x139: {  	v5 =	vmul.f32 $8.000000000e+00, v5;
	v1 =	vld [tilespmem:s24+$0x9A90];
	[tilespmem:s25+$0x162A0] =	vst v2;
	s25 =	smov.u32 s24  }
0x13a: {  	s24 =	sshra.s32 s26, $0x2;
	s26 =	sadd.s32 $0x400, s26;
	v6 =	vmul.f32 $8.000000000e+00, v6;
	v2 =	vld [tilespmem:s25+$0x9AA0];
	[tilespmem:s25+$0x162B0] =	vst v7  }
0x13b: {  	v7 =	vld [tilespmem:s24+$0x9AB0];
	[tilespmem:s25+$0x16200] =	vst v5;
	v4 =	vmul.f32 $8.000000000e+00, v4  }
0x13c: {  	v5 =	vld [tilespmem:s24+$0x9A00];
	[tilespmem:s25+$0x16210] =	vst v6;
	v3 =	vmul.f32 $8.000000000e+00, v3  }
0x13d: {  	v6 =	vld [tilespmem:s24+$0x9A10];
	[tilespmem:s25+$0x16220] =	vst v4;
	v0 =	vmul.f32 $8.000000000e+00, v0  }
0x13e: {  	v4 =	vld [tilespmem:s24+$0x9A20];
	[tilespmem:s25+$0x16230] =	vst v3;
	v1 =	vmul.f32 $8.000000000e+00, v1  }
0x13f: {  	v3 =	vld [tilespmem:s24+$0x9A30];
	[tilespmem:s25+$0x16280] =	vst v0;
	v2 =	vmul.f32 $8.000000000e+00, v2  }
0x140: {  	v0 =	vld [tilespmem:s24+$0x9A80];
	[tilespmem:s25+$0x16290] =	vst v1;
	v7 =	vmul.f32 $8.000000000e+00, v7  }
0x141: {  	v1 =	vld [tilespmem:s24+$0x9A90];
	[tilespmem:s25+$0x162A0] =	vst v2;
	v2 =	vmul.f32 $8.000000000e+00, v5  }
0x142: {  	v5 =	vld [tilespmem:s24+$0x9AA0];
	v6 =	vmul.f32 $8.000000000e+00, v6;
	[tilespmem:s24+$0x162B0] =	vst v7  }
0x143: {  	[tilespmem:s24+$0x16200] =	vst v2;
	v2 =	vmul.f32 $8.000000000e+00, v4  }
0x144: {  	[tilespmem:s24+$0x16210] =	vst v6;
	v3 =	vmul.f32 $8.000000000e+00, v3  }
0x145: {  	[tilespmem:s24+$0x16220] =	vst v2;
	v0 =	vmul.f32 $8.000000000e+00, v0  }
0x146: {  	[tilespmem:s24+$0x16230] =	vst v3;
	v1 =	vmul.f32 $8.000000000e+00, v1  }
0x147: {  	[tilespmem:s24+$0x16280] =	vst v0;
	v0 =	vmul.f32 $8.000000000e+00, v5  }
0x148: {  	[tilespmem:s24+$0x16290] =	vst v1  }
0x149: {  	s29 =	sadd.s32 $0x700, s13;
	s30 =	simm.s32 $0x0;
	s25 =	simm.s32 $0x0;
	[tilespmem:s24+$0x162A0] =	vst v0  }
0x14a: {  	[hbm4b:s29+s30] =	stream.linear.scatter [tilespmem:s8], [sflag:$0x4], $0x1900, $0x38;
	[tilespmem:$0x19400] =	vst v63  }
0x14b: {  	v1 =	vld [tilespmem:s25+$0xB3B0]  }
0x14c: {  	v5 =	vld [tilespmem:s25+$0xB300]  }
0x14d: {  	v6 =	vld [tilespmem:s25+$0xB310]  }
0x14e: {  	v4 =	vld [tilespmem:s25+$0xB320]  }
0x14f: {  	v3 =	vld [tilespmem:s25+$0xB330]  }
0x150: {  	v0 =	vld [tilespmem:s25+$0xB380];
	v7 =	vmul.f32 $8.000000000e+00, v1  }
0x151: {  	v1 =	vld [tilespmem:s25+$0xB390];
	v5 =	vmul.f32 $8.000000000e+00, v5  }
0x152: {  	s26 =	simm.s32 $0x800;
	s24 =	simm.s32 $0x100;
	v2 =	vld [tilespmem:s25+$0xB3A0];
	v6 =	vmul.f32 $8.000000000e+00, v6;
	[tilespmem:s25+$0x17BB0] =	vst v7  }
.LBB2_17:
0x153: {  	p0 =	sne.s32 s26, $0x6000;
	v7 =	vld [tilespmem:s24+$0xB3B0];
	[tilespmem:s25+$0x17B00] =	vst v5;
	v4 =	vmul.f32 $8.000000000e+00, v4  }
0x154: {  	v5 =	vld [tilespmem:s24+$0xB300];
	[tilespmem:s25+$0x17B10] =	vst v6;
	v3 =	vmul.f32 $8.000000000e+00, v3  }
0x155: {  	v6 =	vld [tilespmem:s24+$0xB310];
	[tilespmem:s25+$0x17B20] =	vst v4;
	v0 =	vmul.f32 $8.000000000e+00, v0  }
.Ltmp7:
0x156: {  	v4 =	vld [tilespmem:s24+$0xB320];
	[tilespmem:s25+$0x17B30] =	vst v3;
	v1 =	vmul.f32 $8.000000000e+00, v1;
	(pc) =	sbr.rel @p0 .LBB2_17-.Ltmp7, $4  }
0x157: {  	v3 =	vld [tilespmem:s24+$0xB330];
	[tilespmem:s25+$0x17B80] =	vst v0;
	v2 =	vmul.f32 $8.000000000e+00, v2  }
0x158: {  	v0 =	vld [tilespmem:s24+$0xB380];
	v7 =	vmul.f32 $8.000000000e+00, v7;
	[tilespmem:s25+$0x17B90] =	vst v1  }
0x159: {  	v5 =	vmul.f32 $8.000000000e+00, v5;
	v1 =	vld [tilespmem:s24+$0xB390];
	[tilespmem:s25+$0x17BA0] =	vst v2;
	s25 =	smov.u32 s24  }
0x15a: {  	s24 =	sshra.s32 s26, $0x2;
	s26 =	sadd.s32 $0x400, s26;
	v6 =	vmul.f32 $8.000000000e+00, v6;
	v2 =	vld [tilespmem:s25+$0xB3A0];
	[tilespmem:s25+$0x17BB0] =	vst v7  }
0x15b: {  	v7 =	vld [tilespmem:s24+$0xB3B0];
	[tilespmem:s25+$0x17B00] =	vst v5;
	v4 =	vmul.f32 $8.000000000e+00, v4  }
0x15c: {  	v5 =	vld [tilespmem:s24+$0xB300];
	[tilespmem:s25+$0x17B10] =	vst v6;
	v3 =	vmul.f32 $8.000000000e+00, v3  }
0x15d: {  	v6 =	vld [tilespmem:s24+$0xB310];
	[tilespmem:s25+$0x17B20] =	vst v4;
	v0 =	vmul.f32 $8.000000000e+00, v0  }
0x15e: {  	v4 =	vld [tilespmem:s24+$0xB320];
	[tilespmem:s25+$0x17B30] =	vst v3;
	v1 =	vmul.f32 $8.000000000e+00, v1  }
0x15f: {  	v3 =	vld [tilespmem:s24+$0xB330];
	[tilespmem:s25+$0x17B80] =	vst v0;
	v2 =	vmul.f32 $8.000000000e+00, v2  }
0x160: {  	v0 =	vld [tilespmem:s24+$0xB380];
	[tilespmem:s25+$0x17B90] =	vst v1;
	v7 =	vmul.f32 $8.000000000e+00, v7  }
0x161: {  	v1 =	vld [tilespmem:s24+$0xB390];
	[tilespmem:s25+$0x17BA0] =	vst v2;
	v60 =	vmul.f32 $8.000000000e+00, v5  }
0x162: {  	v61 =	vld [tilespmem:s24+$0xB3A0];
	v6 =	vmul.f32 $8.000000000e+00, v6;
	[tilespmem:s24+$0x17BB0] =	vst v7  }
0x163: {  	[tilespmem:s24+$0x17B00] =	vst v60;
	v62 =	vmul.f32 $8.000000000e+00, v4  }
0x164: {  	s7 =	sadd.s32 $0x1, s7;
	[tilespmem:s24+$0x17B10] =	vst v6;
	v3 =	vmul.f32 $8.000000000e+00, v3  }
0x165: {  	p0 =	sne.s32 s7, $0x40;
	[tilespmem:s24+$0x17B20] =	vst v62;
	v0 =	vmul.f32 $8.000000000e+00, v0  }
.Ltmp8:
0x166: {  	[tilespmem:s24+$0x17B30] =	vst v3;
	v1 =	vmul.f32 $8.000000000e+00, v1;
	(pc) =	sbr.rel @p0 .LBB2_2-.Ltmp8, $4  }
0x167: {  	[tilespmem:s24+$0x17B80] =	vst v0;
	v63 =	vmul.f32 $8.000000000e+00, v61  }
0x168: {  	[tilespmem:s24+$0x17B90] =	vst v1  }
0x169: {  	s13 =	sadd.s32 $0xA80, s13;
	[tilespmem:s24+$0x17BA0] =	vst v63  }
0x16a: {  	[hbm4b:s13+s3] =	stream.linear.scatter [tilespmem:s12], [sflag:$0x4], $0x1900, $0x38;
	[tilespmem:$0x19400] =	vst v63  }
0x16b: {  	s13 =	simm.s32 $0x4  }
0x16c: {  	_ =	swait.ge [sflag:s13], $0x1900  }
0x16d: {  	[sflag:s13] =	ssyncset.done $0x0  }
0x16e: {  	[sflag:s13] =	ssyncadd.s32 $0xFFFFE700  }
0x16f: {  	_ =	swait.ge [sflag:s13], $0x1900  }
0x170: {  	[sflag:s13] =	ssyncset.done $0x0  }
0x171: {  	[sflag:s13] =	ssyncadd.s32 $0xFFFFE700  }
0x172: {  	_ =	swait.ge [sflag:s13], $0x1900  }
0x173: {  	[sflag:s13] =	ssyncset.done $0x0  }
0x174: {  	[sflag:s13] =	ssyncadd.s32 $0xFFFFE700  }
0x175: {  	_ =	swait.ge [sflag:s13], $0x1900  }
0x176: {  	s24 =	rddreg [dreg:$0x6]  }
0x177: {  	s7 =	rddreg [dreg:$0x5];
	s24 =	sadd.s32 $0x1, s24  }
0x178: {  	p0 =	sne.s32 s24, s7  }
.Ltmp9:
0x179: {  	_ = 	snop;
	(pc) =	sbr.rel @p0 .LBB2_1-.Ltmp9, $3  }
0x17a: {  	_ =	sdelay $0x1  }
0x17b: {  	[sflag:s13] =	ssyncset.done $0x0  }
0x17c: {  	[sflag:s13] =	ssyncadd.s32 $0xFFFFE700  }
0x17d: {  	_ =	sfence.sel $0x180000  }
0x17e: {  	[bflag:$0x0] =	sbarrier.arrive $0xFFFF  }
0x17f: {  	_ =	strace $0x90000047  }
0x180: {  	s0 =	stileid.u32;
	[bflag:$0x2] =	sbarrier.arrive $0xFFFF  }
0x181: {  	p0 =	sne.s32 s0, $0x0;
	s0 =	rddreg [dreg:$0x2]  }
0x182: {  	s0 =	sadd.s32 @!p0 $0x100000, s0  }
0x183: {  	[sflag:s0] =	ssyncadd.tile.s32 @!p0 $0x1;
	_ =	shalt  }
.Lfunc_end2:
_tile_overlayer_lowered:
.L_overlay_start_2:
0x184: {  	(tag) =	ssettag $0x2  }
0x185: {  	s0 =	rddreg [dreg:$0x0];
	s2 =	stileid.u32  }
0x186: {  	s1 =	rddreg [dreg:$0x1];
	p0 =	sne.s32 s2, $0x0  }
0x187: {  	s3 =	rddreg [dreg:$0x2];
	[bflag:$0x3] =	sbarrier.arrive $0xFFFF;
	s2 =	simm.s32 @!p0 $0x1C07  }
0x188: {  	[timem:s3], [sflag:s2] =	dma.local @!p0 [hbm:s0], s1  }
0x189: {  	s0 =	simm.s32 @!p0 $0x7  }
0x18a: {  	_ =	swait.ge @!p0 [sflag:s0], s1  }
0x18b: {  	s1 =	ssub.s32 @!p0 $0x0, s1;
	[sflag:s0] =	ssyncset.done @!p0 $0x0  }
0x18c: {  	[sflag:s0] =	ssyncadd.s32 @!p0 s1  }
0x18d: {  	[bflag:$0x3] =	sbarrier.arrive $0xFFFF  }
0x18e: {  	_ =	shalt  }

</sc_bundles>
